<compile_context>
chip_gen: v7x
topology: tpu7x:2x2x1
jax: 0.10.2.dev20260603
libtpu: 0.0.44.dev20260713+nightly
codegen_flags: <defaults>
</compile_context>

<pallas_src>
import functools

import jax
import jax.numpy as jnp
from jax import lax
from jax.experimental import pallas as pl
from jax.experimental.pallas import tpu as pltpu
from jax.experimental.pallas import tpu_sc as plsc

B = 8
N = 2048
K = 16
A = 4
CH = 28
L = 16
NWORKERS = 32
QPT = (B * N) // NWORKERS
QB = 16

_mesh = plsc.VectorSubcoreMesh(core_axis_name="c", subcore_axis_name="s")


def _worker_id():
    return lax.axis_index("s") * 2 + lax.axis_index("c")


def _splat(x, dtype=jnp.int32):
    return jnp.broadcast_to(jnp.asarray(x, dtype), (L,))


def _bf16_round(v):
    b = plsc.bitcast(v, jnp.int32)
    lsb = (b >> 16) & 1
    r = (b + 0x7FFF + lsb) & jnp.int32(-65536)
    return plsc.bitcast(r, jnp.float32)


@functools.partial(
    pl.kernel,
    mesh=_mesh,
    compiler_params=pltpu.CompilerParams(needs_layout_passes=False, use_tc_tiling_on_sc=False),
    out_type=[
        jax.ShapeDtypeStruct((B, N, K), jnp.int32),
        jax.ShapeDtypeStruct((B, N, K), jnp.float32),
    ],
    scratch_types=[
        pltpu.VMEM((N, 3), jnp.float32),
        pltpu.VMEM((N,), jnp.float32),
        pltpu.VMEM((N,), jnp.float32),
        pltpu.VMEM((N,), jnp.float32),
        pltpu.VMEM((N,), jnp.float32),
        pltpu.VMEM((QPT, K), jnp.int32),
        pltpu.VMEM((QPT, K), jnp.float32),
    ],
)
def _topk_kernel(xyz_hbm, idx_hbm, d2_hbm,
                 xyzv, x2v, xbv, ybv, zbv, oidx, od2):
    wid = _worker_id()
    b = wid // (N // QPT)
    base = (wid % (N // QPT)) * QPT
    pltpu.sync_copy(xyz_hbm.at[b], xyzv)
    iota = lax.iota(jnp.int32, L)
    inf = jnp.broadcast_to(jnp.float32(jnp.inf), (L,))

    def build(c, carry):
        s = c * L
        m = iota + _splat(s)
        xs = plsc.load_gather(xyzv, [m, _splat(0)])
        ys = plsc.load_gather(xyzv, [m, _splat(1)])
        zs = plsc.load_gather(xyzv, [m, _splat(2)])
        x2v[pl.ds(s, L)] = xs * xs + ys * ys + zs * zs
        xbv[pl.ds(s, L)] = _bf16_round(xs)
        ybv[pl.ds(s, L)] = _bf16_round(ys)
        zbv[pl.ds(s, L)] = _bf16_round(zs)
        return carry

    lax.fori_loop(0, N // L, build, 0)

    GQ = 4

    def per_group(g, carry):
        n0 = base + g * GQ
        qs = []
        for t in range(GQ):
            nsp = _splat(n0 + t)
            qs.append((plsc.load_gather(x2v, [nsp]),
                       plsc.load_gather(xbv, [nsp]),
                       plsc.load_gather(ybv, [nsp]),
                       plsc.load_gather(zbv, [nsp])))

        def chunk(j, st):
            s = j * L
            xb = xbv[pl.ds(s, L)]
            yb = ybv[pl.ds(s, L)]
            zb = zbv[pl.ds(s, L)]
            c2 = x2v[pl.ds(s, L)]
            d2s, hits = [], []
            anyhit = None
            for t in range(GQ):
                q2, qx, qy, qz = qs[t]
                dot = xb * qx + yb * qy + zb * qz
                d2 = jnp.maximum((q2 + c2) - 2.0 * dot, 0.0)
                d2s.append(d2)
                m = d2 < st[t][2]
                hits.append(m)
                anyhit = m if anyhit is None else (anyhit | m)

            def do_merges(st):
                out = []
                for t in range(GQ):
                    def merge_t(stt, t=t):
                        T, TI, _ = stt
                        ck, ci = plsc.sort_key_val(d2s[t], iota + _splat(s))
                        rk = lax.rev(ck, (0,))
                        ri = lax.rev(ci, (0,))
                        m = jnp.where(T <= rk, jnp.int32(-1), jnp.int32(0))
                        tb = plsc.bitcast(T, jnp.int32)
                        rb = plsc.bitcast(rk, jnp.int32)
                        nk = plsc.bitcast((tb & m) | (rb & ~m), jnp.float32)
                        ni = (TI & m) | (ri & ~m)
                        T2, TI2 = plsc.sort_key_val(nk, ni)
                        return T2, TI2, jnp.broadcast_to(jnp.max(T2), (L,))

                    out.append(lax.cond(jnp.any(hits[t]), merge_t,
                                        lambda s_: s_, st[t]))
                return tuple(out)

            return lax.cond(jnp.any(anyhit), do_merges, lambda s_: s_, st)

        init = tuple((inf, iota, inf) for _ in range(GQ))
        st = lax.fori_loop(0, N // L, chunk, init, unroll=2)
        for t in range(GQ):
            T, TI, _ = st[t]
            oidx[g * GQ + t] = TI
            od2[g * GQ + t] = T
        return carry

    lax.fori_loop(0, QPT // GQ, per_group, 0)
    pltpu.sync_copy(oidx, idx_hbm.at[b, pl.ds(base, QPT)])
    pltpu.sync_copy(od2, d2_hbm.at[b, pl.ds(base, QPT)])


@functools.partial(
    pl.kernel,
    mesh=_mesh,
    compiler_params=pltpu.CompilerParams(needs_layout_passes=False, use_tc_tiling_on_sc=False),
    out_type=jax.ShapeDtypeStruct((B, N, K, CH), jnp.float32),
    scratch_types=[
        pltpu.VMEM((N, 3), jnp.float32),
        pltpu.VMEM((N,), jnp.float32),
        pltpu.VMEM((N,), jnp.float32),
        pltpu.VMEM((N,), jnp.float32),
        pltpu.VMEM((N,), jnp.float32),
        pltpu.VMEM((N, K), jnp.int32),
        pltpu.VMEM((N, K), jnp.float32),
        pltpu.VMEM((N, 8), jnp.float32),
        pltpu.VMEM((QB, K, CH), jnp.float32),
    ],
)
def _feat_kernel(xyz_hbm, idx_hbm, d2_hbm, feat_hbm,
                 xyzv, x2v, xbv, ybv, zbv, idxv, d2v, intrav, outv):
    wid = _worker_id()
    b = wid // (N // QPT)
    base = (wid % (N // QPT)) * QPT
    pltpu.sync_copy(xyz_hbm.at[b], xyzv)
    pltpu.sync_copy(idx_hbm.at[b], idxv)
    pltpu.sync_copy(d2_hbm.at[b], d2v)
    iota = lax.iota(jnp.int32, L)

    def build(c, carry):
        s = c * L
        m = iota + _splat(s)
        xs = plsc.load_gather(xyzv, [m, _splat(0)])
        ys = plsc.load_gather(xyzv, [m, _splat(1)])
        zs = plsc.load_gather(xyzv, [m, _splat(2)])
        x2v[pl.ds(s, L)] = xs * xs + ys * ys + zs * zs
        xbv[pl.ds(s, L)] = _bf16_round(xs)
        ybv[pl.ds(s, L)] = _bf16_round(ys)
        zbv[pl.ds(s, L)] = _bf16_round(zs)
        return carry

    lax.fori_loop(0, N // L, build, 0)

    def gxyz(idx):
        return (plsc.load_gather(xbv, [idx]),
                plsc.load_gather(ybv, [idx]),
                plsc.load_gather(zbv, [idx]),
                plsc.load_gather(x2v, [idx]))

    def d2_of(p, q):
        dot = p[0] * q[0] + p[1] * q[1] + p[2] * q[2]
        return jnp.maximum((p[3] + q[3]) - 2.0 * dot, 0.0)

    def intra_chunk(c, carry):
        m = iota + _splat(c * L)
        anc = [plsc.load_gather(idxv, [m, _splat(i)]) for i in (1, 2, 3)]
        p = [gxyz(a) for a in anc]
        for ci in range(3):
            g = plsc.load_gather(d2v, [m, _splat(ci + 1)])
            plsc.store_scatter(intrav, [m, _splat(ci)], g)
        pairs = ((0, 1), (0, 2), (1, 2))
        for ci, (i, j) in enumerate(pairs):
            plsc.store_scatter(intrav, [m, _splat(3 + ci)], d2_of(p[i], p[j]))
        return carry

    lax.fori_loop(0, N // L, intra_chunk, 0)

    def per_block(g, carry):
        def per_query(q, carry2):
            n = base + g * QB + q
            nsp = _splat(n)
            nbr = idxv[n]
            qs = _splat(q)
            own = []
            for i in range(A):
                ai = plsc.load_gather(idxv, [nsp, _splat(i)])
                own.append(gxyz(ai))
            na = []
            for j in range(A):
                bj = plsc.load_gather(idxv, [nbr, _splat(j)])
                na.append(gxyz(bj))
            for ci in range(6):
                v = plsc.load_gather(intrav, [nsp, _splat(ci)])
                plsc.store_scatter(outv, [qs, iota, _splat(ci)], v)
            for ci in range(6):
                v = plsc.load_gather(intrav, [nbr, _splat(ci)])
                plsc.store_scatter(outv, [qs, iota, _splat(6 + ci)], v)
            for i in range(A):
                for j in range(A):
                    v = d2_of(own[i], na[j])
                    plsc.store_scatter(
                        outv, [qs, iota, _splat(12 + i * A + j)], v)
            return carry2

        lax.fori_loop(0, QB, per_query, 0)
        pltpu.sync_copy(outv, feat_hbm.at[b, pl.ds(base + g * QB, QB)])
        return carry

    lax.fori_loop(0, QPT // QB, per_block, 0)


_SQRT_ROWS = (B * N * K * CH) // 128
_SQRT_BLK = 2048


def _sqrt_body(x_ref, o_ref):
    o_ref[...] = jnp.sqrt(x_ref[...])


_sqrt_call = pl.pallas_call(
    _sqrt_body,
    out_shape=jax.ShapeDtypeStruct((_SQRT_ROWS, 128), jnp.float32),
    grid=(_SQRT_ROWS // _SQRT_BLK,),
    in_specs=[pl.BlockSpec((_SQRT_BLK, 128), lambda i: (i, 0))],
    out_specs=pl.BlockSpec((_SQRT_BLK, 128), lambda i: (i, 0)),
)


def kernel(xyz):
    idx, d2 = _topk_kernel(xyz)
    feat_d2 = _feat_kernel(xyz, idx, d2)
    feat = _sqrt_call(feat_d2.reshape(_SQRT_ROWS, 128)).reshape(B, N, K, CH)
    return feat, idx

# --- scband reference (transcript-rebuilt; emitter-appended) ---
"""Pipeline reference for scband-rotation-invariant-dist-fea-23519240913431 (READ-ONLY COPY).

The authoritative reference and input builder live on the scoring server;
editing this copy changes nothing except your own understanding.
"""

import jax, jax.numpy as jnp
import numpy as np
from itertools import combinations

NEIGHBOR_NUM = 16
ANCHOR_POINTS = 4
INTRA_CHNLS = ANCHOR_POINTS * (ANCHOR_POINTS - 1) // 2
INTER_CHNLS = ANCHOR_POINTS ** 2


def index_points(points, idx):
    # points: [B, N, C], idx: [B, ...] -> [B, ..., C]
    B = points.shape[0]
    batch = jnp.arange(B).reshape((B,) + (1,) * (idx.ndim - 1))
    return points[batch, idx]


def index_points_dists(dists, idx1, idx2):
    # dists: [B, N, N], idx1/idx2: [B, ...] same shape -> [B, ...]
    B = dists.shape[0]
    batch = jnp.arange(B).reshape((B,) + (1,) * (idx1.ndim - 1))
    return dists[batch, idx1, idx2]


def cdist_self(x):
    # Euclidean pairwise distances, safe sqrt (zero grad on diagonal zeros)
    x2 = jnp.sum(x * x, axis=-1)
    d2 = x2[:, :, None] + x2[:, None, :] - 2.0 * jnp.einsum('bnd,bmd->bnm', x, x)
    d2 = jnp.maximum(d2, 0.0)
    safe = jnp.where(d2 > 0, d2, 1.0)
    return jnp.where(d2 > 0, jnp.sqrt(safe), 0.0)


def gen_intra_anchor_dists(xyz_dists, neighbors_dists, neighbors_idx):
    subs = []
    for pi, pj in combinations(range(1, ANCHOR_POINTS), 2):
        subs.append(index_points_dists(xyz_dists, neighbors_idx[:, :, pi], neighbors_idx[:, :, pj])[:, :, None])
    return jnp.concatenate([neighbors_dists[:, :, 1:]] + subs, axis=2)


def gen_inter_anchor_dists(xyz_dists, neighbors_idx):
    B, N, _ = xyz_dists.shape
    A = ANCHOR_POINTS
    K = NEIGHBOR_NUM
    anchor_idx = neighbors_idx[:, :, :A]
    nbr_idx = neighbors_idx[:, :, :K]
    nbr_anchor_idx = index_points(anchor_idx, nbr_idx)  # [B, N, K, A]
    a = jnp.broadcast_to(anchor_idx[:, :, None, :, None], (B, N, K, A, A))
    b = jnp.broadcast_to(nbr_anchor_idx[:, :, :, None, :], (B, N, K, A, A))
    rd = index_points_dists(xyz_dists, a, b)
    return rd.reshape(B, N, K, A * A)


def setup_inputs(seed: int = 0) -> dict:
    key = jax.random.key(seed)
    xyz = jax.random.normal(key, (8, 2048, 3), dtype=jnp.float32)
    return {"xyz": xyz}


def reference(xyz):
    assert xyz.ndim == 3 and xyz.shape[2] == 3
    xyz_dists = cdist_self(xyz)
    k = max(NEIGHBOR_NUM, ANCHOR_POINTS)
    neg_vals, neighbors_idx = jax.lax.top_k(-xyz_dists, k)
    neighbors_dists = -neg_vals  # ascending distances, sorted
    intra = gen_intra_anchor_dists(xyz_dists, neighbors_dists[:, :, :ANCHOR_POINTS], neighbors_idx[:, :, :ANCHOR_POINTS])
    inter = gen_inter_anchor_dists(xyz_dists, neighbors_idx)
    B, N = intra.shape[0], intra.shape[1]
    center_intra = jnp.broadcast_to(intra[:, :, None, :], (B, N, NEIGHBOR_NUM, intra.shape[-1]))
    neighbor_intra = index_points(intra, neighbors_idx[:, :, :NEIGHBOR_NUM])
    relative_feature = jnp.concatenate([center_intra, neighbor_intra, inter], axis=3)
    return (relative_feature, neighbors_idx)

if __name__ == "__main__":
    import jax
    _d = setup_inputs()
    print(jax.jit(kernel)(*tuple(_d.values())))

</pallas_src>

<mosaic_0001>
#map = affine_map<(d0, d1) -> (0, 0, 0)>
#map1 = affine_map<(d0, d1) -> (0, 0, 0, 0)>
module attributes {stable_mosaic.version = 14 : i64} {
  func.func @_feat_kernel(%arg0: i32, %arg1: i32, %arg2: memref<8x2048x3xf32, #tpu.memory_space<hbm>>, %arg3: memref<8x2048x16xi32, #tpu.memory_space<hbm>>, %arg4: memref<8x2048x16xf32, #tpu.memory_space<hbm>>, %arg5: memref<8x2048x16x28xf32, #tpu.memory_space<hbm>>, %arg6: memref<2048x3xf32, #tpu.memory_space<vmem>>, %arg7: memref<2048xf32, #tpu.memory_space<vmem>>, %arg8: memref<2048xf32, #tpu.memory_space<vmem>>, %arg9: memref<2048xf32, #tpu.memory_space<vmem>>, %arg10: memref<2048xf32, #tpu.memory_space<vmem>>, %arg11: memref<2048x16xi32, #tpu.memory_space<vmem>>, %arg12: memref<2048x16xf32, #tpu.memory_space<vmem>>, %arg13: memref<2048x8xf32, #tpu.memory_space<vmem>>, %arg14: memref<16x16x28xf32, #tpu.memory_space<vmem>>) attributes {dimension_semantics = [#tpu.dimension_semantics<core_parallel>, #tpu.dimension_semantics<subcore_parallel>], iteration_bounds = array<i64: 2, 16>, scalar_prefetch = 0 : i64, scratch_operands = 9 : i64, tpu.core_type = #tpu.core_type<sc_vector_subcore>, window_params = [{transform_indices = #map}, {transform_indices = #map}, {transform_indices = #map}, {transform_indices = #map1}]} {
    %mul3A = arith.constant 2 : i32
    %mul3A_0 = arith.muli %arg1, %mul3A : i32
    %add3A = arith.addi %mul3A_0, %arg0 : i32
    %jit3A = arith.constant 4 : i32
    %div3A = arith.divsi %add3A, %jit3A : i32
    %sign3A = arith.constant 0 : i32
    %sign3A_1 = arith.cmpi sgt, %add3A, %sign3A : i32
    %sign3A_2 = arith.extui %sign3A_1 : i1 to i32
    %sign3A_3 = arith.constant 0 : i32
    %sign3A_4 = arith.cmpi slt, %add3A, %sign3A_3 : i32
    %sign3A_5 = arith.extui %sign3A_4 : i1 to i32
    %sign3A_6 = arith.subi %sign3A_2, %sign3A_5 : i32
    %sign3A_7 = arith.constant 0 : i32
    %sign3A_8 = arith.cmpi sgt, %jit3A, %sign3A_7 : i32
    %sign3A_9 = arith.extui %sign3A_8 : i1 to i32
    %sign3A_10 = arith.constant 0 : i32
    %sign3A_11 = arith.cmpi slt, %jit3A, %sign3A_10 : i32
    %sign3A_12 = arith.extui %sign3A_11 : i1 to i32
    %sign3A_13 = arith.subi %sign3A_9, %sign3A_12 : i32
    %ne3A = arith.cmpi ne, %sign3A_6, %sign3A_13 : i32
    %rem3A = arith.remsi %add3A, %jit3A : i32
    %ne3A_14 = arith.constant 0 : i32
    %ne3A_15 = arith.cmpi ne, %rem3A, %ne3A_14 : i32
    %and3A = arith.andi %ne3A, %ne3A_15 : i1
    %sub3A = arith.constant 1 : i32
    %sub3A_16 = arith.subi %div3A, %sub3A : i32
    %select_n3A = arith.select %and3A, %sub3A_16, %div3A : i32
    %jit3A_17 = arith.constant 4 : i32
    %eq3A = arith.constant 0 : i32
    %eq3A_18 = arith.cmpi eq, %jit3A_17, %eq3A : i32
    %jit3A_19 = arith.constant 1 : i32
    %select_n3A_20 = arith.select %eq3A_18, %jit3A_19, %jit3A_17 : i32
    %rem3A_21 = arith.remsi %add3A, %select_n3A_20 : i32
    %ne3A_22 = arith.constant 0 : i32
    %ne3A_23 = arith.cmpi ne, %rem3A_21, %ne3A_22 : i32
    %lt3A = arith.constant 0 : i32
    %lt3A_24 = arith.cmpi slt, %rem3A_21, %lt3A : i32
    %lt3A_25 = arith.constant 0 : i32
    %lt3A_26 = arith.cmpi slt, %select_n3A_20, %lt3A_25 : i32
    %ne3A_27 = arith.xori %lt3A_24, %lt3A_26 : i1
    %and3A_28 = arith.andi %ne3A_27, %ne3A_23 : i1
    %add3A_29 = arith.addi %rem3A_21, %select_n3A_20 : i32
    %select_n3A_30 = arith.select %and3A_28, %add3A_29, %rem3A_21 : i32
    %mul3A_31 = arith.constant 512 : i32
    %mul3A_32 = arith.muli %select_n3A_30, %mul3A_31 : i32
    "tpu.region"() ({
      %run_scoped3A = tpu.sem_alloc : memref<!tpu.dma_semaphore, #tpu.memory_space<semaphore_mem>>
      %dma_start3A = arith.constant 0 : i32
      %dma_start3A_50 = arith.constant 0 : i32
      %dma_start3A_51 = tpu.memref_slice %arg2[%select_n3A, %dma_start3A, %dma_start3A_50] : memref<8x2048x3xf32, #tpu.memory_space<hbm>> -> memref<1x2048x3xf32, #tpu.memory_space<hbm>>
      %dma_start3A_52 = tpu.memref_squeeze %dma_start3A_51 : memref<1x2048x3xf32, #tpu.memory_space<hbm>> -> memref<2048x3xf32, #tpu.memory_space<hbm>>
      %dma_start3A_53 = arith.constant 0 : i32
      %dma_start3A_54 = arith.constant 0 : i32
      %dma_start3A_55 = tpu.memref_slice %arg2[%select_n3A, %dma_start3A_53, %dma_start3A_54] : memref<8x2048x3xf32, #tpu.memory_space<hbm>> -> memref<1x2048x3xf32, #tpu.memory_space<hbm>>
      %dma_start3A_56 = tpu.memref_squeeze %dma_start3A_55 : memref<1x2048x3xf32, #tpu.memory_space<hbm>> -> memref<2048x3xf32, #tpu.memory_space<hbm>>
      tpu.enqueue_dma source(%dma_start3A_56 : memref<2048x3xf32, #tpu.memory_space<hbm>>) target(%arg6 : memref<2048x3xf32, #tpu.memory_space<vmem>>) target_semaphore(%run_scoped3A : memref<!tpu.dma_semaphore, #tpu.memory_space<semaphore_mem>>)
      %dma_wait3A = arith.constant 0 : i32
      %dma_wait3A_57 = arith.constant 0 : i32
      %dma_wait3A_58 = tpu.memref_slice %arg2[%select_n3A, %dma_wait3A, %dma_wait3A_57] : memref<8x2048x3xf32, #tpu.memory_space<hbm>> -> memref<1x2048x3xf32, #tpu.memory_space<hbm>>
      %dma_wait3A_59 = tpu.memref_squeeze %dma_wait3A_58 : memref<1x2048x3xf32, #tpu.memory_space<hbm>> -> memref<2048x3xf32, #tpu.memory_space<hbm>>
      %dma_wait3A_60 = arith.constant 0 : i32
      %dma_wait3A_61 = arith.constant 0 : i32
      %dma_wait3A_62 = tpu.memref_slice %arg2[%select_n3A, %dma_wait3A_60, %dma_wait3A_61] : memref<8x2048x3xf32, #tpu.memory_space<hbm>> -> memref<1x2048x3xf32, #tpu.memory_space<hbm>>
      %dma_wait3A_63 = tpu.memref_squeeze %dma_wait3A_62 : memref<1x2048x3xf32, #tpu.memory_space<hbm>> -> memref<2048x3xf32, #tpu.memory_space<hbm>>
      tpu.wait_dma2 semaphore(%run_scoped3A : memref<!tpu.dma_semaphore, #tpu.memory_space<semaphore_mem>>) src(%dma_wait3A_63 : memref<2048x3xf32, #tpu.memory_space<hbm>>) dst(%arg6 : memref<2048x3xf32, #tpu.memory_space<vmem>>)
      tpu.yield
    }) : () -> ()
    "tpu.region"() ({
      %run_scoped3A = tpu.sem_alloc : memref<!tpu.dma_semaphore, #tpu.memory_space<semaphore_mem>>
      %dma_start3A = arith.constant 0 : i32
      %dma_start3A_50 = arith.constant 0 : i32
      %dma_start3A_51 = tpu.memref_slice %arg3[%select_n3A, %dma_start3A, %dma_start3A_50] : memref<8x2048x16xi32, #tpu.memory_space<hbm>> -> memref<1x2048x16xi32, #tpu.memory_space<hbm>>
      %dma_start3A_52 = tpu.memref_squeeze %dma_start3A_51 : memref<1x2048x16xi32, #tpu.memory_space<hbm>> -> memref<2048x16xi32, #tpu.memory_space<hbm>>
      %dma_start3A_53 = arith.constant 0 : i32
      %dma_start3A_54 = arith.constant 0 : i32
      %dma_start3A_55 = tpu.memref_slice %arg3[%select_n3A, %dma_start3A_53, %dma_start3A_54] : memref<8x2048x16xi32, #tpu.memory_space<hbm>> -> memref<1x2048x16xi32, #tpu.memory_space<hbm>>
      %dma_start3A_56 = tpu.memref_squeeze %dma_start3A_55 : memref<1x2048x16xi32, #tpu.memory_space<hbm>> -> memref<2048x16xi32, #tpu.memory_space<hbm>>
      tpu.enqueue_dma source(%dma_start3A_56 : memref<2048x16xi32, #tpu.memory_space<hbm>>) target(%arg11 : memref<2048x16xi32, #tpu.memory_space<vmem>>) target_semaphore(%run_scoped3A : memref<!tpu.dma_semaphore, #tpu.memory_space<semaphore_mem>>)
      %dma_wait3A = arith.constant 0 : i32
      %dma_wait3A_57 = arith.constant 0 : i32
      %dma_wait3A_58 = tpu.memref_slice %arg3[%select_n3A, %dma_wait3A, %dma_wait3A_57] : memref<8x2048x16xi32, #tpu.memory_space<hbm>> -> memref<1x2048x16xi32, #tpu.memory_space<hbm>>
      %dma_wait3A_59 = tpu.memref_squeeze %dma_wait3A_58 : memref<1x2048x16xi32, #tpu.memory_space<hbm>> -> memref<2048x16xi32, #tpu.memory_space<hbm>>
      %dma_wait3A_60 = arith.constant 0 : i32
      %dma_wait3A_61 = arith.constant 0 : i32
      %dma_wait3A_62 = tpu.memref_slice %arg3[%select_n3A, %dma_wait3A_60, %dma_wait3A_61] : memref<8x2048x16xi32, #tpu.memory_space<hbm>> -> memref<1x2048x16xi32, #tpu.memory_space<hbm>>
      %dma_wait3A_63 = tpu.memref_squeeze %dma_wait3A_62 : memref<1x2048x16xi32, #tpu.memory_space<hbm>> -> memref<2048x16xi32, #tpu.memory_space<hbm>>
      tpu.wait_dma2 semaphore(%run_scoped3A : memref<!tpu.dma_semaphore, #tpu.memory_space<semaphore_mem>>) src(%dma_wait3A_63 : memref<2048x16xi32, #tpu.memory_space<hbm>>) dst(%arg11 : memref<2048x16xi32, #tpu.memory_space<vmem>>)
      tpu.yield
    }) : () -> ()
    "tpu.region"() ({
      %run_scoped3A = tpu.sem_alloc : memref<!tpu.dma_semaphore, #tpu.memory_space<semaphore_mem>>
      %dma_start3A = arith.constant 0 : i32
      %dma_start3A_50 = arith.constant 0 : i32
      %dma_start3A_51 = tpu.memref_slice %arg4[%select_n3A, %dma_start3A, %dma_start3A_50] : memref<8x2048x16xf32, #tpu.memory_space<hbm>> -> memref<1x2048x16xf32, #tpu.memory_space<hbm>>
      %dma_start3A_52 = tpu.memref_squeeze %dma_start3A_51 : memref<1x2048x16xf32, #tpu.memory_space<hbm>> -> memref<2048x16xf32, #tpu.memory_space<hbm>>
      %dma_start3A_53 = arith.constant 0 : i32
      %dma_start3A_54 = arith.constant 0 : i32
      %dma_start3A_55 = tpu.memref_slice %arg4[%select_n3A, %dma_start3A_53, %dma_start3A_54] : memref<8x2048x16xf32, #tpu.memory_space<hbm>> -> memref<1x2048x16xf32, #tpu.memory_space<hbm>>
      %dma_start3A_56 = tpu.memref_squeeze %dma_start3A_55 : memref<1x2048x16xf32, #tpu.memory_space<hbm>> -> memref<2048x16xf32, #tpu.memory_space<hbm>>
      tpu.enqueue_dma source(%dma_start3A_56 : memref<2048x16xf32, #tpu.memory_space<hbm>>) target(%arg12 : memref<2048x16xf32, #tpu.memory_space<vmem>>) target_semaphore(%run_scoped3A : memref<!tpu.dma_semaphore, #tpu.memory_space<semaphore_mem>>)
      %dma_wait3A = arith.constant 0 : i32
      %dma_wait3A_57 = arith.constant 0 : i32
      %dma_wait3A_58 = tpu.memref_slice %arg4[%select_n3A, %dma_wait3A, %dma_wait3A_57] : memref<8x2048x16xf32, #tpu.memory_space<hbm>> -> memref<1x2048x16xf32, #tpu.memory_space<hbm>>
      %dma_wait3A_59 = tpu.memref_squeeze %dma_wait3A_58 : memref<1x2048x16xf32, #tpu.memory_space<hbm>> -> memref<2048x16xf32, #tpu.memory_space<hbm>>
      %dma_wait3A_60 = arith.constant 0 : i32
      %dma_wait3A_61 = arith.constant 0 : i32
      %dma_wait3A_62 = tpu.memref_slice %arg4[%select_n3A, %dma_wait3A_60, %dma_wait3A_61] : memref<8x2048x16xf32, #tpu.memory_space<hbm>> -> memref<1x2048x16xf32, #tpu.memory_space<hbm>>
      %dma_wait3A_63 = tpu.memref_squeeze %dma_wait3A_62 : memref<1x2048x16xf32, #tpu.memory_space<hbm>> -> memref<2048x16xf32, #tpu.memory_space<hbm>>
      tpu.wait_dma2 semaphore(%run_scoped3A : memref<!tpu.dma_semaphore, #tpu.memory_space<semaphore_mem>>) src(%dma_wait3A_63 : memref<2048x16xf32, #tpu.memory_space<hbm>>) dst(%arg12 : memref<2048x16xf32, #tpu.memory_space<vmem>>)
      tpu.yield
    }) : () -> ()
    %iota3A = tpu.iota {dimensions = array<i32: 0>} : vector<16xi32>
    %scan3A = arith.constant 0 : i32
    %scan3A_33 = arith.constant 0 : i32
    %scan3A_34 = arith.constant 128 : i32
    %scan3A_35 = arith.addi %scan3A_33, %scan3A_34 : i32
    %scan3A_36 = arith.constant 1 : i32
    scf.for %scan3A_50 = %scan3A_33 to %scan3A_35 step %scan3A_36  : i32 {
      %mul3A_51 = arith.constant 16 : i32
      %mul3A_52 = arith.muli %scan3A_50, %mul3A_51 : i32
      %broadcast_in_dim3A = vector.broadcast %mul3A_52 : i32 to vector<16xi32>
      %add3A_53 = arith.addi %iota3A, %broadcast_in_dim3A : vector<16xi32>
      %broadcast_in_dim3A_54 = arith.constant 0 : i32
      %broadcast_in_dim3A_55 = vector.broadcast %broadcast_in_dim3A_54 : i32 to vector<16xi32>
      %gather3A = tpu.vector_load_idx %arg6[%add3A_53, %broadcast_in_dim3A_55] : memref<2048x3xf32, #tpu.memory_space<vmem>>[vector<16xi32>, vector<16xi32>], vector<16xf32>,
      %broadcast_in_dim3A_56 = arith.constant 1 : i32
      %broadcast_in_dim3A_57 = vector.broadcast %broadcast_in_dim3A_56 : i32 to vector<16xi32>
      %gather3A_58 = tpu.vector_load_idx %arg6[%add3A_53, %broadcast_in_dim3A_57] : memref<2048x3xf32, #tpu.memory_space<vmem>>[vector<16xi32>, vector<16xi32>], vector<16xf32>,
      %broadcast_in_dim3A_59 = arith.constant 2 : i32
      %broadcast_in_dim3A_60 = vector.broadcast %broadcast_in_dim3A_59 : i32 to vector<16xi32>
      %gather3A_61 = tpu.vector_load_idx %arg6[%add3A_53, %broadcast_in_dim3A_60] : memref<2048x3xf32, #tpu.memory_space<vmem>>[vector<16xi32>, vector<16xi32>], vector<16xf32>,
      %mul3A_62 = arith.mulf %gather3A, %gather3A : vector<16xf32>
      %mul3A_63 = arith.mulf %gather3A_58, %gather3A_58 : vector<16xf32>
      %add3A_64 = arith.addf %mul3A_62, %mul3A_63 : vector<16xf32>
      %mul3A_65 = arith.mulf %gather3A_61, %gather3A_61 : vector<16xf32>
      %add3A_66 = arith.addf %add3A_64, %mul3A_65 : vector<16xf32>
      %swap3A = arith.index_cast %mul3A_52 : i32 to index
      %swap3A_67 = tpu.vector_load %arg7[%swap3A] {strides = array<i32>} : memref<2048xf32, #tpu.memory_space<vmem>>, vector<16xf32>,
      tpu.vector_store %arg7[%swap3A], %add3A_66 {strides = array<i32>} : memref<2048xf32, #tpu.memory_space<vmem>>, vector<16xf32>,
      %bitcast3A = vector.bitcast %gather3A : vector<16xf32> to vector<16xi32>
      %shift_right_arithmetic3A = arith.constant 16 : i32
      %shift_right_arithmetic3A_68 = vector.broadcast %shift_right_arithmetic3A : i32 to vector<16xi32>
      %shift_right_arithmetic3A_69 = arith.shrsi %bitcast3A, %shift_right_arithmetic3A_68 : vector<16xi32>
      %and3A_70 = arith.constant 1 : i32
      %and3A_71 = vector.broadcast %and3A_70 : i32 to vector<16xi32>
      %and3A_72 = arith.andi %shift_right_arithmetic3A_69, %and3A_71 : vector<16xi32>
      %add3A_73 = arith.constant 32767 : i32
      %add3A_74 = vector.broadcast %add3A_73 : i32 to vector<16xi32>
      %add3A_75 = arith.addi %bitcast3A, %add3A_74 : vector<16xi32>
      %add3A_76 = arith.addi %add3A_75, %and3A_72 : vector<16xi32>
      %and3A_77 = arith.constant -65536 : i32
      %and3A_78 = vector.broadcast %and3A_77 : i32 to vector<16xi32>
      %and3A_79 = arith.andi %add3A_76, %and3A_78 : vector<16xi32>
      %bitcast3A_80 = vector.bitcast %and3A_79 : vector<16xi32> to vector<16xf32>
      %swap3A_81 = arith.index_cast %mul3A_52 : i32 to index
      %swap3A_82 = tpu.vector_load %arg8[%swap3A_81] {strides = array<i32>} : memref<2048xf32, #tpu.memory_space<vmem>>, vector<16xf32>,
      tpu.vector_store %arg8[%swap3A_81], %bitcast3A_80 {strides = array<i32>} : memref<2048xf32, #tpu.memory_space<vmem>>, vector<16xf32>,
      %bitcast3A_83 = vector.bitcast %gather3A_58 : vector<16xf32> to vector<16xi32>
      %shift_right_arithmetic3A_84 = arith.constant 16 : i32
      %shift_right_arithmetic3A_85 = vector.broadcast %shift_right_arithmetic3A_84 : i32 to vector<16xi32>
      %shift_right_arithmetic3A_86 = arith.shrsi %bitcast3A_83, %shift_right_arithmetic3A_85 : vector<16xi32>
      %and3A_87 = arith.constant 1 : i32
      %and3A_88 = vector.broadcast %and3A_87 : i32 to vector<16xi32>
      %and3A_89 = arith.andi %shift_right_arithmetic3A_86, %and3A_88 : vector<16xi32>
      %add3A_90 = arith.constant 32767 : i32
      %add3A_91 = vector.broadcast %add3A_90 : i32 to vector<16xi32>
      %add3A_92 = arith.addi %bitcast3A_83, %add3A_91 : vector<16xi32>
      %add3A_93 = arith.addi %add3A_92, %and3A_89 : vector<16xi32>
      %and3A_94 = arith.constant -65536 : i32
      %and3A_95 = vector.broadcast %and3A_94 : i32 to vector<16xi32>
      %and3A_96 = arith.andi %add3A_93, %and3A_95 : vector<16xi32>
      %bitcast3A_97 = vector.bitcast %and3A_96 : vector<16xi32> to vector<16xf32>
      %swap3A_98 = arith.index_cast %mul3A_52 : i32 to index
      %swap3A_99 = tpu.vector_load %arg9[%swap3A_98] {strides = array<i32>} : memref<2048xf32, #tpu.memory_space<vmem>>, vector<16xf32>,
      tpu.vector_store %arg9[%swap3A_98], %bitcast3A_97 {strides = array<i32>} : memref<2048xf32, #tpu.memory_space<vmem>>, vector<16xf32>,
      %bitcast3A_100 = vector.bitcast %gather3A_61 : vector<16xf32> to vector<16xi32>
      %shift_right_arithmetic3A_101 = arith.constant 16 : i32
      %shift_right_arithmetic3A_102 = vector.broadcast %shift_right_arithmetic3A_101 : i32 to vector<16xi32>
      %shift_right_arithmetic3A_103 = arith.shrsi %bitcast3A_100, %shift_right_arithmetic3A_102 : vector<16xi32>
      %and3A_104 = arith.constant 1 : i32
      %and3A_105 = vector.broadcast %and3A_104 : i32 to vector<16xi32>
      %and3A_106 = arith.andi %shift_right_arithmetic3A_103, %and3A_105 : vector<16xi32>
      %add3A_107 = arith.constant 32767 : i32
      %add3A_108 = vector.broadcast %add3A_107 : i32 to vector<16xi32>
      %add3A_109 = arith.addi %bitcast3A_100, %add3A_108 : vector<16xi32>
      %add3A_110 = arith.addi %add3A_109, %and3A_106 : vector<16xi32>
      %and3A_111 = arith.constant -65536 : i32
      %and3A_112 = vector.broadcast %and3A_111 : i32 to vector<16xi32>
      %and3A_113 = arith.andi %add3A_110, %and3A_112 : vector<16xi32>
      %bitcast3A_114 = vector.bitcast %and3A_113 : vector<16xi32> to vector<16xf32>
      %swap3A_115 = arith.index_cast %mul3A_52 : i32 to index
      %swap3A_116 = tpu.vector_load %arg10[%swap3A_115] {strides = array<i32>} : memref<2048xf32, #tpu.memory_space<vmem>>, vector<16xf32>,
      tpu.vector_store %arg10[%swap3A_115], %bitcast3A_114 {strides = array<i32>} : memref<2048xf32, #tpu.memory_space<vmem>>, vector<16xf32>,
    }
    %scan3A_37 = arith.constant 128 : i32
    %scan3A_38 = arith.constant 0 : i32
    %scan3A_39 = arith.constant 0 : i32
    %scan3A_40 = arith.constant 128 : i32
    %scan3A_41 = arith.addi %scan3A_39, %scan3A_40 : i32
    %scan3A_42 = arith.constant 1 : i32
    scf.for %scan3A_50 = %scan3A_39 to %scan3A_41 step %scan3A_42  : i32 {
      %mul3A_51 = arith.constant 16 : i32
      %mul3A_52 = arith.muli %scan3A_50, %mul3A_51 : i32
      %broadcast_in_dim3A = vector.broadcast %mul3A_52 : i32 to vector<16xi32>
      %add3A_53 = arith.addi %iota3A, %broadcast_in_dim3A : vector<16xi32>
      %broadcast_in_dim3A_54 = arith.constant 1 : i32
      %broadcast_in_dim3A_55 = vector.broadcast %broadcast_in_dim3A_54 : i32 to vector<16xi32>
      %gather3A = tpu.vector_load_idx %arg11[%add3A_53, %broadcast_in_dim3A_55] : memref<2048x16xi32, #tpu.memory_space<vmem>>[vector<16xi32>, vector<16xi32>], vector<16xi32>,
      %broadcast_in_dim3A_56 = arith.constant 2 : i32
      %broadcast_in_dim3A_57 = vector.broadcast %broadcast_in_dim3A_56 : i32 to vector<16xi32>
      %gather3A_58 = tpu.vector_load_idx %arg11[%add3A_53, %broadcast_in_dim3A_57] : memref<2048x16xi32, #tpu.memory_space<vmem>>[vector<16xi32>, vector<16xi32>], vector<16xi32>,
      %broadcast_in_dim3A_59 = arith.constant 3 : i32
      %broadcast_in_dim3A_60 = vector.broadcast %broadcast_in_dim3A_59 : i32 to vector<16xi32>
      %gather3A_61 = tpu.vector_load_idx %arg11[%add3A_53, %broadcast_in_dim3A_60] : memref<2048x16xi32, #tpu.memory_space<vmem>>[vector<16xi32>, vector<16xi32>], vector<16xi32>,
      %gather3A_62 = tpu.vector_load_idx %arg8[%gather3A] : memref<2048xf32, #tpu.memory_space<vmem>>[vector<16xi32>], vector<16xf32>,
      %gather3A_63 = tpu.vector_load_idx %arg9[%gather3A] : memref<2048xf32, #tpu.memory_space<vmem>>[vector<16xi32>], vector<16xf32>,
      %gather3A_64 = tpu.vector_load_idx %arg10[%gather3A] : memref<2048xf32, #tpu.memory_space<vmem>>[vector<16xi32>], vector<16xf32>,
      %gather3A_65 = tpu.vector_load_idx %arg7[%gather3A] : memref<2048xf32, #tpu.memory_space<vmem>>[vector<16xi32>], vector<16xf32>,
      %gather3A_66 = tpu.vector_load_idx %arg8[%gather3A_58] : memref<2048xf32, #tpu.memory_space<vmem>>[vector<16xi32>], vector<16xf32>,
      %gather3A_67 = tpu.vector_load_idx %arg9[%gather3A_58] : memref<2048xf32, #tpu.memory_space<vmem>>[vector<16xi32>], vector<16xf32>,
      %gather3A_68 = tpu.vector_load_idx %arg10[%gather3A_58] : memref<2048xf32, #tpu.memory_space<vmem>>[vector<16xi32>], vector<16xf32>,
      %gather3A_69 = tpu.vector_load_idx %arg7[%gather3A_58] : memref<2048xf32, #tpu.memory_space<vmem>>[vector<16xi32>], vector<16xf32>,
      %gather3A_70 = tpu.vector_load_idx %arg8[%gather3A_61] : memref<2048xf32, #tpu.memory_space<vmem>>[vector<16xi32>], vector<16xf32>,
      %gather3A_71 = tpu.vector_load_idx %arg9[%gather3A_61] : memref<2048xf32, #tpu.memory_space<vmem>>[vector<16xi32>], vector<16xf32>,
      %gather3A_72 = tpu.vector_load_idx %arg10[%gather3A_61] : memref<2048xf32, #tpu.memory_space<vmem>>[vector<16xi32>], vector<16xf32>,
      %gather3A_73 = tpu.vector_load_idx %arg7[%gather3A_61] : memref<2048xf32, #tpu.memory_space<vmem>>[vector<16xi32>], vector<16xf32>,
      %broadcast_in_dim3A_74 = arith.constant 1 : i32
      %broadcast_in_dim3A_75 = vector.broadcast %broadcast_in_dim3A_74 : i32 to vector<16xi32>
      %gather3A_76 = tpu.vector_load_idx %arg12[%add3A_53, %broadcast_in_dim3A_75] : memref<2048x16xf32, #tpu.memory_space<vmem>>[vector<16xi32>, vector<16xi32>], vector<16xf32>,
      %broadcast_in_dim3A_77 = arith.constant 0 : i32
      %broadcast_in_dim3A_78 = vector.broadcast %broadcast_in_dim3A_77 : i32 to vector<16xi32>
      tpu.vector_store_idx %arg13[%add3A_53, %broadcast_in_dim3A_78], %gather3A_76 : memref<2048x8xf32, #tpu.memory_space<vmem>>[vector<16xi32>, vector<16xi32>], vector<16xf32>,
      %broadcast_in_dim3A_79 = arith.constant 2 : i32
      %broadcast_in_dim3A_80 = vector.broadcast %broadcast_in_dim3A_79 : i32 to vector<16xi32>
      %gather3A_81 = tpu.vector_load_idx %arg12[%add3A_53, %broadcast_in_dim3A_80] : memref<2048x16xf32, #tpu.memory_space<vmem>>[vector<16xi32>, vector<16xi32>], vector<16xf32>,
      %broadcast_in_dim3A_82 = arith.constant 1 : i32
      %broadcast_in_dim3A_83 = vector.broadcast %broadcast_in_dim3A_82 : i32 to vector<16xi32>
      tpu.vector_store_idx %arg13[%add3A_53, %broadcast_in_dim3A_83], %gather3A_81 : memref<2048x8xf32, #tpu.memory_space<vmem>>[vector<16xi32>, vector<16xi32>], vector<16xf32>,
      %broadcast_in_dim3A_84 = arith.constant 3 : i32
      %broadcast_in_dim3A_85 = vector.broadcast %broadcast_in_dim3A_84 : i32 to vector<16xi32>
      %gather3A_86 = tpu.vector_load_idx %arg12[%add3A_53, %broadcast_in_dim3A_85] : memref<2048x16xf32, #tpu.memory_space<vmem>>[vector<16xi32>, vector<16xi32>], vector<16xf32>,
      %broadcast_in_dim3A_87 = arith.constant 2 : i32
      %broadcast_in_dim3A_88 = vector.broadcast %broadcast_in_dim3A_87 : i32 to vector<16xi32>
      tpu.vector_store_idx %arg13[%add3A_53, %broadcast_in_dim3A_88], %gather3A_86 : memref<2048x8xf32, #tpu.memory_space<vmem>>[vector<16xi32>, vector<16xi32>], vector<16xf32>,
      %broadcast_in_dim3A_89 = arith.constant 3 : i32
      %broadcast_in_dim3A_90 = vector.broadcast %broadcast_in_dim3A_89 : i32 to vector<16xi32>
      %mul3A_91 = arith.mulf %gather3A_62, %gather3A_66 : vector<16xf32>
      %mul3A_92 = arith.mulf %gather3A_63, %gather3A_67 : vector<16xf32>
      %add3A_93 = arith.addf %mul3A_91, %mul3A_92 : vector<16xf32>
      %mul3A_94 = arith.mulf %gather3A_64, %gather3A_68 : vector<16xf32>
      %add3A_95 = arith.addf %add3A_93, %mul3A_94 : vector<16xf32>
      %add3A_96 = arith.addf %gather3A_65, %gather3A_69 : vector<16xf32>
      %mul3A_97 = arith.constant 2.000000e+00 : f32
      %mul3A_98 = vector.broadcast %mul3A_97 : f32 to vector<16xf32>
      %mul3A_99 = arith.mulf %mul3A_98, %add3A_95 : vector<16xf32>
      %sub3A_100 = arith.subf %add3A_96, %mul3A_99 : vector<16xf32>
      %max3A = arith.constant 0.000000e+00 : f32
      %max3A_101 = vector.broadcast %max3A : f32 to vector<16xf32>
      %max3A_102 = arith.maximumf %sub3A_100, %max3A_101 : vector<16xf32>
      tpu.vector_store_idx %arg13[%add3A_53, %broadcast_in_dim3A_90], %max3A_102 : memref<2048x8xf32, #tpu.memory_space<vmem>>[vector<16xi32>, vector<16xi32>], vector<16xf32>,
      %broadcast_in_dim3A_103 = arith.constant 4 : i32
      %broadcast_in_dim3A_104 = vector.broadcast %broadcast_in_dim3A_103 : i32 to vector<16xi32>
      %mul3A_105 = arith.mulf %gather3A_62, %gather3A_70 : vector<16xf32>
      %mul3A_106 = arith.mulf %gather3A_63, %gather3A_71 : vector<16xf32>
      %add3A_107 = arith.addf %mul3A_105, %mul3A_106 : vector<16xf32>
      %mul3A_108 = arith.mulf %gather3A_64, %gather3A_72 : vector<16xf32>
      %add3A_109 = arith.addf %add3A_107, %mul3A_108 : vector<16xf32>
      %add3A_110 = arith.addf %gather3A_65, %gather3A_73 : vector<16xf32>
      %mul3A_111 = arith.constant 2.000000e+00 : f32
      %mul3A_112 = vector.broadcast %mul3A_111 : f32 to vector<16xf32>
      %mul3A_113 = arith.mulf %mul3A_112, %add3A_109 : vector<16xf32>
      %sub3A_114 = arith.subf %add3A_110, %mul3A_113 : vector<16xf32>
      %max3A_115 = arith.constant 0.000000e+00 : f32
      %max3A_116 = vector.broadcast %max3A_115 : f32 to vector<16xf32>
      %max3A_117 = arith.maximumf %sub3A_114, %max3A_116 : vector<16xf32>
      tpu.vector_store_idx %arg13[%add3A_53, %broadcast_in_dim3A_104], %max3A_117 : memref<2048x8xf32, #tpu.memory_space<vmem>>[vector<16xi32>, vector<16xi32>], vector<16xf32>,
      %broadcast_in_dim3A_118 = arith.constant 5 : i32
      %broadcast_in_dim3A_119 = vector.broadcast %broadcast_in_dim3A_118 : i32 to vector<16xi32>
      %mul3A_120 = arith.mulf %gather3A_66, %gather3A_70 : vector<16xf32>
      %mul3A_121 = arith.mulf %gather3A_67, %gather3A_71 : vector<16xf32>
      %add3A_122 = arith.addf %mul3A_120, %mul3A_121 : vector<16xf32>
      %mul3A_123 = arith.mulf %gather3A_68, %gather3A_72 : vector<16xf32>
      %add3A_124 = arith.addf %add3A_122, %mul3A_123 : vector<16xf32>
      %add3A_125 = arith.addf %gather3A_69, %gather3A_73 : vector<16xf32>
      %mul3A_126 = arith.constant 2.000000e+00 : f32
      %mul3A_127 = vector.broadcast %mul3A_126 : f32 to vector<16xf32>
      %mul3A_128 = arith.mulf %mul3A_127, %add3A_124 : vector<16xf32>
      %sub3A_129 = arith.subf %add3A_125, %mul3A_128 : vector<16xf32>
      %max3A_130 = arith.constant 0.000000e+00 : f32
      %max3A_131 = vector.broadcast %max3A_130 : f32 to vector<16xf32>
      %max3A_132 = arith.maximumf %sub3A_129, %max3A_131 : vector<16xf32>
      tpu.vector_store_idx %arg13[%add3A_53, %broadcast_in_dim3A_119], %max3A_132 : memref<2048x8xf32, #tpu.memory_space<vmem>>[vector<16xi32>, vector<16xi32>], vector<16xf32>,
    }
    %scan3A_43 = arith.constant 128 : i32
    %scan3A_44 = arith.constant 0 : i32
    %scan3A_45 = arith.constant 0 : i32
    %scan3A_46 = arith.constant 32 : i32
    %scan3A_47 = arith.addi %scan3A_45, %scan3A_46 : i32
    %scan3A_48 = arith.constant 1 : i32
    scf.for %scan3A_50 = %scan3A_45 to %scan3A_47 step %scan3A_48  : i32 {
      %scan3A_51 = arith.constant 0 : i32
      %scan3A_52 = arith.constant 0 : i32
      %scan3A_53 = arith.constant 16 : i32
      %scan3A_54 = arith.addi %scan3A_52, %scan3A_53 : i32
      %scan3A_55 = arith.constant 1 : i32
      scf.for %scan3A_60 = %scan3A_52 to %scan3A_54 step %scan3A_55  : i32 {
        %mul3A_61 = arith.constant 16 : i32
        %mul3A_62 = arith.muli %scan3A_50, %mul3A_61 : i32
        %add3A_63 = arith.addi %mul3A_32, %mul3A_62 : i32
        %add3A_64 = arith.addi %add3A_63, %scan3A_60 : i32
        %broadcast_in_dim3A = vector.broadcast %add3A_64 : i32 to vector<16xi32>
        %get3A = arith.index_cast %add3A_64 : i32 to index
        %get3A_65 = arith.constant 0 : index
        %get3A_66 = tpu.vector_load %arg11[%get3A, %get3A_65] {strides = array<i32>} : memref<2048x16xi32, #tpu.memory_space<vmem>>, vector<16xi32>,
        %broadcast_in_dim3A_67 = vector.broadcast %scan3A_60 : i32 to vector<16xi32>
        %broadcast_in_dim3A_68 = arith.constant 0 : i32
        %broadcast_in_dim3A_69 = vector.broadcast %broadcast_in_dim3A_68 : i32 to vector<16xi32>
        %gather3A = tpu.vector_load_idx %arg11[%broadcast_in_dim3A, %broadcast_in_dim3A_69] : memref<2048x16xi32, #tpu.memory_space<vmem>>[vector<16xi32>, vector<16xi32>], vector<16xi32>,
        %gather3A_70 = tpu.vector_load_idx %arg8[%gather3A] : memref<2048xf32, #tpu.memory_space<vmem>>[vector<16xi32>], vector<16xf32>,
        %gather3A_71 = tpu.vector_load_idx %arg9[%gather3A] : memref<2048xf32, #tpu.memory_space<vmem>>[vector<16xi32>], vector<16xf32>,
        %gather3A_72 = tpu.vector_load_idx %arg10[%gather3A] : memref<2048xf32, #tpu.memory_space<vmem>>[vector<16xi32>], vector<16xf32>,
        %gather3A_73 = tpu.vector_load_idx %arg7[%gather3A] : memref<2048xf32, #tpu.memory_space<vmem>>[vector<16xi32>], vector<16xf32>,
        %broadcast_in_dim3A_74 = arith.constant 1 : i32
        %broadcast_in_dim3A_75 = vector.broadcast %broadcast_in_dim3A_74 : i32 to vector<16xi32>
        %gather3A_76 = tpu.vector_load_idx %arg11[%broadcast_in_dim3A, %broadcast_in_dim3A_75] : memref<2048x16xi32, #tpu.memory_space<vmem>>[vector<16xi32>, vector<16xi32>], vector<16xi32>,
        %gather3A_77 = tpu.vector_load_idx %arg8[%gather3A_76] : memref<2048xf32, #tpu.memory_space<vmem>>[vector<16xi32>], vector<16xf32>,
        %gather3A_78 = tpu.vector_load_idx %arg9[%gather3A_76] : memref<2048xf32, #tpu.memory_space<vmem>>[vector<16xi32>], vector<16xf32>,
        %gather3A_79 = tpu.vector_load_idx %arg10[%gather3A_76] : memref<2048xf32, #tpu.memory_space<vmem>>[vector<16xi32>], vector<16xf32>,
        %gather3A_80 = tpu.vector_load_idx %arg7[%gather3A_76] : memref<2048xf32, #tpu.memory_space<vmem>>[vector<16xi32>], vector<16xf32>,
        %broadcast_in_dim3A_81 = arith.constant 2 : i32
        %broadcast_in_dim3A_82 = vector.broadcast %broadcast_in_dim3A_81 : i32 to vector<16xi32>
        %gather3A_83 = tpu.vector_load_idx %arg11[%broadcast_in_dim3A, %broadcast_in_dim3A_82] : memref<2048x16xi32, #tpu.memory_space<vmem>>[vector<16xi32>, vector<16xi32>], vector<16xi32>,
        %gather3A_84 = tpu.vector_load_idx %arg8[%gather3A_83] : memref<2048xf32, #tpu.memory_space<vmem>>[vector<16xi32>], vector<16xf32>,
        %gather3A_85 = tpu.vector_load_idx %arg9[%gather3A_83] : memref<2048xf32, #tpu.memory_space<vmem>>[vector<16xi32>], vector<16xf32>,
        %gather3A_86 = tpu.vector_load_idx %arg10[%gather3A_83] : memref<2048xf32, #tpu.memory_space<vmem>>[vector<16xi32>], vector<16xf32>,
        %gather3A_87 = tpu.vector_load_idx %arg7[%gather3A_83] : memref<2048xf32, #tpu.memory_space<vmem>>[vector<16xi32>], vector<16xf32>,
        %broadcast_in_dim3A_88 = arith.constant 3 : i32
        %broadcast_in_dim3A_89 = vector.broadcast %broadcast_in_dim3A_88 : i32 to vector<16xi32>
        %gather3A_90 = tpu.vector_load_idx %arg11[%broadcast_in_dim3A, %broadcast_in_dim3A_89] : memref<2048x16xi32, #tpu.memory_space<vmem>>[vector<16xi32>, vector<16xi32>], vector<16xi32>,
        %gather3A_91 = tpu.vector_load_idx %arg8[%gather3A_90] : memref<2048xf32, #tpu.memory_space<vmem>>[vector<16xi32>], vector<16xf32>,
        %gather3A_92 = tpu.vector_load_idx %arg9[%gather3A_90] : memref<2048xf32, #tpu.memory_space<vmem>>[vector<16xi32>], vector<16xf32>,
        %gather3A_93 = tpu.vector_load_idx %arg10[%gather3A_90] : memref<2048xf32, #tpu.memory_space<vmem>>[vector<16xi32>], vector<16xf32>,
        %gather3A_94 = tpu.vector_load_idx %arg7[%gather3A_90] : memref<2048xf32, #tpu.memory_space<vmem>>[vector<16xi32>], vector<16xf32>,
        %broadcast_in_dim3A_95 = arith.constant 0 : i32
        %broadcast_in_dim3A_96 = vector.broadcast %broadcast_in_dim3A_95 : i32 to vector<16xi32>
        %gather3A_97 = tpu.vector_load_idx %arg11[%get3A_66, %broadcast_in_dim3A_96] : memref<2048x16xi32, #tpu.memory_space<vmem>>[vector<16xi32>, vector<16xi32>], vector<16xi32>,
        %gather3A_98 = tpu.vector_load_idx %arg8[%gather3A_97] : memref<2048xf32, #tpu.memory_space<vmem>>[vector<16xi32>], vector<16xf32>,
        %gather3A_99 = tpu.vector_load_idx %arg9[%gather3A_97] : memref<2048xf32, #tpu.memory_space<vmem>>[vector<16xi32>], vector<16xf32>,
        %gather3A_100 = tpu.vector_load_idx %arg10[%gather3A_97] : memref<2048xf32, #tpu.memory_space<vmem>>[vector<16xi32>], vector<16xf32>,
        %gather3A_101 = tpu.vector_load_idx %arg7[%gather3A_97] : memref<2048xf32, #tpu.memory_space<vmem>>[vector<16xi32>], vector<16xf32>,
        %broadcast_in_dim3A_102 = arith.constant 1 : i32
        %broadcast_in_dim3A_103 = vector.broadcast %broadcast_in_dim3A_102 : i32 to vector<16xi32>
        %gather3A_104 = tpu.vector_load_idx %arg11[%get3A_66, %broadcast_in_dim3A_103] : memref<2048x16xi32, #tpu.memory_space<vmem>>[vector<16xi32>, vector<16xi32>], vector<16xi32>,
        %gather3A_105 = tpu.vector_load_idx %arg8[%gather3A_104] : memref<2048xf32, #tpu.memory_space<vmem>>[vector<16xi32>], vector<16xf32>,
        %gather3A_106 = tpu.vector_load_idx %arg9[%gather3A_104] : memref<2048xf32, #tpu.memory_space<vmem>>[vector<16xi32>], vector<16xf32>,
        %gather3A_107 = tpu.vector_load_idx %arg10[%gather3A_104] : memref<2048xf32, #tpu.memory_space<vmem>>[vector<16xi32>], vector<16xf32>,
        %gather3A_108 = tpu.vector_load_idx %arg7[%gather3A_104] : memref<2048xf32, #tpu.memory_space<vmem>>[vector<16xi32>], vector<16xf32>,
        %broadcast_in_dim3A_109 = arith.constant 2 : i32
        %broadcast_in_dim3A_110 = vector.broadcast %broadcast_in_dim3A_109 : i32 to vector<16xi32>
        %gather3A_111 = tpu.vector_load_idx %arg11[%get3A_66, %broadcast_in_dim3A_110] : memref<2048x16xi32, #tpu.memory_space<vmem>>[vector<16xi32>, vector<16xi32>], vector<16xi32>,
        %gather3A_112 = tpu.vector_load_idx %arg8[%gather3A_111] : memref<2048xf32, #tpu.memory_space<vmem>>[vector<16xi32>], vector<16xf32>,
        %gather3A_113 = tpu.vector_load_idx %arg9[%gather3A_111] : memref<2048xf32, #tpu.memory_space<vmem>>[vector<16xi32>], vector<16xf32>,
        %gather3A_114 = tpu.vector_load_idx %arg10[%gather3A_111] : memref<2048xf32, #tpu.memory_space<vmem>>[vector<16xi32>], vector<16xf32>,
        %gather3A_115 = tpu.vector_load_idx %arg7[%gather3A_111] : memref<2048xf32, #tpu.memory_space<vmem>>[vector<16xi32>], vector<16xf32>,
        %broadcast_in_dim3A_116 = arith.constant 3 : i32
        %broadcast_in_dim3A_117 = vector.broadcast %broadcast_in_dim3A_116 : i32 to vector<16xi32>
        %gather3A_118 = tpu.vector_load_idx %arg11[%get3A_66, %broadcast_in_dim3A_117] : memref<2048x16xi32, #tpu.memory_space<vmem>>[vector<16xi32>, vector<16xi32>], vector<16xi32>,
        %gather3A_119 = tpu.vector_load_idx %arg8[%gather3A_118] : memref<2048xf32, #tpu.memory_space<vmem>>[vector<16xi32>], vector<16xf32>,
        %gather3A_120 = tpu.vector_load_idx %arg9[%gather3A_118] : memref<2048xf32, #tpu.memory_space<vmem>>[vector<16xi32>], vector<16xf32>,
        %gather3A_121 = tpu.vector_load_idx %arg10[%gather3A_118] : memref<2048xf32, #tpu.memory_space<vmem>>[vector<16xi32>], vector<16xf32>,
        %gather3A_122 = tpu.vector_load_idx %arg7[%gather3A_118] : memref<2048xf32, #tpu.memory_space<vmem>>[vector<16xi32>], vector<16xf32>,
        %broadcast_in_dim3A_123 = arith.constant 0 : i32
        %broadcast_in_dim3A_124 = vector.broadcast %broadcast_in_dim3A_123 : i32 to vector<16xi32>
        %gather3A_125 = tpu.vector_load_idx %arg13[%broadcast_in_dim3A, %broadcast_in_dim3A_124] : memref<2048x8xf32, #tpu.memory_space<vmem>>[vector<16xi32>, vector<16xi32>], vector<16xf32>,
        %broadcast_in_dim3A_126 = arith.constant 0 : i32
        %broadcast_in_dim3A_127 = vector.broadcast %broadcast_in_dim3A_126 : i32 to vector<16xi32>
        tpu.vector_store_idx %arg14[%broadcast_in_dim3A_67, %iota3A, %broadcast_in_dim3A_127], %gather3A_125 : memref<16x16x28xf32, #tpu.memory_space<vmem>>[vector<16xi32>, vector<16xi32>, vector<16xi32>], vector<16xf32>,
        %broadcast_in_dim3A_128 = arith.constant 1 : i32
        %broadcast_in_dim3A_129 = vector.broadcast %broadcast_in_dim3A_128 : i32 to vector<16xi32>
        %gather3A_130 = tpu.vector_load_idx %arg13[%broadcast_in_dim3A, %broadcast_in_dim3A_129] : memref<2048x8xf32, #tpu.memory_space<vmem>>[vector<16xi32>, vector<16xi32>], vector<16xf32>,
        %broadcast_in_dim3A_131 = arith.constant 1 : i32
        %broadcast_in_dim3A_132 = vector.broadcast %broadcast_in_dim3A_131 : i32 to vector<16xi32>
        tpu.vector_store_idx %arg14[%broadcast_in_dim3A_67, %iota3A, %broadcast_in_dim3A_132], %gather3A_130 : memref<16x16x28xf32, #tpu.memory_space<vmem>>[vector<16xi32>, vector<16xi32>, vector<16xi32>], vector<16xf32>,
        %broadcast_in_dim3A_133 = arith.constant 2 : i32
        %broadcast_in_dim3A_134 = vector.broadcast %broadcast_in_dim3A_133 : i32 to vector<16xi32>
        %gather3A_135 = tpu.vector_load_idx %arg13[%broadcast_in_dim3A, %broadcast_in_dim3A_134] : memref<2048x8xf32, #tpu.memory_space<vmem>>[vector<16xi32>, vector<16xi32>], vector<16xf32>,
        %broadcast_in_dim3A_136 = arith.constant 2 : i32
        %broadcast_in_dim3A_137 = vector.broadcast %broadcast_in_dim3A_136 : i32 to vector<16xi32>
        tpu.vector_store_idx %arg14[%broadcast_in_dim3A_67, %iota3A, %broadcast_in_dim3A_137], %gather3A_135 : memref<16x16x28xf32, #tpu.memory_space<vmem>>[vector<16xi32>, vector<16xi32>, vector<16xi32>], vector<16xf32>,
        %broadcast_in_dim3A_138 = arith.constant 3 : i32
        %broadcast_in_dim3A_139 = vector.broadcast %broadcast_in_dim3A_138 : i32 to vector<16xi32>
        %gather3A_140 = tpu.vector_load_idx %arg13[%broadcast_in_dim3A, %broadcast_in_dim3A_139] : memref<2048x8xf32, #tpu.memory_space<vmem>>[vector<16xi32>, vector<16xi32>], vector<16xf32>,
        %broadcast_in_dim3A_141 = arith.constant 3 : i32
        %broadcast_in_dim3A_142 = vector.broadcast %broadcast_in_dim3A_141 : i32 to vector<16xi32>
        tpu.vector_store_idx %arg14[%broadcast_in_dim3A_67, %iota3A, %broadcast_in_dim3A_142], %gather3A_140 : memref<16x16x28xf32, #tpu.memory_space<vmem>>[vector<16xi32>, vector<16xi32>, vector<16xi32>], vector<16xf32>,
        %broadcast_in_dim3A_143 = arith.constant 4 : i32
        %broadcast_in_dim3A_144 = vector.broadcast %broadcast_in_dim3A_143 : i32 to vector<16xi32>
        %gather3A_145 = tpu.vector_load_idx %arg13[%broadcast_in_dim3A, %broadcast_in_dim3A_144] : memref<2048x8xf32, #tpu.memory_space<vmem>>[vector<16xi32>, vector<16xi32>], vector<16xf32>,
        %broadcast_in_dim3A_146 = arith.constant 4 : i32
        %broadcast_in_dim3A_147 = vector.broadcast %broadcast_in_dim3A_146 : i32 to vector<16xi32>
        tpu.vector_store_idx %arg14[%broadcast_in_dim3A_67, %iota3A, %broadcast_in_dim3A_147], %gather3A_145 : memref<16x16x28xf32, #tpu.memory_space<vmem>>[vector<16xi32>, vector<16xi32>, vector<16xi32>], vector<16xf32>,
        %broadcast_in_dim3A_148 = arith.constant 5 : i32
        %broadcast_in_dim3A_149 = vector.broadcast %broadcast_in_dim3A_148 : i32 to vector<16xi32>
        %gather3A_150 = tpu.vector_load_idx %arg13[%broadcast_in_dim3A, %broadcast_in_dim3A_149] : memref<2048x8xf32, #tpu.memory_space<vmem>>[vector<16xi32>, vector<16xi32>], vector<16xf32>,
        %broadcast_in_dim3A_151 = arith.constant 5 : i32
        %broadcast_in_dim3A_152 = vector.broadcast %broadcast_in_dim3A_151 : i32 to vector<16xi32>
        tpu.vector_store_idx %arg14[%broadcast_in_dim3A_67, %iota3A, %broadcast_in_dim3A_152], %gather3A_150 : memref<16x16x28xf32, #tpu.memory_space<vmem>>[vector<16xi32>, vector<16xi32>, vector<16xi32>], vector<16xf32>,
        %broadcast_in_dim3A_153 = arith.constant 0 : i32
        %broadcast_in_dim3A_154 = vector.broadcast %broadcast_in_dim3A_153 : i32 to vector<16xi32>
        %gather3A_155 = tpu.vector_load_idx %arg13[%get3A_66, %broadcast_in_dim3A_154] : memref<2048x8xf32, #tpu.memory_space<vmem>>[vector<16xi32>, vector<16xi32>], vector<16xf32>,
        %broadcast_in_dim3A_156 = arith.constant 6 : i32
        %broadcast_in_dim3A_157 = vector.broadcast %broadcast_in_dim3A_156 : i32 to vector<16xi32>
        tpu.vector_store_idx %arg14[%broadcast_in_dim3A_67, %iota3A, %broadcast_in_dim3A_157], %gather3A_155 : memref<16x16x28xf32, #tpu.memory_space<vmem>>[vector<16xi32>, vector<16xi32>, vector<16xi32>], vector<16xf32>,
        %broadcast_in_dim3A_158 = arith.constant 1 : i32
        %broadcast_in_dim3A_159 = vector.broadcast %broadcast_in_dim3A_158 : i32 to vector<16xi32>
        %gather3A_160 = tpu.vector_load_idx %arg13[%get3A_66, %broadcast_in_dim3A_159] : memref<2048x8xf32, #tpu.memory_space<vmem>>[vector<16xi32>, vector<16xi32>], vector<16xf32>,
        %broadcast_in_dim3A_161 = arith.constant 7 : i32
        %broadcast_in_dim3A_162 = vector.broadcast %broadcast_in_dim3A_161 : i32 to vector<16xi32>
        tpu.vector_store_idx %arg14[%broadcast_in_dim3A_67, %iota3A, %broadcast_in_dim3A_162], %gather3A_160 : memref<16x16x28xf32, #tpu.memory_space<vmem>>[vector<16xi32>, vector<16xi32>, vector<16xi32>], vector<16xf32>,
        %broadcast_in_dim3A_163 = arith.constant 2 : i32
        %broadcast_in_dim3A_164 = vector.broadcast %broadcast_in_dim3A_163 : i32 to vector<16xi32>
        %gather3A_165 = tpu.vector_load_idx %arg13[%get3A_66, %broadcast_in_dim3A_164] : memref<2048x8xf32, #tpu.memory_space<vmem>>[vector<16xi32>, vector<16xi32>], vector<16xf32>,
        %broadcast_in_dim3A_166 = arith.constant 8 : i32
        %broadcast_in_dim3A_167 = vector.broadcast %broadcast_in_dim3A_166 : i32 to vector<16xi32>
        tpu.vector_store_idx %arg14[%broadcast_in_dim3A_67, %iota3A, %broadcast_in_dim3A_167], %gather3A_165 : memref<16x16x28xf32, #tpu.memory_space<vmem>>[vector<16xi32>, vector<16xi32>, vector<16xi32>], vector<16xf32>,
        %broadcast_in_dim3A_168 = arith.constant 3 : i32
        %broadcast_in_dim3A_169 = vector.broadcast %broadcast_in_dim3A_168 : i32 to vector<16xi32>
        %gather3A_170 = tpu.vector_load_idx %arg13[%get3A_66, %broadcast_in_dim3A_169] : memref<2048x8xf32, #tpu.memory_space<vmem>>[vector<16xi32>, vector<16xi32>], vector<16xf32>,
        %broadcast_in_dim3A_171 = arith.constant 9 : i32
        %broadcast_in_dim3A_172 = vector.broadcast %broadcast_in_dim3A_171 : i32 to vector<16xi32>
        tpu.vector_store_idx %arg14[%broadcast_in_dim3A_67, %iota3A, %broadcast_in_dim3A_172], %gather3A_170 : memref<16x16x28xf32, #tpu.memory_space<vmem>>[vector<16xi32>, vector<16xi32>, vector<16xi32>], vector<16xf32>,
        %broadcast_in_dim3A_173 = arith.constant 4 : i32
        %broadcast_in_dim3A_174 = vector.broadcast %broadcast_in_dim3A_173 : i32 to vector<16xi32>
        %gather3A_175 = tpu.vector_load_idx %arg13[%get3A_66, %broadcast_in_dim3A_174] : memref<2048x8xf32, #tpu.memory_space<vmem>>[vector<16xi32>, vector<16xi32>], vector<16xf32>,
        %broadcast_in_dim3A_176 = arith.constant 10 : i32
        %broadcast_in_dim3A_177 = vector.broadcast %broadcast_in_dim3A_176 : i32 to vector<16xi32>
        tpu.vector_store_idx %arg14[%broadcast_in_dim3A_67, %iota3A, %broadcast_in_dim3A_177], %gather3A_175 : memref<16x16x28xf32, #tpu.memory_space<vmem>>[vector<16xi32>, vector<16xi32>, vector<16xi32>], vector<16xf32>,
        %broadcast_in_dim3A_178 = arith.constant 5 : i32
        %broadcast_in_dim3A_179 = vector.broadcast %broadcast_in_dim3A_178 : i32 to vector<16xi32>
        %gather3A_180 = tpu.vector_load_idx %arg13[%get3A_66, %broadcast_in_dim3A_179] : memref<2048x8xf32, #tpu.memory_space<vmem>>[vector<16xi32>, vector<16xi32>], vector<16xf32>,
        %broadcast_in_dim3A_181 = arith.constant 11 : i32
        %broadcast_in_dim3A_182 = vector.broadcast %broadcast_in_dim3A_181 : i32 to vector<16xi32>
        tpu.vector_store_idx %arg14[%broadcast_in_dim3A_67, %iota3A, %broadcast_in_dim3A_182], %gather3A_180 : memref<16x16x28xf32, #tpu.memory_space<vmem>>[vector<16xi32>, vector<16xi32>, vector<16xi32>], vector<16xf32>,
        %mul3A_183 = arith.mulf %gather3A_70, %gather3A_98 : vector<16xf32>
        %mul3A_184 = arith.mulf %gather3A_71, %gather3A_99 : vector<16xf32>
        %add3A_185 = arith.addf %mul3A_183, %mul3A_184 : vector<16xf32>
        %mul3A_186 = arith.mulf %gather3A_72, %gather3A_100 : vector<16xf32>
        %add3A_187 = arith.addf %add3A_185, %mul3A_186 : vector<16xf32>
        %add3A_188 = arith.addf %gather3A_73, %gather3A_101 : vector<16xf32>
        %mul3A_189 = arith.constant 2.000000e+00 : f32
        %mul3A_190 = vector.broadcast %mul3A_189 : f32 to vector<16xf32>
        %mul3A_191 = arith.mulf %mul3A_190, %add3A_187 : vector<16xf32>
        %sub3A_192 = arith.subf %add3A_188, %mul3A_191 : vector<16xf32>
        %max3A = arith.constant 0.000000e+00 : f32
        %max3A_193 = vector.broadcast %max3A : f32 to vector<16xf32>
        %max3A_194 = arith.maximumf %sub3A_192, %max3A_193 : vector<16xf32>
        %broadcast_in_dim3A_195 = arith.constant 12 : i32
        %broadcast_in_dim3A_196 = vector.broadcast %broadcast_in_dim3A_195 : i32 to vector<16xi32>
        tpu.vector_store_idx %arg14[%broadcast_in_dim3A_67, %iota3A, %broadcast_in_dim3A_196], %max3A_194 : memref<16x16x28xf32, #tpu.memory_space<vmem>>[vector<16xi32>, vector<16xi32>, vector<16xi32>], vector<16xf32>,
        %mul3A_197 = arith.mulf %gather3A_70, %gather3A_105 : vector<16xf32>
        %mul3A_198 = arith.mulf %gather3A_71, %gather3A_106 : vector<16xf32>
        %add3A_199 = arith.addf %mul3A_197, %mul3A_198 : vector<16xf32>
        %mul3A_200 = arith.mulf %gather3A_72, %gather3A_107 : vector<16xf32>
        %add3A_201 = arith.addf %add3A_199, %mul3A_200 : vector<16xf32>
        %add3A_202 = arith.addf %gather3A_73, %gather3A_108 : vector<16xf32>
        %mul3A_203 = arith.constant 2.000000e+00 : f32
        %mul3A_204 = vector.broadcast %mul3A_203 : f32 to vector<16xf32>
        %mul3A_205 = arith.mulf %mul3A_204, %add3A_201 : vector<16xf32>
        %sub3A_206 = arith.subf %add3A_202, %mul3A_205 : vector<16xf32>
        %max3A_207 = arith.constant 0.000000e+00 : f32
        %max3A_208 = vector.broadcast %max3A_207 : f32 to vector<16xf32>
        %max3A_209 = arith.maximumf %sub3A_206, %max3A_208 : vector<16xf32>
        %broadcast_in_dim3A_210 = arith.constant 13 : i32
        %broadcast_in_dim3A_211 = vector.broadcast %broadcast_in_dim3A_210 : i32 to vector<16xi32>
        tpu.vector_store_idx %arg14[%broadcast_in_dim3A_67, %iota3A, %broadcast_in_dim3A_211], %max3A_209 : memref<16x16x28xf32, #tpu.memory_space<vmem>>[vector<16xi32>, vector<16xi32>, vector<16xi32>], vector<16xf32>,
        %mul3A_212 = arith.mulf %gather3A_70, %gather3A_112 : vector<16xf32>
        %mul3A_213 = arith.mulf %gather3A_71, %gather3A_113 : vector<16xf32>
        %add3A_214 = arith.addf %mul3A_212, %mul3A_213 : vector<16xf32>
        %mul3A_215 = arith.mulf %gather3A_72, %gather3A_114 : vector<16xf32>
        %add3A_216 = arith.addf %add3A_214, %mul3A_215 : vector<16xf32>
        %add3A_217 = arith.addf %gather3A_73, %gather3A_115 : vector<16xf32>
        %mul3A_218 = arith.constant 2.000000e+00 : f32
        %mul3A_219 = vector.broadcast %mul3A_218 : f32 to vector<16xf32>
        %mul3A_220 = arith.mulf %mul3A_219, %add3A_216 : vector<16xf32>
        %sub3A_221 = arith.subf %add3A_217, %mul3A_220 : vector<16xf32>
        %max3A_222 = arith.constant 0.000000e+00 : f32
        %max3A_223 = vector.broadcast %max3A_222 : f32 to vector<16xf32>
        %max3A_224 = arith.maximumf %sub3A_221, %max3A_223 : vector<16xf32>
        %broadcast_in_dim3A_225 = arith.constant 14 : i32
        %broadcast_in_dim3A_226 = vector.broadcast %broadcast_in_dim3A_225 : i32 to vector<16xi32>
        tpu.vector_store_idx %arg14[%broadcast_in_dim3A_67, %iota3A, %broadcast_in_dim3A_226], %max3A_224 : memref<16x16x28xf32, #tpu.memory_space<vmem>>[vector<16xi32>, vector<16xi32>, vector<16xi32>], vector<16xf32>,
        %mul3A_227 = arith.mulf %gather3A_70, %gather3A_119 : vector<16xf32>
        %mul3A_228 = arith.mulf %gather3A_71, %gather3A_120 : vector<16xf32>
        %add3A_229 = arith.addf %mul3A_227, %mul3A_228 : vector<16xf32>
        %mul3A_230 = arith.mulf %gather3A_72, %gather3A_121 : vector<16xf32>
        %add3A_231 = arith.addf %add3A_229, %mul3A_230 : vector<16xf32>
        %add3A_232 = arith.addf %gather3A_73, %gather3A_122 : vector<16xf32>
        %mul3A_233 = arith.constant 2.000000e+00 : f32
        %mul3A_234 = vector.broadcast %mul3A_233 : f32 to vector<16xf32>
        %mul3A_235 = arith.mulf %mul3A_234, %add3A_231 : vector<16xf32>
        %sub3A_236 = arith.subf %add3A_232, %mul3A_235 : vector<16xf32>
        %max3A_237 = arith.constant 0.000000e+00 : f32
        %max3A_238 = vector.broadcast %max3A_237 : f32 to vector<16xf32>
        %max3A_239 = arith.maximumf %sub3A_236, %max3A_238 : vector<16xf32>
        %broadcast_in_dim3A_240 = arith.constant 15 : i32
        %broadcast_in_dim3A_241 = vector.broadcast %broadcast_in_dim3A_240 : i32 to vector<16xi32>
        tpu.vector_store_idx %arg14[%broadcast_in_dim3A_67, %iota3A, %broadcast_in_dim3A_241], %max3A_239 : memref<16x16x28xf32, #tpu.memory_space<vmem>>[vector<16xi32>, vector<16xi32>, vector<16xi32>], vector<16xf32>,
        %mul3A_242 = arith.mulf %gather3A_77, %gather3A_98 : vector<16xf32>
        %mul3A_243 = arith.mulf %gather3A_78, %gather3A_99 : vector<16xf32>
        %add3A_244 = arith.addf %mul3A_242, %mul3A_243 : vector<16xf32>
        %mul3A_245 = arith.mulf %gather3A_79, %gather3A_100 : vector<16xf32>
        %add3A_246 = arith.addf %add3A_244, %mul3A_245 : vector<16xf32>
        %add3A_247 = arith.addf %gather3A_80, %gather3A_101 : vector<16xf32>
        %mul3A_248 = arith.constant 2.000000e+00 : f32
        %mul3A_249 = vector.broadcast %mul3A_248 : f32 to vector<16xf32>
        %mul3A_250 = arith.mulf %mul3A_249, %add3A_246 : vector<16xf32>
        %sub3A_251 = arith.subf %add3A_247, %mul3A_250 : vector<16xf32>
        %max3A_252 = arith.constant 0.000000e+00 : f32
        %max3A_253 = vector.broadcast %max3A_252 : f32 to vector<16xf32>
        %max3A_254 = arith.maximumf %sub3A_251, %max3A_253 : vector<16xf32>
        %broadcast_in_dim3A_255 = arith.constant 16 : i32
        %broadcast_in_dim3A_256 = vector.broadcast %broadcast_in_dim3A_255 : i32 to vector<16xi32>
        tpu.vector_store_idx %arg14[%broadcast_in_dim3A_67, %iota3A, %broadcast_in_dim3A_256], %max3A_254 : memref<16x16x28xf32, #tpu.memory_space<vmem>>[vector<16xi32>, vector<16xi32>, vector<16xi32>], vector<16xf32>,
        %mul3A_257 = arith.mulf %gather3A_77, %gather3A_105 : vector<16xf32>
        %mul3A_258 = arith.mulf %gather3A_78, %gather3A_106 : vector<16xf32>
        %add3A_259 = arith.addf %mul3A_257, %mul3A_258 : vector<16xf32>
        %mul3A_260 = arith.mulf %gather3A_79, %gather3A_107 : vector<16xf32>
        %add3A_261 = arith.addf %add3A_259, %mul3A_260 : vector<16xf32>
        %add3A_262 = arith.addf %gather3A_80, %gather3A_108 : vector<16xf32>
        %mul3A_263 = arith.constant 2.000000e+00 : f32
        %mul3A_264 = vector.broadcast %mul3A_263 : f32 to vector<16xf32>
        %mul3A_265 = arith.mulf %mul3A_264, %add3A_261 : vector<16xf32>
        %sub3A_266 = arith.subf %add3A_262, %mul3A_265 : vector<16xf32>
        %max3A_267 = arith.constant 0.000000e+00 : f32
        %max3A_268 = vector.broadcast %max3A_267 : f32 to vector<16xf32>
        %max3A_269 = arith.maximumf %sub3A_266, %max3A_268 : vector<16xf32>
        %broadcast_in_dim3A_270 = arith.constant 17 : i32
        %broadcast_in_dim3A_271 = vector.broadcast %broadcast_in_dim3A_270 : i32 to vector<16xi32>
        tpu.vector_store_idx %arg14[%broadcast_in_dim3A_67, %iota3A, %broadcast_in_dim3A_271], %max3A_269 : memref<16x16x28xf32, #tpu.memory_space<vmem>>[vector<16xi32>, vector<16xi32>, vector<16xi32>], vector<16xf32>,
        %mul3A_272 = arith.mulf %gather3A_77, %gather3A_112 : vector<16xf32>
        %mul3A_273 = arith.mulf %gather3A_78, %gather3A_113 : vector<16xf32>
        %add3A_274 = arith.addf %mul3A_272, %mul3A_273 : vector<16xf32>
        %mul3A_275 = arith.mulf %gather3A_79, %gather3A_114 : vector<16xf32>
        %add3A_276 = arith.addf %add3A_274, %mul3A_275 : vector<16xf32>
        %add3A_277 = arith.addf %gather3A_80, %gather3A_115 : vector<16xf32>
        %mul3A_278 = arith.constant 2.000000e+00 : f32
        %mul3A_279 = vector.broadcast %mul3A_278 : f32 to vector<16xf32>
        %mul3A_280 = arith.mulf %mul3A_279, %add3A_276 : vector<16xf32>
        %sub3A_281 = arith.subf %add3A_277, %mul3A_280 : vector<16xf32>
        %max3A_282 = arith.constant 0.000000e+00 : f32
        %max3A_283 = vector.broadcast %max3A_282 : f32 to vector<16xf32>
        %max3A_284 = arith.maximumf %sub3A_281, %max3A_283 : vector<16xf32>
        %broadcast_in_dim3A_285 = arith.constant 18 : i32
        %broadcast_in_dim3A_286 = vector.broadcast %broadcast_in_dim3A_285 : i32 to vector<16xi32>
        tpu.vector_store_idx %arg14[%broadcast_in_dim3A_67, %iota3A, %broadcast_in_dim3A_286], %max3A_284 : memref<16x16x28xf32, #tpu.memory_space<vmem>>[vector<16xi32>, vector<16xi32>, vector<16xi32>], vector<16xf32>,
        %mul3A_287 = arith.mulf %gather3A_77, %gather3A_119 : vector<16xf32>
        %mul3A_288 = arith.mulf %gather3A_78, %gather3A_120 : vector<16xf32>
        %add3A_289 = arith.addf %mul3A_287, %mul3A_288 : vector<16xf32>
        %mul3A_290 = arith.mulf %gather3A_79, %gather3A_121 : vector<16xf32>
        %add3A_291 = arith.addf %add3A_289, %mul3A_290 : vector<16xf32>
        %add3A_292 = arith.addf %gather3A_80, %gather3A_122 : vector<16xf32>
        %mul3A_293 = arith.constant 2.000000e+00 : f32
        %mul3A_294 = vector.broadcast %mul3A_293 : f32 to vector<16xf32>
        %mul3A_295 = arith.mulf %mul3A_294, %add3A_291 : vector<16xf32>
        %sub3A_296 = arith.subf %add3A_292, %mul3A_295 : vector<16xf32>
        %max3A_297 = arith.constant 0.000000e+00 : f32
        %max3A_298 = vector.broadcast %max3A_297 : f32 to vector<16xf32>
        %max3A_299 = arith.maximumf %sub3A_296, %max3A_298 : vector<16xf32>
        %broadcast_in_dim3A_300 = arith.constant 19 : i32
        %broadcast_in_dim3A_301 = vector.broadcast %broadcast_in_dim3A_300 : i32 to vector<16xi32>
        tpu.vector_store_idx %arg14[%broadcast_in_dim3A_67, %iota3A, %broadcast_in_dim3A_301], %max3A_299 : memref<16x16x28xf32, #tpu.memory_space<vmem>>[vector<16xi32>, vector<16xi32>, vector<16xi32>], vector<16xf32>,
        %mul3A_302 = arith.mulf %gather3A_84, %gather3A_98 : vector<16xf32>
        %mul3A_303 = arith.mulf %gather3A_85, %gather3A_99 : vector<16xf32>
        %add3A_304 = arith.addf %mul3A_302, %mul3A_303 : vector<16xf32>
        %mul3A_305 = arith.mulf %gather3A_86, %gather3A_100 : vector<16xf32>
        %add3A_306 = arith.addf %add3A_304, %mul3A_305 : vector<16xf32>
        %add3A_307 = arith.addf %gather3A_87, %gather3A_101 : vector<16xf32>
        %mul3A_308 = arith.constant 2.000000e+00 : f32
        %mul3A_309 = vector.broadcast %mul3A_308 : f32 to vector<16xf32>
        %mul3A_310 = arith.mulf %mul3A_309, %add3A_306 : vector<16xf32>
        %sub3A_311 = arith.subf %add3A_307, %mul3A_310 : vector<16xf32>
        %max3A_312 = arith.constant 0.000000e+00 : f32
        %max3A_313 = vector.broadcast %max3A_312 : f32 to vector<16xf32>
        %max3A_314 = arith.maximumf %sub3A_311, %max3A_313 : vector<16xf32>
        %broadcast_in_dim3A_315 = arith.constant 20 : i32
        %broadcast_in_dim3A_316 = vector.broadcast %broadcast_in_dim3A_315 : i32 to vector<16xi32>
        tpu.vector_store_idx %arg14[%broadcast_in_dim3A_67, %iota3A, %broadcast_in_dim3A_316], %max3A_314 : memref<16x16x28xf32, #tpu.memory_space<vmem>>[vector<16xi32>, vector<16xi32>, vector<16xi32>], vector<16xf32>,
        %mul3A_317 = arith.mulf %gather3A_84, %gather3A_105 : vector<16xf32>
        %mul3A_318 = arith.mulf %gather3A_85, %gather3A_106 : vector<16xf32>
        %add3A_319 = arith.addf %mul3A_317, %mul3A_318 : vector<16xf32>
        %mul3A_320 = arith.mulf %gather3A_86, %gather3A_107 : vector<16xf32>
        %add3A_321 = arith.addf %add3A_319, %mul3A_320 : vector<16xf32>
        %add3A_322 = arith.addf %gather3A_87, %gather3A_108 : vector<16xf32>
        %mul3A_323 = arith.constant 2.000000e+00 : f32
        %mul3A_324 = vector.broadcast %mul3A_323 : f32 to vector<16xf32>
        %mul3A_325 = arith.mulf %mul3A_324, %add3A_321 : vector<16xf32>
        %sub3A_326 = arith.subf %add3A_322, %mul3A_325 : vector<16xf32>
        %max3A_327 = arith.constant 0.000000e+00 : f32
        %max3A_328 = vector.broadcast %max3A_327 : f32 to vector<16xf32>
        %max3A_329 = arith.maximumf %sub3A_326, %max3A_328 : vector<16xf32>
        %broadcast_in_dim3A_330 = arith.constant 21 : i32
        %broadcast_in_dim3A_331 = vector.broadcast %broadcast_in_dim3A_330 : i32 to vector<16xi32>
        tpu.vector_store_idx %arg14[%broadcast_in_dim3A_67, %iota3A, %broadcast_in_dim3A_331], %max3A_329 : memref<16x16x28xf32, #tpu.memory_space<vmem>>[vector<16xi32>, vector<16xi32>, vector<16xi32>], vector<16xf32>,
        %mul3A_332 = arith.mulf %gather3A_84, %gather3A_112 : vector<16xf32>
        %mul3A_333 = arith.mulf %gather3A_85, %gather3A_113 : vector<16xf32>
        %add3A_334 = arith.addf %mul3A_332, %mul3A_333 : vector<16xf32>
        %mul3A_335 = arith.mulf %gather3A_86, %gather3A_114 : vector<16xf32>
        %add3A_336 = arith.addf %add3A_334, %mul3A_335 : vector<16xf32>
        %add3A_337 = arith.addf %gather3A_87, %gather3A_115 : vector<16xf32>
        %mul3A_338 = arith.constant 2.000000e+00 : f32
        %mul3A_339 = vector.broadcast %mul3A_338 : f32 to vector<16xf32>
        %mul3A_340 = arith.mulf %mul3A_339, %add3A_336 : vector<16xf32>
        %sub3A_341 = arith.subf %add3A_337, %mul3A_340 : vector<16xf32>
        %max3A_342 = arith.constant 0.000000e+00 : f32
        %max3A_343 = vector.broadcast %max3A_342 : f32 to vector<16xf32>
        %max3A_344 = arith.maximumf %sub3A_341, %max3A_343 : vector<16xf32>
        %broadcast_in_dim3A_345 = arith.constant 22 : i32
        %broadcast_in_dim3A_346 = vector.broadcast %broadcast_in_dim3A_345 : i32 to vector<16xi32>
        tpu.vector_store_idx %arg14[%broadcast_in_dim3A_67, %iota3A, %broadcast_in_dim3A_346], %max3A_344 : memref<16x16x28xf32, #tpu.memory_space<vmem>>[vector<16xi32>, vector<16xi32>, vector<16xi32>], vector<16xf32>,
        %mul3A_347 = arith.mulf %gather3A_84, %gather3A_119 : vector<16xf32>
        %mul3A_348 = arith.mulf %gather3A_85, %gather3A_120 : vector<16xf32>
        %add3A_349 = arith.addf %mul3A_347, %mul3A_348 : vector<16xf32>
        %mul3A_350 = arith.mulf %gather3A_86, %gather3A_121 : vector<16xf32>
        %add3A_351 = arith.addf %add3A_349, %mul3A_350 : vector<16xf32>
        %add3A_352 = arith.addf %gather3A_87, %gather3A_122 : vector<16xf32>
        %mul3A_353 = arith.constant 2.000000e+00 : f32
        %mul3A_354 = vector.broadcast %mul3A_353 : f32 to vector<16xf32>
        %mul3A_355 = arith.mulf %mul3A_354, %add3A_351 : vector<16xf32>
        %sub3A_356 = arith.subf %add3A_352, %mul3A_355 : vector<16xf32>
        %max3A_357 = arith.constant 0.000000e+00 : f32
        %max3A_358 = vector.broadcast %max3A_357 : f32 to vector<16xf32>
        %max3A_359 = arith.maximumf %sub3A_356, %max3A_358 : vector<16xf32>
        %broadcast_in_dim3A_360 = arith.constant 23 : i32
        %broadcast_in_dim3A_361 = vector.broadcast %broadcast_in_dim3A_360 : i32 to vector<16xi32>
        tpu.vector_store_idx %arg14[%broadcast_in_dim3A_67, %iota3A, %broadcast_in_dim3A_361], %max3A_359 : memref<16x16x28xf32, #tpu.memory_space<vmem>>[vector<16xi32>, vector<16xi32>, vector<16xi32>], vector<16xf32>,
        %mul3A_362 = arith.mulf %gather3A_91, %gather3A_98 : vector<16xf32>
        %mul3A_363 = arith.mulf %gather3A_92, %gather3A_99 : vector<16xf32>
        %add3A_364 = arith.addf %mul3A_362, %mul3A_363 : vector<16xf32>
        %mul3A_365 = arith.mulf %gather3A_93, %gather3A_100 : vector<16xf32>
        %add3A_366 = arith.addf %add3A_364, %mul3A_365 : vector<16xf32>
        %add3A_367 = arith.addf %gather3A_94, %gather3A_101 : vector<16xf32>
        %mul3A_368 = arith.constant 2.000000e+00 : f32
        %mul3A_369 = vector.broadcast %mul3A_368 : f32 to vector<16xf32>
        %mul3A_370 = arith.mulf %mul3A_369, %add3A_366 : vector<16xf32>
        %sub3A_371 = arith.subf %add3A_367, %mul3A_370 : vector<16xf32>
        %max3A_372 = arith.constant 0.000000e+00 : f32
        %max3A_373 = vector.broadcast %max3A_372 : f32 to vector<16xf32>
        %max3A_374 = arith.maximumf %sub3A_371, %max3A_373 : vector<16xf32>
        %broadcast_in_dim3A_375 = arith.constant 24 : i32
        %broadcast_in_dim3A_376 = vector.broadcast %broadcast_in_dim3A_375 : i32 to vector<16xi32>
        tpu.vector_store_idx %arg14[%broadcast_in_dim3A_67, %iota3A, %broadcast_in_dim3A_376], %max3A_374 : memref<16x16x28xf32, #tpu.memory_space<vmem>>[vector<16xi32>, vector<16xi32>, vector<16xi32>], vector<16xf32>,
        %mul3A_377 = arith.mulf %gather3A_91, %gather3A_105 : vector<16xf32>
        %mul3A_378 = arith.mulf %gather3A_92, %gather3A_106 : vector<16xf32>
        %add3A_379 = arith.addf %mul3A_377, %mul3A_378 : vector<16xf32>
        %mul3A_380 = arith.mulf %gather3A_93, %gather3A_107 : vector<16xf32>
        %add3A_381 = arith.addf %add3A_379, %mul3A_380 : vector<16xf32>
        %add3A_382 = arith.addf %gather3A_94, %gather3A_108 : vector<16xf32>
        %mul3A_383 = arith.constant 2.000000e+00 : f32
        %mul3A_384 = vector.broadcast %mul3A_383 : f32 to vector<16xf32>
        %mul3A_385 = arith.mulf %mul3A_384, %add3A_381 : vector<16xf32>
        %sub3A_386 = arith.subf %add3A_382, %mul3A_385 : vector<16xf32>
        %max3A_387 = arith.constant 0.000000e+00 : f32
        %max3A_388 = vector.broadcast %max3A_387 : f32 to vector<16xf32>
        %max3A_389 = arith.maximumf %sub3A_386, %max3A_388 : vector<16xf32>
        %broadcast_in_dim3A_390 = arith.constant 25 : i32
        %broadcast_in_dim3A_391 = vector.broadcast %broadcast_in_dim3A_390 : i32 to vector<16xi32>
        tpu.vector_store_idx %arg14[%broadcast_in_dim3A_67, %iota3A, %broadcast_in_dim3A_391], %max3A_389 : memref<16x16x28xf32, #tpu.memory_space<vmem>>[vector<16xi32>, vector<16xi32>, vector<16xi32>], vector<16xf32>,
        %mul3A_392 = arith.mulf %gather3A_91, %gather3A_112 : vector<16xf32>
        %mul3A_393 = arith.mulf %gather3A_92, %gather3A_113 : vector<16xf32>
        %add3A_394 = arith.addf %mul3A_392, %mul3A_393 : vector<16xf32>
        %mul3A_395 = arith.mulf %gather3A_93, %gather3A_114 : vector<16xf32>
        %add3A_396 = arith.addf %add3A_394, %mul3A_395 : vector<16xf32>
        %add3A_397 = arith.addf %gather3A_94, %gather3A_115 : vector<16xf32>
        %mul3A_398 = arith.constant 2.000000e+00 : f32
        %mul3A_399 = vector.broadcast %mul3A_398 : f32 to vector<16xf32>
        %mul3A_400 = arith.mulf %mul3A_399, %add3A_396 : vector<16xf32>
        %sub3A_401 = arith.subf %add3A_397, %mul3A_400 : vector<16xf32>
        %max3A_402 = arith.constant 0.000000e+00 : f32
        %max3A_403 = vector.broadcast %max3A_402 : f32 to vector<16xf32>
        %max3A_404 = arith.maximumf %sub3A_401, %max3A_403 : vector<16xf32>
        %broadcast_in_dim3A_405 = arith.constant 26 : i32
        %broadcast_in_dim3A_406 = vector.broadcast %broadcast_in_dim3A_405 : i32 to vector<16xi32>
        tpu.vector_store_idx %arg14[%broadcast_in_dim3A_67, %iota3A, %broadcast_in_dim3A_406], %max3A_404 : memref<16x16x28xf32, #tpu.memory_space<vmem>>[vector<16xi32>, vector<16xi32>, vector<16xi32>], vector<16xf32>,
        %mul3A_407 = arith.mulf %gather3A_91, %gather3A_119 : vector<16xf32>
        %mul3A_408 = arith.mulf %gather3A_92, %gather3A_120 : vector<16xf32>
        %add3A_409 = arith.addf %mul3A_407, %mul3A_408 : vector<16xf32>
        %mul3A_410 = arith.mulf %gather3A_93, %gather3A_121 : vector<16xf32>
        %add3A_411 = arith.addf %add3A_409, %mul3A_410 : vector<16xf32>
        %add3A_412 = arith.addf %gather3A_94, %gather3A_122 : vector<16xf32>
        %mul3A_413 = arith.constant 2.000000e+00 : f32
        %mul3A_414 = vector.broadcast %mul3A_413 : f32 to vector<16xf32>
        %mul3A_415 = arith.mulf %mul3A_414, %add3A_411 : vector<16xf32>
        %sub3A_416 = arith.subf %add3A_412, %mul3A_415 : vector<16xf32>
        %max3A_417 = arith.constant 0.000000e+00 : f32
        %max3A_418 = vector.broadcast %max3A_417 : f32 to vector<16xf32>
        %max3A_419 = arith.maximumf %sub3A_416, %max3A_418 : vector<16xf32>
        %broadcast_in_dim3A_420 = arith.constant 27 : i32
        %broadcast_in_dim3A_421 = vector.broadcast %broadcast_in_dim3A_420 : i32 to vector<16xi32>
        tpu.vector_store_idx %arg14[%broadcast_in_dim3A_67, %iota3A, %broadcast_in_dim3A_421], %max3A_419 : memref<16x16x28xf32, #tpu.memory_space<vmem>>[vector<16xi32>, vector<16xi32>, vector<16xi32>], vector<16xf32>,
      }
      %scan3A_56 = arith.constant 16 : i32
      %mul3A_57 = arith.constant 16 : i32
      %mul3A_58 = arith.muli %scan3A_50, %mul3A_57 : i32
      %add3A_59 = arith.addi %mul3A_32, %mul3A_58 : i32
      "tpu.region"() ({
        %run_scoped3A = tpu.sem_alloc : memref<!tpu.dma_semaphore, #tpu.memory_space<semaphore_mem>>
        %dma_start3A = arith.constant 0 : i32
        %dma_start3A_60 = arith.constant 0 : i32
        %dma_start3A_61 = tpu.memref_slice %arg5[%select_n3A, %add3A_59, %dma_start3A, %dma_start3A_60] : memref<8x2048x16x28xf32, #tpu.memory_space<hbm>> -> memref<1x16x16x28xf32, #tpu.memory_space<hbm>>
        %dma_start3A_62 = tpu.memref_squeeze %dma_start3A_61 : memref<1x16x16x28xf32, #tpu.memory_space<hbm>> -> memref<16x16x28xf32, #tpu.memory_space<hbm>>
        %dma_start3A_63 = arith.constant 0 : i32
        %dma_start3A_64 = arith.constant 0 : i32
        %dma_start3A_65 = tpu.memref_slice %arg5[%select_n3A, %add3A_59, %dma_start3A_63, %dma_start3A_64] : memref<8x2048x16x28xf32, #tpu.memory_space<hbm>> -> memref<1x16x16x28xf32, #tpu.memory_space<hbm>>
        %dma_start3A_66 = tpu.memref_squeeze %dma_start3A_65 : memref<1x16x16x28xf32, #tpu.memory_space<hbm>> -> memref<16x16x28xf32, #tpu.memory_space<hbm>>
        tpu.enqueue_dma source(%arg14 : memref<16x16x28xf32, #tpu.memory_space<vmem>>) target(%dma_start3A_66 : memref<16x16x28xf32, #tpu.memory_space<hbm>>) target_semaphore(%run_scoped3A : memref<!tpu.dma_semaphore, #tpu.memory_space<semaphore_mem>>)
        %dma_wait3A = arith.constant 0 : i32
        %dma_wait3A_67 = arith.constant 0 : i32
        %dma_wait3A_68 = tpu.memref_slice %arg5[%select_n3A, %add3A_59, %dma_wait3A, %dma_wait3A_67] : memref<8x2048x16x28xf32, #tpu.memory_space<hbm>> -> memref<1x16x16x28xf32, #tpu.memory_space<hbm>>
        %dma_wait3A_69 = tpu.memref_squeeze %dma_wait3A_68 : memref<1x16x16x28xf32, #tpu.memory_space<hbm>> -> memref<16x16x28xf32, #tpu.memory_space<hbm>>
        %dma_wait3A_70 = arith.constant 0 : i32
        %dma_wait3A_71 = arith.constant 0 : i32
        %dma_wait3A_72 = tpu.memref_slice %arg5[%select_n3A, %add3A_59, %dma_wait3A_70, %dma_wait3A_71] : memref<8x2048x16x28xf32, #tpu.memory_space<hbm>> -> memref<1x16x16x28xf32, #tpu.memory_space<hbm>>
        %dma_wait3A_73 = tpu.memref_squeeze %dma_wait3A_72 : memref<1x16x16x28xf32, #tpu.memory_space<hbm>> -> memref<16x16x28xf32, #tpu.memory_space<hbm>>
        tpu.wait_dma2 semaphore(%run_scoped3A : memref<!tpu.dma_semaphore, #tpu.memory_space<semaphore_mem>>) src(%arg14 : memref<16x16x28xf32, #tpu.memory_space<vmem>>) dst(%dma_wait3A_73 : memref<16x16x28xf32, #tpu.memory_space<hbm>>)
        tpu.yield
      }) : () -> ()
    }
    %scan3A_49 = arith.constant 32 : i32
    return
  }
}

#map = affine_map<(d0, d1) -> (0, 0, 0)>
module attributes {stable_mosaic.version = 14 : i64} {
  func.func @_topk_kernel(%arg0: i32, %arg1: i32, %arg2: memref<8x2048x3xf32, #tpu.memory_space<hbm>>, %arg3: memref<8x2048x16xi32, #tpu.memory_space<hbm>>, %arg4: memref<8x2048x16xf32, #tpu.memory_space<hbm>>, %arg5: memref<2048x3xf32, #tpu.memory_space<vmem>>, %arg6: memref<2048xf32, #tpu.memory_space<vmem>>, %arg7: memref<2048xf32, #tpu.memory_space<vmem>>, %arg8: memref<2048xf32, #tpu.memory_space<vmem>>, %arg9: memref<2048xf32, #tpu.memory_space<vmem>>, %arg10: memref<512x16xi32, #tpu.memory_space<vmem>>, %arg11: memref<512x16xf32, #tpu.memory_space<vmem>>) attributes {dimension_semantics = [#tpu.dimension_semantics<core_parallel>, #tpu.dimension_semantics<subcore_parallel>], iteration_bounds = array<i64: 2, 16>, scalar_prefetch = 0 : i64, scratch_operands = 7 : i64, tpu.core_type = #tpu.core_type<sc_vector_subcore>, window_params = [{transform_indices = #map}, {transform_indices = #map}, {transform_indices = #map}]} {
    %mul3A = arith.constant 2 : i32
    %mul3A_0 = arith.muli %arg1, %mul3A : i32
    %add3A = arith.addi %mul3A_0, %arg0 : i32
    %jit3A = arith.constant 4 : i32
    %div3A = arith.divsi %add3A, %jit3A : i32
    %sign3A = arith.constant 0 : i32
    %sign3A_1 = arith.cmpi sgt, %add3A, %sign3A : i32
    %sign3A_2 = arith.extui %sign3A_1 : i1 to i32
    %sign3A_3 = arith.constant 0 : i32
    %sign3A_4 = arith.cmpi slt, %add3A, %sign3A_3 : i32
    %sign3A_5 = arith.extui %sign3A_4 : i1 to i32
    %sign3A_6 = arith.subi %sign3A_2, %sign3A_5 : i32
    %sign3A_7 = arith.constant 0 : i32
    %sign3A_8 = arith.cmpi sgt, %jit3A, %sign3A_7 : i32
    %sign3A_9 = arith.extui %sign3A_8 : i1 to i32
    %sign3A_10 = arith.constant 0 : i32
    %sign3A_11 = arith.cmpi slt, %jit3A, %sign3A_10 : i32
    %sign3A_12 = arith.extui %sign3A_11 : i1 to i32
    %sign3A_13 = arith.subi %sign3A_9, %sign3A_12 : i32
    %ne3A = arith.cmpi ne, %sign3A_6, %sign3A_13 : i32
    %rem3A = arith.remsi %add3A, %jit3A : i32
    %ne3A_14 = arith.constant 0 : i32
    %ne3A_15 = arith.cmpi ne, %rem3A, %ne3A_14 : i32
    %and3A = arith.andi %ne3A, %ne3A_15 : i1
    %sub3A = arith.constant 1 : i32
    %sub3A_16 = arith.subi %div3A, %sub3A : i32
    %select_n3A = arith.select %and3A, %sub3A_16, %div3A : i32
    %jit3A_17 = arith.constant 4 : i32
    %eq3A = arith.constant 0 : i32
    %eq3A_18 = arith.cmpi eq, %jit3A_17, %eq3A : i32
    %jit3A_19 = arith.constant 1 : i32
    %select_n3A_20 = arith.select %eq3A_18, %jit3A_19, %jit3A_17 : i32
    %rem3A_21 = arith.remsi %add3A, %select_n3A_20 : i32
    %ne3A_22 = arith.constant 0 : i32
    %ne3A_23 = arith.cmpi ne, %rem3A_21, %ne3A_22 : i32
    %lt3A = arith.constant 0 : i32
    %lt3A_24 = arith.cmpi slt, %rem3A_21, %lt3A : i32
    %lt3A_25 = arith.constant 0 : i32
    %lt3A_26 = arith.cmpi slt, %select_n3A_20, %lt3A_25 : i32
    %ne3A_27 = arith.xori %lt3A_24, %lt3A_26 : i1
    %and3A_28 = arith.andi %ne3A_27, %ne3A_23 : i1
    %add3A_29 = arith.addi %rem3A_21, %select_n3A_20 : i32
    %select_n3A_30 = arith.select %and3A_28, %add3A_29, %rem3A_21 : i32
    %mul3A_31 = arith.constant 512 : i32
    %mul3A_32 = arith.muli %select_n3A_30, %mul3A_31 : i32
    "tpu.region"() ({
      %run_scoped3A = tpu.sem_alloc : memref<!tpu.dma_semaphore, #tpu.memory_space<semaphore_mem>>
      %dma_start3A = arith.constant 0 : i32
      %dma_start3A_45 = arith.constant 0 : i32
      %dma_start3A_46 = tpu.memref_slice %arg2[%select_n3A, %dma_start3A, %dma_start3A_45] : memref<8x2048x3xf32, #tpu.memory_space<hbm>> -> memref<1x2048x3xf32, #tpu.memory_space<hbm>>
      %dma_start3A_47 = tpu.memref_squeeze %dma_start3A_46 : memref<1x2048x3xf32, #tpu.memory_space<hbm>> -> memref<2048x3xf32, #tpu.memory_space<hbm>>
      %dma_start3A_48 = arith.constant 0 : i32
      %dma_start3A_49 = arith.constant 0 : i32
      %dma_start3A_50 = tpu.memref_slice %arg2[%select_n3A, %dma_start3A_48, %dma_start3A_49] : memref<8x2048x3xf32, #tpu.memory_space<hbm>> -> memref<1x2048x3xf32, #tpu.memory_space<hbm>>
      %dma_start3A_51 = tpu.memref_squeeze %dma_start3A_50 : memref<1x2048x3xf32, #tpu.memory_space<hbm>> -> memref<2048x3xf32, #tpu.memory_space<hbm>>
      tpu.enqueue_dma source(%dma_start3A_51 : memref<2048x3xf32, #tpu.memory_space<hbm>>) target(%arg5 : memref<2048x3xf32, #tpu.memory_space<vmem>>) target_semaphore(%run_scoped3A : memref<!tpu.dma_semaphore, #tpu.memory_space<semaphore_mem>>)
      %dma_wait3A = arith.constant 0 : i32
      %dma_wait3A_52 = arith.constant 0 : i32
      %dma_wait3A_53 = tpu.memref_slice %arg2[%select_n3A, %dma_wait3A, %dma_wait3A_52] : memref<8x2048x3xf32, #tpu.memory_space<hbm>> -> memref<1x2048x3xf32, #tpu.memory_space<hbm>>
      %dma_wait3A_54 = tpu.memref_squeeze %dma_wait3A_53 : memref<1x2048x3xf32, #tpu.memory_space<hbm>> -> memref<2048x3xf32, #tpu.memory_space<hbm>>
      %dma_wait3A_55 = arith.constant 0 : i32
      %dma_wait3A_56 = arith.constant 0 : i32
      %dma_wait3A_57 = tpu.memref_slice %arg2[%select_n3A, %dma_wait3A_55, %dma_wait3A_56] : memref<8x2048x3xf32, #tpu.memory_space<hbm>> -> memref<1x2048x3xf32, #tpu.memory_space<hbm>>
      %dma_wait3A_58 = tpu.memref_squeeze %dma_wait3A_57 : memref<1x2048x3xf32, #tpu.memory_space<hbm>> -> memref<2048x3xf32, #tpu.memory_space<hbm>>
      tpu.wait_dma2 semaphore(%run_scoped3A : memref<!tpu.dma_semaphore, #tpu.memory_space<semaphore_mem>>) src(%dma_wait3A_58 : memref<2048x3xf32, #tpu.memory_space<hbm>>) dst(%arg5 : memref<2048x3xf32, #tpu.memory_space<vmem>>)
      tpu.yield
    }) : () -> ()
    %iota3A = tpu.iota {dimensions = array<i32: 0>} : vector<16xi32>
    %broadcast_in_dim3A = arith.constant 0x7F800000 : f32
    %broadcast_in_dim3A_33 = vector.broadcast %broadcast_in_dim3A : f32 to vector<16xf32>
    %scan3A = arith.constant 0 : i32
    %scan3A_34 = arith.constant 0 : i32
    %scan3A_35 = arith.constant 128 : i32
    %scan3A_36 = arith.addi %scan3A_34, %scan3A_35 : i32
    %scan3A_37 = arith.constant 1 : i32
    scf.for %scan3A_45 = %scan3A_34 to %scan3A_36 step %scan3A_37  : i32 {
      %mul3A_46 = arith.constant 16 : i32
      %mul3A_47 = arith.muli %scan3A_45, %mul3A_46 : i32
      %broadcast_in_dim3A_48 = vector.broadcast %mul3A_47 : i32 to vector<16xi32>
      %add3A_49 = arith.addi %iota3A, %broadcast_in_dim3A_48 : vector<16xi32>
      %broadcast_in_dim3A_50 = arith.constant 0 : i32
      %broadcast_in_dim3A_51 = vector.broadcast %broadcast_in_dim3A_50 : i32 to vector<16xi32>
      %gather3A = tpu.vector_load_idx %arg5[%add3A_49, %broadcast_in_dim3A_51] : memref<2048x3xf32, #tpu.memory_space<vmem>>[vector<16xi32>, vector<16xi32>], vector<16xf32>,
      %broadcast_in_dim3A_52 = arith.constant 1 : i32
      %broadcast_in_dim3A_53 = vector.broadcast %broadcast_in_dim3A_52 : i32 to vector<16xi32>
      %gather3A_54 = tpu.vector_load_idx %arg5[%add3A_49, %broadcast_in_dim3A_53] : memref<2048x3xf32, #tpu.memory_space<vmem>>[vector<16xi32>, vector<16xi32>], vector<16xf32>,
      %broadcast_in_dim3A_55 = arith.constant 2 : i32
      %broadcast_in_dim3A_56 = vector.broadcast %broadcast_in_dim3A_55 : i32 to vector<16xi32>
      %gather3A_57 = tpu.vector_load_idx %arg5[%add3A_49, %broadcast_in_dim3A_56] : memref<2048x3xf32, #tpu.memory_space<vmem>>[vector<16xi32>, vector<16xi32>], vector<16xf32>,
      %mul3A_58 = arith.mulf %gather3A, %gather3A : vector<16xf32>
      %mul3A_59 = arith.mulf %gather3A_54, %gather3A_54 : vector<16xf32>
      %add3A_60 = arith.addf %mul3A_58, %mul3A_59 : vector<16xf32>
      %mul3A_61 = arith.mulf %gather3A_57, %gather3A_57 : vector<16xf32>
      %add3A_62 = arith.addf %add3A_60, %mul3A_61 : vector<16xf32>
      %swap3A = arith.index_cast %mul3A_47 : i32 to index
      %swap3A_63 = tpu.vector_load %arg6[%swap3A] {strides = array<i32>} : memref<2048xf32, #tpu.memory_space<vmem>>, vector<16xf32>,
      tpu.vector_store %arg6[%swap3A], %add3A_62 {strides = array<i32>} : memref<2048xf32, #tpu.memory_space<vmem>>, vector<16xf32>,
      %bitcast3A = vector.bitcast %gather3A : vector<16xf32> to vector<16xi32>
      %shift_right_arithmetic3A = arith.constant 16 : i32
      %shift_right_arithmetic3A_64 = vector.broadcast %shift_right_arithmetic3A : i32 to vector<16xi32>
      %shift_right_arithmetic3A_65 = arith.shrsi %bitcast3A, %shift_right_arithmetic3A_64 : vector<16xi32>
      %and3A_66 = arith.constant 1 : i32
      %and3A_67 = vector.broadcast %and3A_66 : i32 to vector<16xi32>
      %and3A_68 = arith.andi %shift_right_arithmetic3A_65, %and3A_67 : vector<16xi32>
      %add3A_69 = arith.constant 32767 : i32
      %add3A_70 = vector.broadcast %add3A_69 : i32 to vector<16xi32>
      %add3A_71 = arith.addi %bitcast3A, %add3A_70 : vector<16xi32>
      %add3A_72 = arith.addi %add3A_71, %and3A_68 : vector<16xi32>
      %and3A_73 = arith.constant -65536 : i32
      %and3A_74 = vector.broadcast %and3A_73 : i32 to vector<16xi32>
      %and3A_75 = arith.andi %add3A_72, %and3A_74 : vector<16xi32>
      %bitcast3A_76 = vector.bitcast %and3A_75 : vector<16xi32> to vector<16xf32>
      %swap3A_77 = arith.index_cast %mul3A_47 : i32 to index
      %swap3A_78 = tpu.vector_load %arg7[%swap3A_77] {strides = array<i32>} : memref<2048xf32, #tpu.memory_space<vmem>>, vector<16xf32>,
      tpu.vector_store %arg7[%swap3A_77], %bitcast3A_76 {strides = array<i32>} : memref<2048xf32, #tpu.memory_space<vmem>>, vector<16xf32>,
      %bitcast3A_79 = vector.bitcast %gather3A_54 : vector<16xf32> to vector<16xi32>
      %shift_right_arithmetic3A_80 = arith.constant 16 : i32
      %shift_right_arithmetic3A_81 = vector.broadcast %shift_right_arithmetic3A_80 : i32 to vector<16xi32>
      %shift_right_arithmetic3A_82 = arith.shrsi %bitcast3A_79, %shift_right_arithmetic3A_81 : vector<16xi32>
      %and3A_83 = arith.constant 1 : i32
      %and3A_84 = vector.broadcast %and3A_83 : i32 to vector<16xi32>
      %and3A_85 = arith.andi %shift_right_arithmetic3A_82, %and3A_84 : vector<16xi32>
      %add3A_86 = arith.constant 32767 : i32
      %add3A_87 = vector.broadcast %add3A_86 : i32 to vector<16xi32>
      %add3A_88 = arith.addi %bitcast3A_79, %add3A_87 : vector<16xi32>
      %add3A_89 = arith.addi %add3A_88, %and3A_85 : vector<16xi32>
      %and3A_90 = arith.constant -65536 : i32
      %and3A_91 = vector.broadcast %and3A_90 : i32 to vector<16xi32>
      %and3A_92 = arith.andi %add3A_89, %and3A_91 : vector<16xi32>
      %bitcast3A_93 = vector.bitcast %and3A_92 : vector<16xi32> to vector<16xf32>
      %swap3A_94 = arith.index_cast %mul3A_47 : i32 to index
      %swap3A_95 = tpu.vector_load %arg8[%swap3A_94] {strides = array<i32>} : memref<2048xf32, #tpu.memory_space<vmem>>, vector<16xf32>,
      tpu.vector_store %arg8[%swap3A_94], %bitcast3A_93 {strides = array<i32>} : memref<2048xf32, #tpu.memory_space<vmem>>, vector<16xf32>,
      %bitcast3A_96 = vector.bitcast %gather3A_57 : vector<16xf32> to vector<16xi32>
      %shift_right_arithmetic3A_97 = arith.constant 16 : i32
      %shift_right_arithmetic3A_98 = vector.broadcast %shift_right_arithmetic3A_97 : i32 to vector<16xi32>
      %shift_right_arithmetic3A_99 = arith.shrsi %bitcast3A_96, %shift_right_arithmetic3A_98 : vector<16xi32>
      %and3A_100 = arith.constant 1 : i32
      %and3A_101 = vector.broadcast %and3A_100 : i32 to vector<16xi32>
      %and3A_102 = arith.andi %shift_right_arithmetic3A_99, %and3A_101 : vector<16xi32>
      %add3A_103 = arith.constant 32767 : i32
      %add3A_104 = vector.broadcast %add3A_103 : i32 to vector<16xi32>
      %add3A_105 = arith.addi %bitcast3A_96, %add3A_104 : vector<16xi32>
      %add3A_106 = arith.addi %add3A_105, %and3A_102 : vector<16xi32>
      %and3A_107 = arith.constant -65536 : i32
      %and3A_108 = vector.broadcast %and3A_107 : i32 to vector<16xi32>
      %and3A_109 = arith.andi %add3A_106, %and3A_108 : vector<16xi32>
      %bitcast3A_110 = vector.bitcast %and3A_109 : vector<16xi32> to vector<16xf32>
      %swap3A_111 = arith.index_cast %mul3A_47 : i32 to index
      %swap3A_112 = tpu.vector_load %arg9[%swap3A_111] {strides = array<i32>} : memref<2048xf32, #tpu.memory_space<vmem>>, vector<16xf32>,
      tpu.vector_store %arg9[%swap3A_111], %bitcast3A_110 {strides = array<i32>} : memref<2048xf32, #tpu.memory_space<vmem>>, vector<16xf32>,
    }
    %scan3A_38 = arith.constant 128 : i32
    %scan3A_39 = arith.constant 0 : i32
    %scan3A_40 = arith.constant 0 : i32
    %scan3A_41 = arith.constant 128 : i32
    %scan3A_42 = arith.addi %scan3A_40, %scan3A_41 : i32
    %scan3A_43 = arith.constant 1 : i32
    scf.for %scan3A_45 = %scan3A_40 to %scan3A_42 step %scan3A_43  : i32 {
      %mul3A_46 = arith.constant 4 : i32
      %mul3A_47 = arith.muli %scan3A_45, %mul3A_46 : i32
      %add3A_48 = arith.addi %mul3A_32, %mul3A_47 : i32
      %add3A_49 = arith.constant 0 : i32
      %add3A_50 = arith.addi %add3A_48, %add3A_49 : i32
      %broadcast_in_dim3A_51 = vector.broadcast %add3A_50 : i32 to vector<16xi32>
      %gather3A = tpu.vector_load_idx %arg6[%broadcast_in_dim3A_51] : memref<2048xf32, #tpu.memory_space<vmem>>[vector<16xi32>], vector<16xf32>,
      %gather3A_52 = tpu.vector_load_idx %arg7[%broadcast_in_dim3A_51] : memref<2048xf32, #tpu.memory_space<vmem>>[vector<16xi32>], vector<16xf32>,
      %gather3A_53 = tpu.vector_load_idx %arg8[%broadcast_in_dim3A_51] : memref<2048xf32, #tpu.memory_space<vmem>>[vector<16xi32>], vector<16xf32>,
      %gather3A_54 = tpu.vector_load_idx %arg9[%broadcast_in_dim3A_51] : memref<2048xf32, #tpu.memory_space<vmem>>[vector<16xi32>], vector<16xf32>,
      %add3A_55 = arith.constant 1 : i32
      %add3A_56 = arith.addi %add3A_48, %add3A_55 : i32
      %broadcast_in_dim3A_57 = vector.broadcast %add3A_56 : i32 to vector<16xi32>
      %gather3A_58 = tpu.vector_load_idx %arg6[%broadcast_in_dim3A_57] : memref<2048xf32, #tpu.memory_space<vmem>>[vector<16xi32>], vector<16xf32>,
      %gather3A_59 = tpu.vector_load_idx %arg7[%broadcast_in_dim3A_57] : memref<2048xf32, #tpu.memory_space<vmem>>[vector<16xi32>], vector<16xf32>,
      %gather3A_60 = tpu.vector_load_idx %arg8[%broadcast_in_dim3A_57] : memref<2048xf32, #tpu.memory_space<vmem>>[vector<16xi32>], vector<16xf32>,
      %gather3A_61 = tpu.vector_load_idx %arg9[%broadcast_in_dim3A_57] : memref<2048xf32, #tpu.memory_space<vmem>>[vector<16xi32>], vector<16xf32>,
      %add3A_62 = arith.constant 2 : i32
      %add3A_63 = arith.addi %add3A_48, %add3A_62 : i32
      %broadcast_in_dim3A_64 = vector.broadcast %add3A_63 : i32 to vector<16xi32>
      %gather3A_65 = tpu.vector_load_idx %arg6[%broadcast_in_dim3A_64] : memref<2048xf32, #tpu.memory_space<vmem>>[vector<16xi32>], vector<16xf32>,
      %gather3A_66 = tpu.vector_load_idx %arg7[%broadcast_in_dim3A_64] : memref<2048xf32, #tpu.memory_space<vmem>>[vector<16xi32>], vector<16xf32>,
      %gather3A_67 = tpu.vector_load_idx %arg8[%broadcast_in_dim3A_64] : memref<2048xf32, #tpu.memory_space<vmem>>[vector<16xi32>], vector<16xf32>,
      %gather3A_68 = tpu.vector_load_idx %arg9[%broadcast_in_dim3A_64] : memref<2048xf32, #tpu.memory_space<vmem>>[vector<16xi32>], vector<16xf32>,
      %add3A_69 = arith.constant 3 : i32
      %add3A_70 = arith.addi %add3A_48, %add3A_69 : i32
      %broadcast_in_dim3A_71 = vector.broadcast %add3A_70 : i32 to vector<16xi32>
      %gather3A_72 = tpu.vector_load_idx %arg6[%broadcast_in_dim3A_71] : memref<2048xf32, #tpu.memory_space<vmem>>[vector<16xi32>], vector<16xf32>,
      %gather3A_73 = tpu.vector_load_idx %arg7[%broadcast_in_dim3A_71] : memref<2048xf32, #tpu.memory_space<vmem>>[vector<16xi32>], vector<16xf32>,
      %gather3A_74 = tpu.vector_load_idx %arg8[%broadcast_in_dim3A_71] : memref<2048xf32, #tpu.memory_space<vmem>>[vector<16xi32>], vector<16xf32>,
      %gather3A_75 = tpu.vector_load_idx %arg9[%broadcast_in_dim3A_71] : memref<2048xf32, #tpu.memory_space<vmem>>[vector<16xi32>], vector<16xf32>,
      %scan3A_76 = arith.constant 0 : i32
      %scan3A_77 = arith.constant 128 : i32
      %scan3A_78 = arith.addi %scan3A_76, %scan3A_77 : i32
      %scan3A_79 = arith.constant 2 : i32
      %scan3A_80:12 = scf.for %scan3A_137 = %scan3A_76 to %scan3A_78 step %scan3A_79 iter_args(%scan3A_138 = %broadcast_in_dim3A_33, %scan3A_139 = %iota3A, %scan3A_140 = %broadcast_in_dim3A_33, %scan3A_141 = %broadcast_in_dim3A_33, %scan3A_142 = %iota3A, %scan3A_143 = %broadcast_in_dim3A_33, %scan3A_144 = %broadcast_in_dim3A_33, %scan3A_145 = %iota3A, %scan3A_146 = %broadcast_in_dim3A_33, %scan3A_147 = %broadcast_in_dim3A_33, %scan3A_148 = %iota3A, %scan3A_149 = %broadcast_in_dim3A_33) -> (vector<16xf32>, vector<16xi32>, vector<16xf32>, vector<16xf32>, vector<16xi32>, vector<16xf32>, vector<16xf32>, vector<16xi32>, vector<16xf32>, vector<16xf32>, vector<16xi32>, vector<16xf32>)  : i32 {
        %mul3A_150 = arith.constant 16 : i32
        %mul3A_151 = arith.muli %scan3A_137, %mul3A_150 : i32
        %get3A = arith.index_cast %mul3A_151 : i32 to index
        %get3A_152 = tpu.vector_load %arg7[%get3A] {strides = array<i32>} : memref<2048xf32, #tpu.memory_space<vmem>>, vector<16xf32>,
        %get3A_153 = arith.index_cast %mul3A_151 : i32 to index
        %get3A_154 = tpu.vector_load %arg8[%get3A_153] {strides = array<i32>} : memref<2048xf32, #tpu.memory_space<vmem>>, vector<16xf32>,
        %get3A_155 = arith.index_cast %mul3A_151 : i32 to index
        %get3A_156 = tpu.vector_load %arg9[%get3A_155] {strides = array<i32>} : memref<2048xf32, #tpu.memory_space<vmem>>, vector<16xf32>,
        %get3A_157 = arith.index_cast %mul3A_151 : i32 to index
        %get3A_158 = tpu.vector_load %arg6[%get3A_157] {strides = array<i32>} : memref<2048xf32, #tpu.memory_space<vmem>>, vector<16xf32>,
        %mul3A_159 = arith.mulf %get3A_152, %gather3A_52 : vector<16xf32>
        %mul3A_160 = arith.mulf %get3A_154, %gather3A_53 : vector<16xf32>
        %add3A_161 = arith.addf %mul3A_159, %mul3A_160 : vector<16xf32>
        %mul3A_162 = arith.mulf %get3A_156, %gather3A_54 : vector<16xf32>
        %add3A_163 = arith.addf %add3A_161, %mul3A_162 : vector<16xf32>
        %add3A_164 = arith.addf %gather3A, %get3A_158 : vector<16xf32>
        %mul3A_165 = arith.constant 2.000000e+00 : f32
        %mul3A_166 = vector.broadcast %mul3A_165 : f32 to vector<16xf32>
        %mul3A_167 = arith.mulf %mul3A_166, %add3A_163 : vector<16xf32>
        %sub3A_168 = arith.subf %add3A_164, %mul3A_167 : vector<16xf32>
        %max3A = arith.constant 0.000000e+00 : f32
        %max3A_169 = vector.broadcast %max3A : f32 to vector<16xf32>
        %max3A_170 = arith.maximumf %sub3A_168, %max3A_169 : vector<16xf32>
        %lt3A_171 = arith.cmpf olt, %max3A_170, %scan3A_140 : vector<16xf32>
        %mul3A_172 = arith.mulf %get3A_152, %gather3A_59 : vector<16xf32>
        %mul3A_173 = arith.mulf %get3A_154, %gather3A_60 : vector<16xf32>
        %add3A_174 = arith.addf %mul3A_172, %mul3A_173 : vector<16xf32>
        %mul3A_175 = arith.mulf %get3A_156, %gather3A_61 : vector<16xf32>
        %add3A_176 = arith.addf %add3A_174, %mul3A_175 : vector<16xf32>
        %add3A_177 = arith.addf %gather3A_58, %get3A_158 : vector<16xf32>
        %mul3A_178 = arith.constant 2.000000e+00 : f32
        %mul3A_179 = vector.broadcast %mul3A_178 : f32 to vector<16xf32>
        %mul3A_180 = arith.mulf %mul3A_179, %add3A_176 : vector<16xf32>
        %sub3A_181 = arith.subf %add3A_177, %mul3A_180 : vector<16xf32>
        %max3A_182 = arith.constant 0.000000e+00 : f32
        %max3A_183 = vector.broadcast %max3A_182 : f32 to vector<16xf32>
        %max3A_184 = arith.maximumf %sub3A_181, %max3A_183 : vector<16xf32>
        %lt3A_185 = arith.cmpf olt, %max3A_184, %scan3A_143 : vector<16xf32>
        %or3A = arith.ori %lt3A_171, %lt3A_185 : vector<16xi1>
        %mul3A_186 = arith.mulf %get3A_152, %gather3A_66 : vector<16xf32>
        %mul3A_187 = arith.mulf %get3A_154, %gather3A_67 : vector<16xf32>
        %add3A_188 = arith.addf %mul3A_186, %mul3A_187 : vector<16xf32>
        %mul3A_189 = arith.mulf %get3A_156, %gather3A_68 : vector<16xf32>
        %add3A_190 = arith.addf %add3A_188, %mul3A_189 : vector<16xf32>
        %add3A_191 = arith.addf %gather3A_65, %get3A_158 : vector<16xf32>
        %mul3A_192 = arith.constant 2.000000e+00 : f32
        %mul3A_193 = vector.broadcast %mul3A_192 : f32 to vector<16xf32>
        %mul3A_194 = arith.mulf %mul3A_193, %add3A_190 : vector<16xf32>
        %sub3A_195 = arith.subf %add3A_191, %mul3A_194 : vector<16xf32>
        %max3A_196 = arith.constant 0.000000e+00 : f32
        %max3A_197 = vector.broadcast %max3A_196 : f32 to vector<16xf32>
        %max3A_198 = arith.maximumf %sub3A_195, %max3A_197 : vector<16xf32>
        %lt3A_199 = arith.cmpf olt, %max3A_198, %scan3A_146 : vector<16xf32>
        %or3A_200 = arith.ori %or3A, %lt3A_199 : vector<16xi1>
        %mul3A_201 = arith.mulf %get3A_152, %gather3A_73 : vector<16xf32>
        %mul3A_202 = arith.mulf %get3A_154, %gather3A_74 : vector<16xf32>
        %add3A_203 = arith.addf %mul3A_201, %mul3A_202 : vector<16xf32>
        %mul3A_204 = arith.mulf %get3A_156, %gather3A_75 : vector<16xf32>
        %add3A_205 = arith.addf %add3A_203, %mul3A_204 : vector<16xf32>
        %add3A_206 = arith.addf %gather3A_72, %get3A_158 : vector<16xf32>
        %mul3A_207 = arith.constant 2.000000e+00 : f32
        %mul3A_208 = vector.broadcast %mul3A_207 : f32 to vector<16xf32>
        %mul3A_209 = arith.mulf %mul3A_208, %add3A_205 : vector<16xf32>
        %sub3A_210 = arith.subf %add3A_206, %mul3A_209 : vector<16xf32>
        %max3A_211 = arith.constant 0.000000e+00 : f32
        %max3A_212 = vector.broadcast %max3A_211 : f32 to vector<16xf32>
        %max3A_213 = arith.maximumf %sub3A_210, %max3A_212 : vector<16xf32>
        %lt3A_214 = arith.cmpf olt, %max3A_213, %scan3A_149 : vector<16xf32>
        %or3A_215 = arith.ori %or3A_200, %lt3A_214 : vector<16xi1>
        %reduce_or3A = arith.constant 1.000000e+00 : f32
        %reduce_or3A_216 = arith.constant 0.000000e+00 : f32
        %reduce_or3A_217 = vector.broadcast %reduce_or3A : f32 to vector<16xf32>
        %reduce_or3A_218 = vector.broadcast %reduce_or3A_216 : f32 to vector<16xf32>
        %reduce_or3A_219 = arith.select %or3A_215, %reduce_or3A_217, %reduce_or3A_218 : vector<16xi1>, vector<16xf32>
        %reduce_or3A_220 = arith.constant true
        %reduce_or3A_221 = vector.broadcast %reduce_or3A_220 : i1 to vector<16xi1>
        %reduce_or3A_222 = tpu.scan <max>, %reduce_or3A_219 masked %reduce_or3A_221 : vector<16xf32>, vector<16xi1> -> vector<16xf32>
        %reduce_or3A_223 = vector.extract %reduce_or3A_222[15] : f32 from vector<16xf32>
        %reduce_or3A_224 = arith.constant 0.000000e+00 : f32
        %reduce_or3A_225 = arith.cmpf ogt, %reduce_or3A_223, %reduce_or3A_224 : f32
        %convert_element_type3A = arith.extui %reduce_or3A_225 : i1 to i32
        %cond3A = arith.constant 0 : i32
        %cond3A_226 = arith.cmpi ne, %convert_element_type3A, %cond3A : i32
        %cond3A_227:12 = scf.if %cond3A_226 -> (vector<16xf32>, vector<16xi32>, vector<16xf32>, vector<16xf32>, vector<16xi32>, vector<16xf32>, vector<16xf32>, vector<16xi32>, vector<16xf32>, vector<16xf32>, vector<16xi32>, vector<16xf32>) {
          %reduce_or3A_314 = arith.constant 1.000000e+00 : f32
          %reduce_or3A_315 = arith.constant 0.000000e+00 : f32
          %reduce_or3A_316 = vector.broadcast %reduce_or3A_314 : f32 to vector<16xf32>
          %reduce_or3A_317 = vector.broadcast %reduce_or3A_315 : f32 to vector<16xf32>
          %reduce_or3A_318 = arith.select %lt3A_171, %reduce_or3A_316, %reduce_or3A_317 : vector<16xi1>, vector<16xf32>
          %reduce_or3A_319 = arith.constant true
          %reduce_or3A_320 = vector.broadcast %reduce_or3A_319 : i1 to vector<16xi1>
          %reduce_or3A_321 = tpu.scan <max>, %reduce_or3A_318 masked %reduce_or3A_320 : vector<16xf32>, vector<16xi1> -> vector<16xf32>
          %reduce_or3A_322 = vector.extract %reduce_or3A_321[15] : f32 from vector<16xf32>
          %reduce_or3A_323 = arith.constant 0.000000e+00 : f32
          %reduce_or3A_324 = arith.cmpf ogt, %reduce_or3A_322, %reduce_or3A_323 : f32
          %convert_element_type3A_325 = arith.extui %reduce_or3A_324 : i1 to i32
          %cond3A_326 = arith.constant 0 : i32
          %cond3A_327 = arith.cmpi ne, %convert_element_type3A_325, %cond3A_326 : i32
          %cond3A_328:3 = scf.if %cond3A_327 -> (vector<16xf32>, vector<16xi32>, vector<16xf32>) {
            %broadcast_in_dim3A_374 = vector.broadcast %mul3A_151 : i32 to vector<16xi32>
            %add3A_375 = arith.addi %iota3A, %broadcast_in_dim3A_374 : vector<16xi32>
            %masked_sort3A = arith.constant dense<true> : vector<16xi1>
            %masked_sort3A_376, %masked_sort3A_377, %masked_sort3A_378 = tpu.sort %max3A_170, %add3A_375 masked %masked_sort3A : (vector<16xf32>, vector<16xi32>, vector<16xi1>) -> (vector<16xi1>, vector<16xf32>, vector<16xi32>)
            %rev3A = arith.constant 15 : i32
            %rev3A_379 = vector.broadcast %rev3A : i32 to vector<16xi32>
            %rev3A_380 = tpu.iota {dimensions = array<i32: 0>} : vector<16xi32>
            %rev3A_381 = arith.subi %rev3A_379, %rev3A_380 : vector<16xi32>
            %rev3A_382 = tpu.dynamic_gather %masked_sort3A_377[%rev3A_381] in [0] : vector<16xf32>, vector<16xi32> -> vector<16xf32>
            %rev3A_383 = arith.constant 15 : i32
            %rev3A_384 = vector.broadcast %rev3A_383 : i32 to vector<16xi32>
            %rev3A_385 = tpu.iota {dimensions = array<i32: 0>} : vector<16xi32>
            %rev3A_386 = arith.subi %rev3A_384, %rev3A_385 : vector<16xi32>
            %rev3A_387 = tpu.dynamic_gather %masked_sort3A_378[%rev3A_386] in [0] : vector<16xi32>, vector<16xi32> -> vector<16xi32>
            %le3A = arith.cmpf ole, %scan3A_138, %rev3A_382 : vector<16xf32>
            %jit3A_388 = arith.constant -1 : i32
            %jit3A_389 = arith.constant 0 : i32
            %broadcast_in_dim3A_390 = vector.broadcast %jit3A_388 : i32 to vector<16xi32>
            %broadcast_in_dim3A_391 = vector.broadcast %jit3A_389 : i32 to vector<16xi32>
            %select_n3A_392 = arith.select %le3A, %broadcast_in_dim3A_390, %broadcast_in_dim3A_391 : vector<16xi1>, vector<16xi32>
            %bitcast3A = vector.bitcast %scan3A_138 : vector<16xf32> to vector<16xi32>
            %bitcast3A_393 = vector.bitcast %rev3A_382 : vector<16xf32> to vector<16xi32>
            %and3A_394 = arith.andi %bitcast3A, %select_n3A_392 : vector<16xi32>
            %not3A = arith.constant dense<-1> : vector<16xi32>
            %not3A_395 = arith.xori %select_n3A_392, %not3A : vector<16xi32>
            %and3A_396 = arith.andi %bitcast3A_393, %not3A_395 : vector<16xi32>
            %or3A_397 = arith.ori %and3A_394, %and3A_396 : vector<16xi32>
            %bitcast3A_398 = vector.bitcast %or3A_397 : vector<16xi32> to vector<16xf32>
            %and3A_399 = arith.andi %scan3A_139, %select_n3A_392 : vector<16xi32>
            %not3A_400 = arith.constant dense<-1> : vector<16xi32>
            %not3A_401 = arith.xori %select_n3A_392, %not3A_400 : vector<16xi32>
            %and3A_402 = arith.andi %rev3A_387, %not3A_401 : vector<16xi32>
            %or3A_403 = arith.ori %and3A_399, %and3A_402 : vector<16xi32>
            %masked_sort3A_404 = arith.constant dense<true> : vector<16xi1>
            %masked_sort3A_405, %masked_sort3A_406, %masked_sort3A_407 = tpu.sort %bitcast3A_398, %or3A_403 masked %masked_sort3A_404 : (vector<16xf32>, vector<16xi32>, vector<16xi1>) -> (vector<16xi1>, vector<16xf32>, vector<16xi32>)
            %reduce_max3A = arith.constant true
            %reduce_max3A_408 = vector.broadcast %reduce_max3A : i1 to vector<16xi1>
            %reduce_max3A_409 = tpu.scan <max>, %masked_sort3A_406 masked %reduce_max3A_408 : vector<16xf32>, vector<16xi1> -> vector<16xf32>
            %reduce_max3A_410 = vector.extract %reduce_max3A_409[15] : f32 from vector<16xf32>
            %broadcast_in_dim3A_411 = vector.broadcast %reduce_max3A_410 : f32 to vector<16xf32>
            scf.yield %masked_sort3A_406, %masked_sort3A_407, %broadcast_in_dim3A_411 : vector<16xf32>, vector<16xi32>, vector<16xf32>
          } else {
            scf.yield %scan3A_138, %scan3A_139, %scan3A_140 : vector<16xf32>, vector<16xi32>, vector<16xf32>
          }
          %reduce_or3A_329 = arith.constant 1.000000e+00 : f32
          %reduce_or3A_330 = arith.constant 0.000000e+00 : f32
          %reduce_or3A_331 = vector.broadcast %reduce_or3A_329 : f32 to vector<16xf32>
          %reduce_or3A_332 = vector.broadcast %reduce_or3A_330 : f32 to vector<16xf32>
          %reduce_or3A_333 = arith.select %lt3A_185, %reduce_or3A_331, %reduce_or3A_332 : vector<16xi1>, vector<16xf32>
          %reduce_or3A_334 = arith.constant true
          %reduce_or3A_335 = vector.broadcast %reduce_or3A_334 : i1 to vector<16xi1>
          %reduce_or3A_336 = tpu.scan <max>, %reduce_or3A_333 masked %reduce_or3A_335 : vector<16xf32>, vector<16xi1> -> vector<16xf32>
          %reduce_or3A_337 = vector.extract %reduce_or3A_336[15] : f32 from vector<16xf32>
          %reduce_or3A_338 = arith.constant 0.000000e+00 : f32
          %reduce_or3A_339 = arith.cmpf ogt, %reduce_or3A_337, %reduce_or3A_338 : f32
          %convert_element_type3A_340 = arith.extui %reduce_or3A_339 : i1 to i32
          %cond3A_341 = arith.constant 0 : i32
          %cond3A_342 = arith.cmpi ne, %convert_element_type3A_340, %cond3A_341 : i32
          %cond3A_343:3 = scf.if %cond3A_342 -> (vector<16xf32>, vector<16xi32>, vector<16xf32>) {
            %broadcast_in_dim3A_374 = vector.broadcast %mul3A_151 : i32 to vector<16xi32>
            %add3A_375 = arith.addi %iota3A, %broadcast_in_dim3A_374 : vector<16xi32>
            %masked_sort3A = arith.constant dense<true> : vector<16xi1>
            %masked_sort3A_376, %masked_sort3A_377, %masked_sort3A_378 = tpu.sort %max3A_184, %add3A_375 masked %masked_sort3A : (vector<16xf32>, vector<16xi32>, vector<16xi1>) -> (vector<16xi1>, vector<16xf32>, vector<16xi32>)
            %rev3A = arith.constant 15 : i32
            %rev3A_379 = vector.broadcast %rev3A : i32 to vector<16xi32>
            %rev3A_380 = tpu.iota {dimensions = array<i32: 0>} : vector<16xi32>
            %rev3A_381 = arith.subi %rev3A_379, %rev3A_380 : vector<16xi32>
            %rev3A_382 = tpu.dynamic_gather %masked_sort3A_377[%rev3A_381] in [0] : vector<16xf32>, vector<16xi32> -> vector<16xf32>
            %rev3A_383 = arith.constant 15 : i32
            %rev3A_384 = vector.broadcast %rev3A_383 : i32 to vector<16xi32>
            %rev3A_385 = tpu.iota {dimensions = array<i32: 0>} : vector<16xi32>
            %rev3A_386 = arith.subi %rev3A_384, %rev3A_385 : vector<16xi32>
            %rev3A_387 = tpu.dynamic_gather %masked_sort3A_378[%rev3A_386] in [0] : vector<16xi32>, vector<16xi32> -> vector<16xi32>
            %le3A = arith.cmpf ole, %scan3A_141, %rev3A_382 : vector<16xf32>
            %jit3A_388 = arith.constant -1 : i32
            %jit3A_389 = arith.constant 0 : i32
            %broadcast_in_dim3A_390 = vector.broadcast %jit3A_388 : i32 to vector<16xi32>
            %broadcast_in_dim3A_391 = vector.broadcast %jit3A_389 : i32 to vector<16xi32>
            %select_n3A_392 = arith.select %le3A, %broadcast_in_dim3A_390, %broadcast_in_dim3A_391 : vector<16xi1>, vector<16xi32>
            %bitcast3A = vector.bitcast %scan3A_141 : vector<16xf32> to vector<16xi32>
            %bitcast3A_393 = vector.bitcast %rev3A_382 : vector<16xf32> to vector<16xi32>
            %and3A_394 = arith.andi %bitcast3A, %select_n3A_392 : vector<16xi32>
            %not3A = arith.constant dense<-1> : vector<16xi32>
            %not3A_395 = arith.xori %select_n3A_392, %not3A : vector<16xi32>
            %and3A_396 = arith.andi %bitcast3A_393, %not3A_395 : vector<16xi32>
            %or3A_397 = arith.ori %and3A_394, %and3A_396 : vector<16xi32>
            %bitcast3A_398 = vector.bitcast %or3A_397 : vector<16xi32> to vector<16xf32>
            %and3A_399 = arith.andi %scan3A_142, %select_n3A_392 : vector<16xi32>
            %not3A_400 = arith.constant dense<-1> : vector<16xi32>
            %not3A_401 = arith.xori %select_n3A_392, %not3A_400 : vector<16xi32>
            %and3A_402 = arith.andi %rev3A_387, %not3A_401 : vector<16xi32>
            %or3A_403 = arith.ori %and3A_399, %and3A_402 : vector<16xi32>
            %masked_sort3A_404 = arith.constant dense<true> : vector<16xi1>
            %masked_sort3A_405, %masked_sort3A_406, %masked_sort3A_407 = tpu.sort %bitcast3A_398, %or3A_403 masked %masked_sort3A_404 : (vector<16xf32>, vector<16xi32>, vector<16xi1>) -> (vector<16xi1>, vector<16xf32>, vector<16xi32>)
            %reduce_max3A = arith.constant true
            %reduce_max3A_408 = vector.broadcast %reduce_max3A : i1 to vector<16xi1>
            %reduce_max3A_409 = tpu.scan <max>, %masked_sort3A_406 masked %reduce_max3A_408 : vector<16xf32>, vector<16xi1> -> vector<16xf32>
            %reduce_max3A_410 = vector.extract %reduce_max3A_409[15] : f32 from vector<16xf32>
            %broadcast_in_dim3A_411 = vector.broadcast %reduce_max3A_410 : f32 to vector<16xf32>
            scf.yield %masked_sort3A_406, %masked_sort3A_407, %broadcast_in_dim3A_411 : vector<16xf32>, vector<16xi32>, vector<16xf32>
          } else {
            scf.yield %scan3A_141, %scan3A_142, %scan3A_143 : vector<16xf32>, vector<16xi32>, vector<16xf32>
          }
          %reduce_or3A_344 = arith.constant 1.000000e+00 : f32
          %reduce_or3A_345 = arith.constant 0.000000e+00 : f32
          %reduce_or3A_346 = vector.broadcast %reduce_or3A_344 : f32 to vector<16xf32>
          %reduce_or3A_347 = vector.broadcast %reduce_or3A_345 : f32 to vector<16xf32>
          %reduce_or3A_348 = arith.select %lt3A_199, %reduce_or3A_346, %reduce_or3A_347 : vector<16xi1>, vector<16xf32>
          %reduce_or3A_349 = arith.constant true
          %reduce_or3A_350 = vector.broadcast %reduce_or3A_349 : i1 to vector<16xi1>
          %reduce_or3A_351 = tpu.scan <max>, %reduce_or3A_348 masked %reduce_or3A_350 : vector<16xf32>, vector<16xi1> -> vector<16xf32>
          %reduce_or3A_352 = vector.extract %reduce_or3A_351[15] : f32 from vector<16xf32>
          %reduce_or3A_353 = arith.constant 0.000000e+00 : f32
          %reduce_or3A_354 = arith.cmpf ogt, %reduce_or3A_352, %reduce_or3A_353 : f32
          %convert_element_type3A_355 = arith.extui %reduce_or3A_354 : i1 to i32
          %cond3A_356 = arith.constant 0 : i32
          %cond3A_357 = arith.cmpi ne, %convert_element_type3A_355, %cond3A_356 : i32
          %cond3A_358:3 = scf.if %cond3A_357 -> (vector<16xf32>, vector<16xi32>, vector<16xf32>) {
            %broadcast_in_dim3A_374 = vector.broadcast %mul3A_151 : i32 to vector<16xi32>
            %add3A_375 = arith.addi %iota3A, %broadcast_in_dim3A_374 : vector<16xi32>
            %masked_sort3A = arith.constant dense<true> : vector<16xi1>
            %masked_sort3A_376, %masked_sort3A_377, %masked_sort3A_378 = tpu.sort %max3A_198, %add3A_375 masked %masked_sort3A : (vector<16xf32>, vector<16xi32>, vector<16xi1>) -> (vector<16xi1>, vector<16xf32>, vector<16xi32>)
            %rev3A = arith.constant 15 : i32
            %rev3A_379 = vector.broadcast %rev3A : i32 to vector<16xi32>
            %rev3A_380 = tpu.iota {dimensions = array<i32: 0>} : vector<16xi32>
            %rev3A_381 = arith.subi %rev3A_379, %rev3A_380 : vector<16xi32>
            %rev3A_382 = tpu.dynamic_gather %masked_sort3A_377[%rev3A_381] in [0] : vector<16xf32>, vector<16xi32> -> vector<16xf32>
            %rev3A_383 = arith.constant 15 : i32
            %rev3A_384 = vector.broadcast %rev3A_383 : i32 to vector<16xi32>
            %rev3A_385 = tpu.iota {dimensions = array<i32: 0>} : vector<16xi32>
            %rev3A_386 = arith.subi %rev3A_384, %rev3A_385 : vector<16xi32>
            %rev3A_387 = tpu.dynamic_gather %masked_sort3A_378[%rev3A_386] in [0] : vector<16xi32>, vector<16xi32> -> vector<16xi32>
            %le3A = arith.cmpf ole, %scan3A_144, %rev3A_382 : vector<16xf32>
            %jit3A_388 = arith.constant -1 : i32
            %jit3A_389 = arith.constant 0 : i32
            %broadcast_in_dim3A_390 = vector.broadcast %jit3A_388 : i32 to vector<16xi32>
            %broadcast_in_dim3A_391 = vector.broadcast %jit3A_389 : i32 to vector<16xi32>
            %select_n3A_392 = arith.select %le3A, %broadcast_in_dim3A_390, %broadcast_in_dim3A_391 : vector<16xi1>, vector<16xi32>
            %bitcast3A = vector.bitcast %scan3A_144 : vector<16xf32> to vector<16xi32>
            %bitcast3A_393 = vector.bitcast %rev3A_382 : vector<16xf32> to vector<16xi32>
            %and3A_394 = arith.andi %bitcast3A, %select_n3A_392 : vector<16xi32>
            %not3A = arith.constant dense<-1> : vector<16xi32>
            %not3A_395 = arith.xori %select_n3A_392, %not3A : vector<16xi32>
            %and3A_396 = arith.andi %bitcast3A_393, %not3A_395 : vector<16xi32>
            %or3A_397 = arith.ori %and3A_394, %and3A_396 : vector<16xi32>
            %bitcast3A_398 = vector.bitcast %or3A_397 : vector<16xi32> to vector<16xf32>
            %and3A_399 = arith.andi %scan3A_145, %select_n3A_392 : vector<16xi32>
            %not3A_400 = arith.constant dense<-1> : vector<16xi32>
            %not3A_401 = arith.xori %select_n3A_392, %not3A_400 : vector<16xi32>
            %and3A_402 = arith.andi %rev3A_387, %not3A_401 : vector<16xi32>
            %or3A_403 = arith.ori %and3A_399, %and3A_402 : vector<16xi32>
            %masked_sort3A_404 = arith.constant dense<true> : vector<16xi1>
            %masked_sort3A_405, %masked_sort3A_406, %masked_sort3A_407 = tpu.sort %bitcast3A_398, %or3A_403 masked %masked_sort3A_404 : (vector<16xf32>, vector<16xi32>, vector<16xi1>) -> (vector<16xi1>, vector<16xf32>, vector<16xi32>)
            %reduce_max3A = arith.constant true
            %reduce_max3A_408 = vector.broadcast %reduce_max3A : i1 to vector<16xi1>
            %reduce_max3A_409 = tpu.scan <max>, %masked_sort3A_406 masked %reduce_max3A_408 : vector<16xf32>, vector<16xi1> -> vector<16xf32>
            %reduce_max3A_410 = vector.extract %reduce_max3A_409[15] : f32 from vector<16xf32>
            %broadcast_in_dim3A_411 = vector.broadcast %reduce_max3A_410 : f32 to vector<16xf32>
            scf.yield %masked_sort3A_406, %masked_sort3A_407, %broadcast_in_dim3A_411 : vector<16xf32>, vector<16xi32>, vector<16xf32>
          } else {
            scf.yield %scan3A_144, %scan3A_145, %scan3A_146 : vector<16xf32>, vector<16xi32>, vector<16xf32>
          }
          %reduce_or3A_359 = arith.constant 1.000000e+00 : f32
          %reduce_or3A_360 = arith.constant 0.000000e+00 : f32
          %reduce_or3A_361 = vector.broadcast %reduce_or3A_359 : f32 to vector<16xf32>
          %reduce_or3A_362 = vector.broadcast %reduce_or3A_360 : f32 to vector<16xf32>
          %reduce_or3A_363 = arith.select %lt3A_214, %reduce_or3A_361, %reduce_or3A_362 : vector<16xi1>, vector<16xf32>
          %reduce_or3A_364 = arith.constant true
          %reduce_or3A_365 = vector.broadcast %reduce_or3A_364 : i1 to vector<16xi1>
          %reduce_or3A_366 = tpu.scan <max>, %reduce_or3A_363 masked %reduce_or3A_365 : vector<16xf32>, vector<16xi1> -> vector<16xf32>
          %reduce_or3A_367 = vector.extract %reduce_or3A_366[15] : f32 from vector<16xf32>
          %reduce_or3A_368 = arith.constant 0.000000e+00 : f32
          %reduce_or3A_369 = arith.cmpf ogt, %reduce_or3A_367, %reduce_or3A_368 : f32
          %convert_element_type3A_370 = arith.extui %reduce_or3A_369 : i1 to i32
          %cond3A_371 = arith.constant 0 : i32
          %cond3A_372 = arith.cmpi ne, %convert_element_type3A_370, %cond3A_371 : i32
          %cond3A_373:3 = scf.if %cond3A_372 -> (vector<16xf32>, vector<16xi32>, vector<16xf32>) {
            %broadcast_in_dim3A_374 = vector.broadcast %mul3A_151 : i32 to vector<16xi32>
            %add3A_375 = arith.addi %iota3A, %broadcast_in_dim3A_374 : vector<16xi32>
            %masked_sort3A = arith.constant dense<true> : vector<16xi1>
            %masked_sort3A_376, %masked_sort3A_377, %masked_sort3A_378 = tpu.sort %max3A_213, %add3A_375 masked %masked_sort3A : (vector<16xf32>, vector<16xi32>, vector<16xi1>) -> (vector<16xi1>, vector<16xf32>, vector<16xi32>)
            %rev3A = arith.constant 15 : i32
            %rev3A_379 = vector.broadcast %rev3A : i32 to vector<16xi32>
            %rev3A_380 = tpu.iota {dimensions = array<i32: 0>} : vector<16xi32>
            %rev3A_381 = arith.subi %rev3A_379, %rev3A_380 : vector<16xi32>
            %rev3A_382 = tpu.dynamic_gather %masked_sort3A_377[%rev3A_381] in [0] : vector<16xf32>, vector<16xi32> -> vector<16xf32>
            %rev3A_383 = arith.constant 15 : i32
            %rev3A_384 = vector.broadcast %rev3A_383 : i32 to vector<16xi32>
            %rev3A_385 = tpu.iota {dimensions = array<i32: 0>} : vector<16xi32>
            %rev3A_386 = arith.subi %rev3A_384, %rev3A_385 : vector<16xi32>
            %rev3A_387 = tpu.dynamic_gather %masked_sort3A_378[%rev3A_386] in [0] : vector<16xi32>, vector<16xi32> -> vector<16xi32>
            %le3A = arith.cmpf ole, %scan3A_147, %rev3A_382 : vector<16xf32>
            %jit3A_388 = arith.constant -1 : i32
            %jit3A_389 = arith.constant 0 : i32
            %broadcast_in_dim3A_390 = vector.broadcast %jit3A_388 : i32 to vector<16xi32>
            %broadcast_in_dim3A_391 = vector.broadcast %jit3A_389 : i32 to vector<16xi32>
            %select_n3A_392 = arith.select %le3A, %broadcast_in_dim3A_390, %broadcast_in_dim3A_391 : vector<16xi1>, vector<16xi32>
            %bitcast3A = vector.bitcast %scan3A_147 : vector<16xf32> to vector<16xi32>
            %bitcast3A_393 = vector.bitcast %rev3A_382 : vector<16xf32> to vector<16xi32>
            %and3A_394 = arith.andi %bitcast3A, %select_n3A_392 : vector<16xi32>
            %not3A = arith.constant dense<-1> : vector<16xi32>
            %not3A_395 = arith.xori %select_n3A_392, %not3A : vector<16xi32>
            %and3A_396 = arith.andi %bitcast3A_393, %not3A_395 : vector<16xi32>
            %or3A_397 = arith.ori %and3A_394, %and3A_396 : vector<16xi32>
            %bitcast3A_398 = vector.bitcast %or3A_397 : vector<16xi32> to vector<16xf32>
            %and3A_399 = arith.andi %scan3A_148, %select_n3A_392 : vector<16xi32>
            %not3A_400 = arith.constant dense<-1> : vector<16xi32>
            %not3A_401 = arith.xori %select_n3A_392, %not3A_400 : vector<16xi32>
            %and3A_402 = arith.andi %rev3A_387, %not3A_401 : vector<16xi32>
            %or3A_403 = arith.ori %and3A_399, %and3A_402 : vector<16xi32>
            %masked_sort3A_404 = arith.constant dense<true> : vector<16xi1>
            %masked_sort3A_405, %masked_sort3A_406, %masked_sort3A_407 = tpu.sort %bitcast3A_398, %or3A_403 masked %masked_sort3A_404 : (vector<16xf32>, vector<16xi32>, vector<16xi1>) -> (vector<16xi1>, vector<16xf32>, vector<16xi32>)
            %reduce_max3A = arith.constant true
            %reduce_max3A_408 = vector.broadcast %reduce_max3A : i1 to vector<16xi1>
            %reduce_max3A_409 = tpu.scan <max>, %masked_sort3A_406 masked %reduce_max3A_408 : vector<16xf32>, vector<16xi1> -> vector<16xf32>
            %reduce_max3A_410 = vector.extract %reduce_max3A_409[15] : f32 from vector<16xf32>
            %broadcast_in_dim3A_411 = vector.broadcast %reduce_max3A_410 : f32 to vector<16xf32>
            scf.yield %masked_sort3A_406, %masked_sort3A_407, %broadcast_in_dim3A_411 : vector<16xf32>, vector<16xi32>, vector<16xf32>
          } else {
            scf.yield %scan3A_147, %scan3A_148, %scan3A_149 : vector<16xf32>, vector<16xi32>, vector<16xf32>
          }
          scf.yield %cond3A_328#0, %cond3A_328#1, %cond3A_328#2, %cond3A_343#0, %cond3A_343#1, %cond3A_343#2, %cond3A_358#0, %cond3A_358#1, %cond3A_358#2, %cond3A_373#0, %cond3A_373#1, %cond3A_373#2 : vector<16xf32>, vector<16xi32>, vector<16xf32>, vector<16xf32>, vector<16xi32>, vector<16xf32>, vector<16xf32>, vector<16xi32>, vector<16xf32>, vector<16xf32>, vector<16xi32>, vector<16xf32>
        } else {
          scf.yield %scan3A_138, %scan3A_139, %scan3A_140, %scan3A_141, %scan3A_142, %scan3A_143, %scan3A_144, %scan3A_145, %scan3A_146, %scan3A_147, %scan3A_148, %scan3A_149 : vector<16xf32>, vector<16xi32>, vector<16xf32>, vector<16xf32>, vector<16xi32>, vector<16xf32>, vector<16xf32>, vector<16xi32>, vector<16xf32>, vector<16xf32>, vector<16xi32>, vector<16xf32>
        }
        %scan3A_228 = arith.constant 1 : i32
        %scan3A_229 = arith.addi %scan3A_137, %scan3A_228 : i32
        %mul3A_230 = arith.constant 16 : i32
        %mul3A_231 = arith.muli %scan3A_229, %mul3A_230 : i32
        %get3A_232 = arith.index_cast %mul3A_231 : i32 to index
        %get3A_233 = tpu.vector_load %arg7[%get3A_232] {strides = array<i32>} : memref<2048xf32, #tpu.memory_space<vmem>>, vector<16xf32>,
        %get3A_234 = arith.index_cast %mul3A_231 : i32 to index
        %get3A_235 = tpu.vector_load %arg8[%get3A_234] {strides = array<i32>} : memref<2048xf32, #tpu.memory_space<vmem>>, vector<16xf32>,
        %get3A_236 = arith.index_cast %mul3A_231 : i32 to index
        %get3A_237 = tpu.vector_load %arg9[%get3A_236] {strides = array<i32>} : memref<2048xf32, #tpu.memory_space<vmem>>, vector<16xf32>,
        %get3A_238 = arith.index_cast %mul3A_231 : i32 to index
        %get3A_239 = tpu.vector_load %arg6[%get3A_238] {strides = array<i32>} : memref<2048xf32, #tpu.memory_space<vmem>>, vector<16xf32>,
        %mul3A_240 = arith.mulf %get3A_233, %gather3A_52 : vector<16xf32>
        %mul3A_241 = arith.mulf %get3A_235, %gather3A_53 : vector<16xf32>
        %add3A_242 = arith.addf %mul3A_240, %mul3A_241 : vector<16xf32>
        %mul3A_243 = arith.mulf %get3A_237, %gather3A_54 : vector<16xf32>
        %add3A_244 = arith.addf %add3A_242, %mul3A_243 : vector<16xf32>
        %add3A_245 = arith.addf %gather3A, %get3A_239 : vector<16xf32>
        %mul3A_246 = arith.constant 2.000000e+00 : f32
        %mul3A_247 = vector.broadcast %mul3A_246 : f32 to vector<16xf32>
        %mul3A_248 = arith.mulf %mul3A_247, %add3A_244 : vector<16xf32>
        %sub3A_249 = arith.subf %add3A_245, %mul3A_248 : vector<16xf32>
        %max3A_250 = arith.constant 0.000000e+00 : f32
        %max3A_251 = vector.broadcast %max3A_250 : f32 to vector<16xf32>
        %max3A_252 = arith.maximumf %sub3A_249, %max3A_251 : vector<16xf32>
        %lt3A_253 = arith.cmpf olt, %max3A_252, %cond3A_227#2 : vector<16xf32>
        %mul3A_254 = arith.mulf %get3A_233, %gather3A_59 : vector<16xf32>
        %mul3A_255 = arith.mulf %get3A_235, %gather3A_60 : vector<16xf32>
        %add3A_256 = arith.addf %mul3A_254, %mul3A_255 : vector<16xf32>
        %mul3A_257 = arith.mulf %get3A_237, %gather3A_61 : vector<16xf32>
        %add3A_258 = arith.addf %add3A_256, %mul3A_257 : vector<16xf32>
        %add3A_259 = arith.addf %gather3A_58, %get3A_239 : vector<16xf32>
        %mul3A_260 = arith.constant 2.000000e+00 : f32
        %mul3A_261 = vector.broadcast %mul3A_260 : f32 to vector<16xf32>
        %mul3A_262 = arith.mulf %mul3A_261, %add3A_258 : vector<16xf32>
        %sub3A_263 = arith.subf %add3A_259, %mul3A_262 : vector<16xf32>
        %max3A_264 = arith.constant 0.000000e+00 : f32
        %max3A_265 = vector.broadcast %max3A_264 : f32 to vector<16xf32>
        %max3A_266 = arith.maximumf %sub3A_263, %max3A_265 : vector<16xf32>
        %lt3A_267 = arith.cmpf olt, %max3A_266, %cond3A_227#5 : vector<16xf32>
        %or3A_268 = arith.ori %lt3A_253, %lt3A_267 : vector<16xi1>
        %mul3A_269 = arith.mulf %get3A_233, %gather3A_66 : vector<16xf32>
        %mul3A_270 = arith.mulf %get3A_235, %gather3A_67 : vector<16xf32>
        %add3A_271 = arith.addf %mul3A_269, %mul3A_270 : vector<16xf32>
        %mul3A_272 = arith.mulf %get3A_237, %gather3A_68 : vector<16xf32>
        %add3A_273 = arith.addf %add3A_271, %mul3A_272 : vector<16xf32>
        %add3A_274 = arith.addf %gather3A_65, %get3A_239 : vector<16xf32>
        %mul3A_275 = arith.constant 2.000000e+00 : f32
        %mul3A_276 = vector.broadcast %mul3A_275 : f32 to vector<16xf32>
        %mul3A_277 = arith.mulf %mul3A_276, %add3A_273 : vector<16xf32>
        %sub3A_278 = arith.subf %add3A_274, %mul3A_277 : vector<16xf32>
        %max3A_279 = arith.constant 0.000000e+00 : f32
        %max3A_280 = vector.broadcast %max3A_279 : f32 to vector<16xf32>
        %max3A_281 = arith.maximumf %sub3A_278, %max3A_280 : vector<16xf32>
        %lt3A_282 = arith.cmpf olt, %max3A_281, %cond3A_227#8 : vector<16xf32>
        %or3A_283 = arith.ori %or3A_268, %lt3A_282 : vector<16xi1>
        %mul3A_284 = arith.mulf %get3A_233, %gather3A_73 : vector<16xf32>
        %mul3A_285 = arith.mulf %get3A_235, %gather3A_74 : vector<16xf32>
        %add3A_286 = arith.addf %mul3A_284, %mul3A_285 : vector<16xf32>
        %mul3A_287 = arith.mulf %get3A_237, %gather3A_75 : vector<16xf32>
        %add3A_288 = arith.addf %add3A_286, %mul3A_287 : vector<16xf32>
        %add3A_289 = arith.addf %gather3A_72, %get3A_239 : vector<16xf32>
        %mul3A_290 = arith.constant 2.000000e+00 : f32
        %mul3A_291 = vector.broadcast %mul3A_290 : f32 to vector<16xf32>
        %mul3A_292 = arith.mulf %mul3A_291, %add3A_288 : vector<16xf32>
        %sub3A_293 = arith.subf %add3A_289, %mul3A_292 : vector<16xf32>
        %max3A_294 = arith.constant 0.000000e+00 : f32
        %max3A_295 = vector.broadcast %max3A_294 : f32 to vector<16xf32>
        %max3A_296 = arith.maximumf %sub3A_293, %max3A_295 : vector<16xf32>
        %lt3A_297 = arith.cmpf olt, %max3A_296, %cond3A_227#11 : vector<16xf32>
        %or3A_298 = arith.ori %or3A_283, %lt3A_297 : vector<16xi1>
        %reduce_or3A_299 = arith.constant 1.000000e+00 : f32
        %reduce_or3A_300 = arith.constant 0.000000e+00 : f32
        %reduce_or3A_301 = vector.broadcast %reduce_or3A_299 : f32 to vector<16xf32>
        %reduce_or3A_302 = vector.broadcast %reduce_or3A_300 : f32 to vector<16xf32>
        %reduce_or3A_303 = arith.select %or3A_298, %reduce_or3A_301, %reduce_or3A_302 : vector<16xi1>, vector<16xf32>
        %reduce_or3A_304 = arith.constant true
        %reduce_or3A_305 = vector.broadcast %reduce_or3A_304 : i1 to vector<16xi1>
        %reduce_or3A_306 = tpu.scan <max>, %reduce_or3A_303 masked %reduce_or3A_305 : vector<16xf32>, vector<16xi1> -> vector<16xf32>
        %reduce_or3A_307 = vector.extract %reduce_or3A_306[15] : f32 from vector<16xf32>
        %reduce_or3A_308 = arith.constant 0.000000e+00 : f32
        %reduce_or3A_309 = arith.cmpf ogt, %reduce_or3A_307, %reduce_or3A_308 : f32
        %convert_element_type3A_310 = arith.extui %reduce_or3A_309 : i1 to i32
        %cond3A_311 = arith.constant 0 : i32
        %cond3A_312 = arith.cmpi ne, %convert_element_type3A_310, %cond3A_311 : i32
        %cond3A_313:12 = scf.if %cond3A_312 -> (vector<16xf32>, vector<16xi32>, vector<16xf32>, vector<16xf32>, vector<16xi32>, vector<16xf32>, vector<16xf32>, vector<16xi32>, vector<16xf32>, vector<16xf32>, vector<16xi32>, vector<16xf32>) {
          %reduce_or3A_314 = arith.constant 1.000000e+00 : f32
          %reduce_or3A_315 = arith.constant 0.000000e+00 : f32
          %reduce_or3A_316 = vector.broadcast %reduce_or3A_314 : f32 to vector<16xf32>
          %reduce_or3A_317 = vector.broadcast %reduce_or3A_315 : f32 to vector<16xf32>
          %reduce_or3A_318 = arith.select %lt3A_253, %reduce_or3A_316, %reduce_or3A_317 : vector<16xi1>, vector<16xf32>
          %reduce_or3A_319 = arith.constant true
          %reduce_or3A_320 = vector.broadcast %reduce_or3A_319 : i1 to vector<16xi1>
          %reduce_or3A_321 = tpu.scan <max>, %reduce_or3A_318 masked %reduce_or3A_320 : vector<16xf32>, vector<16xi1> -> vector<16xf32>
          %reduce_or3A_322 = vector.extract %reduce_or3A_321[15] : f32 from vector<16xf32>
          %reduce_or3A_323 = arith.constant 0.000000e+00 : f32
          %reduce_or3A_324 = arith.cmpf ogt, %reduce_or3A_322, %reduce_or3A_323 : f32
          %convert_element_type3A_325 = arith.extui %reduce_or3A_324 : i1 to i32
          %cond3A_326 = arith.constant 0 : i32
          %cond3A_327 = arith.cmpi ne, %convert_element_type3A_325, %cond3A_326 : i32
          %cond3A_328:3 = scf.if %cond3A_327 -> (vector<16xf32>, vector<16xi32>, vector<16xf32>) {
            %broadcast_in_dim3A_374 = vector.broadcast %mul3A_231 : i32 to vector<16xi32>
            %add3A_375 = arith.addi %iota3A, %broadcast_in_dim3A_374 : vector<16xi32>
            %masked_sort3A = arith.constant dense<true> : vector<16xi1>
            %masked_sort3A_376, %masked_sort3A_377, %masked_sort3A_378 = tpu.sort %max3A_252, %add3A_375 masked %masked_sort3A : (vector<16xf32>, vector<16xi32>, vector<16xi1>) -> (vector<16xi1>, vector<16xf32>, vector<16xi32>)
            %rev3A = arith.constant 15 : i32
            %rev3A_379 = vector.broadcast %rev3A : i32 to vector<16xi32>
            %rev3A_380 = tpu.iota {dimensions = array<i32: 0>} : vector<16xi32>
            %rev3A_381 = arith.subi %rev3A_379, %rev3A_380 : vector<16xi32>
            %rev3A_382 = tpu.dynamic_gather %masked_sort3A_377[%rev3A_381] in [0] : vector<16xf32>, vector<16xi32> -> vector<16xf32>
            %rev3A_383 = arith.constant 15 : i32
            %rev3A_384 = vector.broadcast %rev3A_383 : i32 to vector<16xi32>
            %rev3A_385 = tpu.iota {dimensions = array<i32: 0>} : vector<16xi32>
            %rev3A_386 = arith.subi %rev3A_384, %rev3A_385 : vector<16xi32>
            %rev3A_387 = tpu.dynamic_gather %masked_sort3A_378[%rev3A_386] in [0] : vector<16xi32>, vector<16xi32> -> vector<16xi32>
            %le3A = arith.cmpf ole, %cond3A_227#0, %rev3A_382 : vector<16xf32>
            %jit3A_388 = arith.constant -1 : i32
            %jit3A_389 = arith.constant 0 : i32
            %broadcast_in_dim3A_390 = vector.broadcast %jit3A_388 : i32 to vector<16xi32>
            %broadcast_in_dim3A_391 = vector.broadcast %jit3A_389 : i32 to vector<16xi32>
            %select_n3A_392 = arith.select %le3A, %broadcast_in_dim3A_390, %broadcast_in_dim3A_391 : vector<16xi1>, vector<16xi32>
            %bitcast3A = vector.bitcast %cond3A_227#0 : vector<16xf32> to vector<16xi32>
            %bitcast3A_393 = vector.bitcast %rev3A_382 : vector<16xf32> to vector<16xi32>
            %and3A_394 = arith.andi %bitcast3A, %select_n3A_392 : vector<16xi32>
            %not3A = arith.constant dense<-1> : vector<16xi32>
            %not3A_395 = arith.xori %select_n3A_392, %not3A : vector<16xi32>
            %and3A_396 = arith.andi %bitcast3A_393, %not3A_395 : vector<16xi32>
            %or3A_397 = arith.ori %and3A_394, %and3A_396 : vector<16xi32>
            %bitcast3A_398 = vector.bitcast %or3A_397 : vector<16xi32> to vector<16xf32>
            %and3A_399 = arith.andi %cond3A_227#1, %select_n3A_392 : vector<16xi32>
            %not3A_400 = arith.constant dense<-1> : vector<16xi32>
            %not3A_401 = arith.xori %select_n3A_392, %not3A_400 : vector<16xi32>
            %and3A_402 = arith.andi %rev3A_387, %not3A_401 : vector<16xi32>
            %or3A_403 = arith.ori %and3A_399, %and3A_402 : vector<16xi32>
            %masked_sort3A_404 = arith.constant dense<true> : vector<16xi1>
            %masked_sort3A_405, %masked_sort3A_406, %masked_sort3A_407 = tpu.sort %bitcast3A_398, %or3A_403 masked %masked_sort3A_404 : (vector<16xf32>, vector<16xi32>, vector<16xi1>) -> (vector<16xi1>, vector<16xf32>, vector<16xi32>)
            %reduce_max3A = arith.constant true
            %reduce_max3A_408 = vector.broadcast %reduce_max3A : i1 to vector<16xi1>
            %reduce_max3A_409 = tpu.scan <max>, %masked_sort3A_406 masked %reduce_max3A_408 : vector<16xf32>, vector<16xi1> -> vector<16xf32>
            %reduce_max3A_410 = vector.extract %reduce_max3A_409[15] : f32 from vector<16xf32>
            %broadcast_in_dim3A_411 = vector.broadcast %reduce_max3A_410 : f32 to vector<16xf32>
            scf.yield %masked_sort3A_406, %masked_sort3A_407, %broadcast_in_dim3A_411 : vector<16xf32>, vector<16xi32>, vector<16xf32>
          } else {
            scf.yield %cond3A_227#0, %cond3A_227#1, %cond3A_227#2 : vector<16xf32>, vector<16xi32>, vector<16xf32>
          }
          %reduce_or3A_329 = arith.constant 1.000000e+00 : f32
          %reduce_or3A_330 = arith.constant 0.000000e+00 : f32
          %reduce_or3A_331 = vector.broadcast %reduce_or3A_329 : f32 to vector<16xf32>
          %reduce_or3A_332 = vector.broadcast %reduce_or3A_330 : f32 to vector<16xf32>
          %reduce_or3A_333 = arith.select %lt3A_267, %reduce_or3A_331, %reduce_or3A_332 : vector<16xi1>, vector<16xf32>
          %reduce_or3A_334 = arith.constant true
          %reduce_or3A_335 = vector.broadcast %reduce_or3A_334 : i1 to vector<16xi1>
          %reduce_or3A_336 = tpu.scan <max>, %reduce_or3A_333 masked %reduce_or3A_335 : vector<16xf32>, vector<16xi1> -> vector<16xf32>
          %reduce_or3A_337 = vector.extract %reduce_or3A_336[15] : f32 from vector<16xf32>
          %reduce_or3A_338 = arith.constant 0.000000e+00 : f32
          %reduce_or3A_339 = arith.cmpf ogt, %reduce_or3A_337, %reduce_or3A_338 : f32
          %convert_element_type3A_340 = arith.extui %reduce_or3A_339 : i1 to i32
          %cond3A_341 = arith.constant 0 : i32
          %cond3A_342 = arith.cmpi ne, %convert_element_type3A_340, %cond3A_341 : i32
          %cond3A_343:3 = scf.if %cond3A_342 -> (vector<16xf32>, vector<16xi32>, vector<16xf32>) {
            %broadcast_in_dim3A_374 = vector.broadcast %mul3A_231 : i32 to vector<16xi32>
            %add3A_375 = arith.addi %iota3A, %broadcast_in_dim3A_374 : vector<16xi32>
            %masked_sort3A = arith.constant dense<true> : vector<16xi1>
            %masked_sort3A_376, %masked_sort3A_377, %masked_sort3A_378 = tpu.sort %max3A_266, %add3A_375 masked %masked_sort3A : (vector<16xf32>, vector<16xi32>, vector<16xi1>) -> (vector<16xi1>, vector<16xf32>, vector<16xi32>)
            %rev3A = arith.constant 15 : i32
            %rev3A_379 = vector.broadcast %rev3A : i32 to vector<16xi32>
            %rev3A_380 = tpu.iota {dimensions = array<i32: 0>} : vector<16xi32>
            %rev3A_381 = arith.subi %rev3A_379, %rev3A_380 : vector<16xi32>
            %rev3A_382 = tpu.dynamic_gather %masked_sort3A_377[%rev3A_381] in [0] : vector<16xf32>, vector<16xi32> -> vector<16xf32>
            %rev3A_383 = arith.constant 15 : i32
            %rev3A_384 = vector.broadcast %rev3A_383 : i32 to vector<16xi32>
            %rev3A_385 = tpu.iota {dimensions = array<i32: 0>} : vector<16xi32>
            %rev3A_386 = arith.subi %rev3A_384, %rev3A_385 : vector<16xi32>
            %rev3A_387 = tpu.dynamic_gather %masked_sort3A_378[%rev3A_386] in [0] : vector<16xi32>, vector<16xi32> -> vector<16xi32>
            %le3A = arith.cmpf ole, %cond3A_227#3, %rev3A_382 : vector<16xf32>
            %jit3A_388 = arith.constant -1 : i32
            %jit3A_389 = arith.constant 0 : i32
            %broadcast_in_dim3A_390 = vector.broadcast %jit3A_388 : i32 to vector<16xi32>
            %broadcast_in_dim3A_391 = vector.broadcast %jit3A_389 : i32 to vector<16xi32>
            %select_n3A_392 = arith.select %le3A, %broadcast_in_dim3A_390, %broadcast_in_dim3A_391 : vector<16xi1>, vector<16xi32>
            %bitcast3A = vector.bitcast %cond3A_227#3 : vector<16xf32> to vector<16xi32>
            %bitcast3A_393 = vector.bitcast %rev3A_382 : vector<16xf32> to vector<16xi32>
            %and3A_394 = arith.andi %bitcast3A, %select_n3A_392 : vector<16xi32>
            %not3A = arith.constant dense<-1> : vector<16xi32>
            %not3A_395 = arith.xori %select_n3A_392, %not3A : vector<16xi32>
            %and3A_396 = arith.andi %bitcast3A_393, %not3A_395 : vector<16xi32>
            %or3A_397 = arith.ori %and3A_394, %and3A_396 : vector<16xi32>
            %bitcast3A_398 = vector.bitcast %or3A_397 : vector<16xi32> to vector<16xf32>
            %and3A_399 = arith.andi %cond3A_227#4, %select_n3A_392 : vector<16xi32>
            %not3A_400 = arith.constant dense<-1> : vector<16xi32>
            %not3A_401 = arith.xori %select_n3A_392, %not3A_400 : vector<16xi32>
            %and3A_402 = arith.andi %rev3A_387, %not3A_401 : vector<16xi32>
            %or3A_403 = arith.ori %and3A_399, %and3A_402 : vector<16xi32>
            %masked_sort3A_404 = arith.constant dense<true> : vector<16xi1>
            %masked_sort3A_405, %masked_sort3A_406, %masked_sort3A_407 = tpu.sort %bitcast3A_398, %or3A_403 masked %masked_sort3A_404 : (vector<16xf32>, vector<16xi32>, vector<16xi1>) -> (vector<16xi1>, vector<16xf32>, vector<16xi32>)
            %reduce_max3A = arith.constant true
            %reduce_max3A_408 = vector.broadcast %reduce_max3A : i1 to vector<16xi1>
            %reduce_max3A_409 = tpu.scan <max>, %masked_sort3A_406 masked %reduce_max3A_408 : vector<16xf32>, vector<16xi1> -> vector<16xf32>
            %reduce_max3A_410 = vector.extract %reduce_max3A_409[15] : f32 from vector<16xf32>
            %broadcast_in_dim3A_411 = vector.broadcast %reduce_max3A_410 : f32 to vector<16xf32>
            scf.yield %masked_sort3A_406, %masked_sort3A_407, %broadcast_in_dim3A_411 : vector<16xf32>, vector<16xi32>, vector<16xf32>
          } else {
            scf.yield %cond3A_227#3, %cond3A_227#4, %cond3A_227#5 : vector<16xf32>, vector<16xi32>, vector<16xf32>
          }
          %reduce_or3A_344 = arith.constant 1.000000e+00 : f32
          %reduce_or3A_345 = arith.constant 0.000000e+00 : f32
          %reduce_or3A_346 = vector.broadcast %reduce_or3A_344 : f32 to vector<16xf32>
          %reduce_or3A_347 = vector.broadcast %reduce_or3A_345 : f32 to vector<16xf32>
          %reduce_or3A_348 = arith.select %lt3A_282, %reduce_or3A_346, %reduce_or3A_347 : vector<16xi1>, vector<16xf32>
          %reduce_or3A_349 = arith.constant true
          %reduce_or3A_350 = vector.broadcast %reduce_or3A_349 : i1 to vector<16xi1>
          %reduce_or3A_351 = tpu.scan <max>, %reduce_or3A_348 masked %reduce_or3A_350 : vector<16xf32>, vector<16xi1> -> vector<16xf32>
          %reduce_or3A_352 = vector.extract %reduce_or3A_351[15] : f32 from vector<16xf32>
          %reduce_or3A_353 = arith.constant 0.000000e+00 : f32
          %reduce_or3A_354 = arith.cmpf ogt, %reduce_or3A_352, %reduce_or3A_353 : f32
          %convert_element_type3A_355 = arith.extui %reduce_or3A_354 : i1 to i32
          %cond3A_356 = arith.constant 0 : i32
          %cond3A_357 = arith.cmpi ne, %convert_element_type3A_355, %cond3A_356 : i32
          %cond3A_358:3 = scf.if %cond3A_357 -> (vector<16xf32>, vector<16xi32>, vector<16xf32>) {
            %broadcast_in_dim3A_374 = vector.broadcast %mul3A_231 : i32 to vector<16xi32>
            %add3A_375 = arith.addi %iota3A, %broadcast_in_dim3A_374 : vector<16xi32>
            %masked_sort3A = arith.constant dense<true> : vector<16xi1>
            %masked_sort3A_376, %masked_sort3A_377, %masked_sort3A_378 = tpu.sort %max3A_281, %add3A_375 masked %masked_sort3A : (vector<16xf32>, vector<16xi32>, vector<16xi1>) -> (vector<16xi1>, vector<16xf32>, vector<16xi32>)
            %rev3A = arith.constant 15 : i32
            %rev3A_379 = vector.broadcast %rev3A : i32 to vector<16xi32>
            %rev3A_380 = tpu.iota {dimensions = array<i32: 0>} : vector<16xi32>
            %rev3A_381 = arith.subi %rev3A_379, %rev3A_380 : vector<16xi32>
            %rev3A_382 = tpu.dynamic_gather %masked_sort3A_377[%rev3A_381] in [0] : vector<16xf32>, vector<16xi32> -> vector<16xf32>
            %rev3A_383 = arith.constant 15 : i32
            %rev3A_384 = vector.broadcast %rev3A_383 : i32 to vector<16xi32>
            %rev3A_385 = tpu.iota {dimensions = array<i32: 0>} : vector<16xi32>
            %rev3A_386 = arith.subi %rev3A_384, %rev3A_385 : vector<16xi32>
            %rev3A_387 = tpu.dynamic_gather %masked_sort3A_378[%rev3A_386] in [0] : vector<16xi32>, vector<16xi32> -> vector<16xi32>
            %le3A = arith.cmpf ole, %cond3A_227#6, %rev3A_382 : vector<16xf32>
            %jit3A_388 = arith.constant -1 : i32
            %jit3A_389 = arith.constant 0 : i32
            %broadcast_in_dim3A_390 = vector.broadcast %jit3A_388 : i32 to vector<16xi32>
            %broadcast_in_dim3A_391 = vector.broadcast %jit3A_389 : i32 to vector<16xi32>
            %select_n3A_392 = arith.select %le3A, %broadcast_in_dim3A_390, %broadcast_in_dim3A_391 : vector<16xi1>, vector<16xi32>
            %bitcast3A = vector.bitcast %cond3A_227#6 : vector<16xf32> to vector<16xi32>
            %bitcast3A_393 = vector.bitcast %rev3A_382 : vector<16xf32> to vector<16xi32>
            %and3A_394 = arith.andi %bitcast3A, %select_n3A_392 : vector<16xi32>
            %not3A = arith.constant dense<-1> : vector<16xi32>
            %not3A_395 = arith.xori %select_n3A_392, %not3A : vector<16xi32>
            %and3A_396 = arith.andi %bitcast3A_393, %not3A_395 : vector<16xi32>
            %or3A_397 = arith.ori %and3A_394, %and3A_396 : vector<16xi32>
            %bitcast3A_398 = vector.bitcast %or3A_397 : vector<16xi32> to vector<16xf32>
            %and3A_399 = arith.andi %cond3A_227#7, %select_n3A_392 : vector<16xi32>
            %not3A_400 = arith.constant dense<-1> : vector<16xi32>
            %not3A_401 = arith.xori %select_n3A_392, %not3A_400 : vector<16xi32>
            %and3A_402 = arith.andi %rev3A_387, %not3A_401 : vector<16xi32>
            %or3A_403 = arith.ori %and3A_399, %and3A_402 : vector<16xi32>
            %masked_sort3A_404 = arith.constant dense<true> : vector<16xi1>
            %masked_sort3A_405, %masked_sort3A_406, %masked_sort3A_407 = tpu.sort %bitcast3A_398, %or3A_403 masked %masked_sort3A_404 : (vector<16xf32>, vector<16xi32>, vector<16xi1>) -> (vector<16xi1>, vector<16xf32>, vector<16xi32>)
            %reduce_max3A = arith.constant true
            %reduce_max3A_408 = vector.broadcast %reduce_max3A : i1 to vector<16xi1>
            %reduce_max3A_409 = tpu.scan <max>, %masked_sort3A_406 masked %reduce_max3A_408 : vector<16xf32>, vector<16xi1> -> vector<16xf32>
            %reduce_max3A_410 = vector.extract %reduce_max3A_409[15] : f32 from vector<16xf32>
            %broadcast_in_dim3A_411 = vector.broadcast %reduce_max3A_410 : f32 to vector<16xf32>
            scf.yield %masked_sort3A_406, %masked_sort3A_407, %broadcast_in_dim3A_411 : vector<16xf32>, vector<16xi32>, vector<16xf32>
          } else {
            scf.yield %cond3A_227#6, %cond3A_227#7, %cond3A_227#8 : vector<16xf32>, vector<16xi32>, vector<16xf32>
          }
          %reduce_or3A_359 = arith.constant 1.000000e+00 : f32
          %reduce_or3A_360 = arith.constant 0.000000e+00 : f32
          %reduce_or3A_361 = vector.broadcast %reduce_or3A_359 : f32 to vector<16xf32>
          %reduce_or3A_362 = vector.broadcast %reduce_or3A_360 : f32 to vector<16xf32>
          %reduce_or3A_363 = arith.select %lt3A_297, %reduce_or3A_361, %reduce_or3A_362 : vector<16xi1>, vector<16xf32>
          %reduce_or3A_364 = arith.constant true
          %reduce_or3A_365 = vector.broadcast %reduce_or3A_364 : i1 to vector<16xi1>
          %reduce_or3A_366 = tpu.scan <max>, %reduce_or3A_363 masked %reduce_or3A_365 : vector<16xf32>, vector<16xi1> -> vector<16xf32>
          %reduce_or3A_367 = vector.extract %reduce_or3A_366[15] : f32 from vector<16xf32>
          %reduce_or3A_368 = arith.constant 0.000000e+00 : f32
          %reduce_or3A_369 = arith.cmpf ogt, %reduce_or3A_367, %reduce_or3A_368 : f32
          %convert_element_type3A_370 = arith.extui %reduce_or3A_369 : i1 to i32
          %cond3A_371 = arith.constant 0 : i32
          %cond3A_372 = arith.cmpi ne, %convert_element_type3A_370, %cond3A_371 : i32
          %cond3A_373:3 = scf.if %cond3A_372 -> (vector<16xf32>, vector<16xi32>, vector<16xf32>) {
            %broadcast_in_dim3A_374 = vector.broadcast %mul3A_231 : i32 to vector<16xi32>
            %add3A_375 = arith.addi %iota3A, %broadcast_in_dim3A_374 : vector<16xi32>
            %masked_sort3A = arith.constant dense<true> : vector<16xi1>
            %masked_sort3A_376, %masked_sort3A_377, %masked_sort3A_378 = tpu.sort %max3A_296, %add3A_375 masked %masked_sort3A : (vector<16xf32>, vector<16xi32>, vector<16xi1>) -> (vector<16xi1>, vector<16xf32>, vector<16xi32>)
            %rev3A = arith.constant 15 : i32
            %rev3A_379 = vector.broadcast %rev3A : i32 to vector<16xi32>
            %rev3A_380 = tpu.iota {dimensions = array<i32: 0>} : vector<16xi32>
            %rev3A_381 = arith.subi %rev3A_379, %rev3A_380 : vector<16xi32>
            %rev3A_382 = tpu.dynamic_gather %masked_sort3A_377[%rev3A_381] in [0] : vector<16xf32>, vector<16xi32> -> vector<16xf32>
            %rev3A_383 = arith.constant 15 : i32
            %rev3A_384 = vector.broadcast %rev3A_383 : i32 to vector<16xi32>
            %rev3A_385 = tpu.iota {dimensions = array<i32: 0>} : vector<16xi32>
            %rev3A_386 = arith.subi %rev3A_384, %rev3A_385 : vector<16xi32>
            %rev3A_387 = tpu.dynamic_gather %masked_sort3A_378[%rev3A_386] in [0] : vector<16xi32>, vector<16xi32> -> vector<16xi32>
            %le3A = arith.cmpf ole, %cond3A_227#9, %rev3A_382 : vector<16xf32>
            %jit3A_388 = arith.constant -1 : i32
            %jit3A_389 = arith.constant 0 : i32
            %broadcast_in_dim3A_390 = vector.broadcast %jit3A_388 : i32 to vector<16xi32>
            %broadcast_in_dim3A_391 = vector.broadcast %jit3A_389 : i32 to vector<16xi32>
            %select_n3A_392 = arith.select %le3A, %broadcast_in_dim3A_390, %broadcast_in_dim3A_391 : vector<16xi1>, vector<16xi32>
            %bitcast3A = vector.bitcast %cond3A_227#9 : vector<16xf32> to vector<16xi32>
            %bitcast3A_393 = vector.bitcast %rev3A_382 : vector<16xf32> to vector<16xi32>
            %and3A_394 = arith.andi %bitcast3A, %select_n3A_392 : vector<16xi32>
            %not3A = arith.constant dense<-1> : vector<16xi32>
            %not3A_395 = arith.xori %select_n3A_392, %not3A : vector<16xi32>
            %and3A_396 = arith.andi %bitcast3A_393, %not3A_395 : vector<16xi32>
            %or3A_397 = arith.ori %and3A_394, %and3A_396 : vector<16xi32>
            %bitcast3A_398 = vector.bitcast %or3A_397 : vector<16xi32> to vector<16xf32>
            %and3A_399 = arith.andi %cond3A_227#10, %select_n3A_392 : vector<16xi32>
            %not3A_400 = arith.constant dense<-1> : vector<16xi32>
            %not3A_401 = arith.xori %select_n3A_392, %not3A_400 : vector<16xi32>
            %and3A_402 = arith.andi %rev3A_387, %not3A_401 : vector<16xi32>
            %or3A_403 = arith.ori %and3A_399, %and3A_402 : vector<16xi32>
            %masked_sort3A_404 = arith.constant dense<true> : vector<16xi1>
            %masked_sort3A_405, %masked_sort3A_406, %masked_sort3A_407 = tpu.sort %bitcast3A_398, %or3A_403 masked %masked_sort3A_404 : (vector<16xf32>, vector<16xi32>, vector<16xi1>) -> (vector<16xi1>, vector<16xf32>, vector<16xi32>)
            %reduce_max3A = arith.constant true
            %reduce_max3A_408 = vector.broadcast %reduce_max3A : i1 to vector<16xi1>
            %reduce_max3A_409 = tpu.scan <max>, %masked_sort3A_406 masked %reduce_max3A_408 : vector<16xf32>, vector<16xi1> -> vector<16xf32>
            %reduce_max3A_410 = vector.extract %reduce_max3A_409[15] : f32 from vector<16xf32>
            %broadcast_in_dim3A_411 = vector.broadcast %reduce_max3A_410 : f32 to vector<16xf32>
            scf.yield %masked_sort3A_406, %masked_sort3A_407, %broadcast_in_dim3A_411 : vector<16xf32>, vector<16xi32>, vector<16xf32>
          } else {
            scf.yield %cond3A_227#9, %cond3A_227#10, %cond3A_227#11 : vector<16xf32>, vector<16xi32>, vector<16xf32>
          }
          scf.yield %cond3A_328#0, %cond3A_328#1, %cond3A_328#2, %cond3A_343#0, %cond3A_343#1, %cond3A_343#2, %cond3A_358#0, %cond3A_358#1, %cond3A_358#2, %cond3A_373#0, %cond3A_373#1, %cond3A_373#2 : vector<16xf32>, vector<16xi32>, vector<16xf32>, vector<16xf32>, vector<16xi32>, vector<16xf32>, vector<16xf32>, vector<16xi32>, vector<16xf32>, vector<16xf32>, vector<16xi32>, vector<16xf32>
        } else {
          scf.yield %cond3A_227#0, %cond3A_227#1, %cond3A_227#2, %cond3A_227#3, %cond3A_227#4, %cond3A_227#5, %cond3A_227#6, %cond3A_227#7, %cond3A_227#8, %cond3A_227#9, %cond3A_227#10, %cond3A_227#11 : vector<16xf32>, vector<16xi32>, vector<16xf32>, vector<16xf32>, vector<16xi32>, vector<16xf32>, vector<16xf32>, vector<16xi32>, vector<16xf32>, vector<16xf32>, vector<16xi32>, vector<16xf32>
        }
        scf.yield %cond3A_313#0, %cond3A_313#1, %cond3A_313#2, %cond3A_313#3, %cond3A_313#4, %cond3A_313#5, %cond3A_313#6, %cond3A_313#7, %cond3A_313#8, %cond3A_313#9, %cond3A_313#10, %cond3A_313#11 : vector<16xf32>, vector<16xi32>, vector<16xf32>, vector<16xf32>, vector<16xi32>, vector<16xf32>, vector<16xf32>, vector<16xi32>, vector<16xf32>, vector<16xf32>, vector<16xi32>, vector<16xf32>
      }
      %scan3A_81 = arith.constant 128 : i32
      %mul3A_82 = arith.constant 4 : i32
      %mul3A_83 = arith.muli %scan3A_45, %mul3A_82 : i32
      %add3A_84 = arith.constant 0 : i32
      %add3A_85 = arith.addi %mul3A_83, %add3A_84 : i32
      %swap3A = arith.index_cast %add3A_85 : i32 to index
      %swap3A_86 = arith.constant 0 : index
      %swap3A_87 = tpu.vector_load %arg10[%swap3A, %swap3A_86] {strides = array<i32>} : memref<512x16xi32, #tpu.memory_space<vmem>>, vector<16xi32>,
      tpu.vector_store %arg10[%swap3A, %swap3A_86], %scan3A_80#1 {strides = array<i32>} : memref<512x16xi32, #tpu.memory_space<vmem>>, vector<16xi32>,
      %mul3A_88 = arith.constant 4 : i32
      %mul3A_89 = arith.muli %scan3A_45, %mul3A_88 : i32
      %add3A_90 = arith.constant 0 : i32
      %add3A_91 = arith.addi %mul3A_89, %add3A_90 : i32
      %swap3A_92 = arith.index_cast %add3A_91 : i32 to index
      %swap3A_93 = arith.constant 0 : index
      %swap3A_94 = tpu.vector_load %arg11[%swap3A_92, %swap3A_93] {strides = array<i32>} : memref<512x16xf32, #tpu.memory_space<vmem>>, vector<16xf32>,
      tpu.vector_store %arg11[%swap3A_92, %swap3A_93], %scan3A_80#0 {strides = array<i32>} : memref<512x16xf32, #tpu.memory_space<vmem>>, vector<16xf32>,
      %mul3A_95 = arith.constant 4 : i32
      %mul3A_96 = arith.muli %scan3A_45, %mul3A_95 : i32
      %add3A_97 = arith.constant 1 : i32
      %add3A_98 = arith.addi %mul3A_96, %add3A_97 : i32
      %swap3A_99 = arith.index_cast %add3A_98 : i32 to index
      %swap3A_100 = arith.constant 0 : index
      %swap3A_101 = tpu.vector_load %arg10[%swap3A_99, %swap3A_100] {strides = array<i32>} : memref<512x16xi32, #tpu.memory_space<vmem>>, vector<16xi32>,
      tpu.vector_store %arg10[%swap3A_99, %swap3A_100], %scan3A_80#4 {strides = array<i32>} : memref<512x16xi32, #tpu.memory_space<vmem>>, vector<16xi32>,
      %mul3A_102 = arith.constant 4 : i32
      %mul3A_103 = arith.muli %scan3A_45, %mul3A_102 : i32
      %add3A_104 = arith.constant 1 : i32
      %add3A_105 = arith.addi %mul3A_103, %add3A_104 : i32
      %swap3A_106 = arith.index_cast %add3A_105 : i32 to index
      %swap3A_107 = arith.constant 0 : index
      %swap3A_108 = tpu.vector_load %arg11[%swap3A_106, %swap3A_107] {strides = array<i32>} : memref<512x16xf32, #tpu.memory_space<vmem>>, vector<16xf32>,
      tpu.vector_store %arg11[%swap3A_106, %swap3A_107], %scan3A_80#3 {strides = array<i32>} : memref<512x16xf32, #tpu.memory_space<vmem>>, vector<16xf32>,
      %mul3A_109 = arith.constant 4 : i32
      %mul3A_110 = arith.muli %scan3A_45, %mul3A_109 : i32
      %add3A_111 = arith.constant 2 : i32
      %add3A_112 = arith.addi %mul3A_110, %add3A_111 : i32
      %swap3A_113 = arith.index_cast %add3A_112 : i32 to index
      %swap3A_114 = arith.constant 0 : index
      %swap3A_115 = tpu.vector_load %arg10[%swap3A_113, %swap3A_114] {strides = array<i32>} : memref<512x16xi32, #tpu.memory_space<vmem>>, vector<16xi32>,
      tpu.vector_store %arg10[%swap3A_113, %swap3A_114], %scan3A_80#7 {strides = array<i32>} : memref<512x16xi32, #tpu.memory_space<vmem>>, vector<16xi32>,
      %mul3A_116 = arith.constant 4 : i32
      %mul3A_117 = arith.muli %scan3A_45, %mul3A_116 : i32
      %add3A_118 = arith.constant 2 : i32
      %add3A_119 = arith.addi %mul3A_117, %add3A_118 : i32
      %swap3A_120 = arith.index_cast %add3A_119 : i32 to index
      %swap3A_121 = arith.constant 0 : index
      %swap3A_122 = tpu.vector_load %arg11[%swap3A_120, %swap3A_121] {strides = array<i32>} : memref<512x16xf32, #tpu.memory_space<vmem>>, vector<16xf32>,
      tpu.vector_store %arg11[%swap3A_120, %swap3A_121], %scan3A_80#6 {strides = array<i32>} : memref<512x16xf32, #tpu.memory_space<vmem>>, vector<16xf32>,
      %mul3A_123 = arith.constant 4 : i32
      %mul3A_124 = arith.muli %scan3A_45, %mul3A_123 : i32
      %add3A_125 = arith.constant 3 : i32
      %add3A_126 = arith.addi %mul3A_124, %add3A_125 : i32
      %swap3A_127 = arith.index_cast %add3A_126 : i32 to index
      %swap3A_128 = arith.constant 0 : index
      %swap3A_129 = tpu.vector_load %arg10[%swap3A_127, %swap3A_128] {strides = array<i32>} : memref<512x16xi32, #tpu.memory_space<vmem>>, vector<16xi32>,
      tpu.vector_store %arg10[%swap3A_127, %swap3A_128], %scan3A_80#10 {strides = array<i32>} : memref<512x16xi32, #tpu.memory_space<vmem>>, vector<16xi32>,
      %mul3A_130 = arith.constant 4 : i32
      %mul3A_131 = arith.muli %scan3A_45, %mul3A_130 : i32
      %add3A_132 = arith.constant 3 : i32
      %add3A_133 = arith.addi %mul3A_131, %add3A_132 : i32
      %swap3A_134 = arith.index_cast %add3A_133 : i32 to index
      %swap3A_135 = arith.constant 0 : index
      %swap3A_136 = tpu.vector_load %arg11[%swap3A_134, %swap3A_135] {strides = array<i32>} : memref<512x16xf32, #tpu.memory_space<vmem>>, vector<16xf32>,
      tpu.vector_store %arg11[%swap3A_134, %swap3A_135], %scan3A_80#9 {strides = array<i32>} : memref<512x16xf32, #tpu.memory_space<vmem>>, vector<16xf32>,
    }
    %scan3A_44 = arith.constant 128 : i32
    "tpu.region"() ({
      %run_scoped3A = tpu.sem_alloc : memref<!tpu.dma_semaphore, #tpu.memory_space<semaphore_mem>>
      %dma_start3A = arith.constant 0 : i32
      %dma_start3A_45 = tpu.memref_slice %arg3[%select_n3A, %mul3A_32, %dma_start3A] : memref<8x2048x16xi32, #tpu.memory_space<hbm>> -> memref<1x512x16xi32, #tpu.memory_space<hbm>>
      %dma_start3A_46 = tpu.memref_squeeze %dma_start3A_45 : memref<1x512x16xi32, #tpu.memory_space<hbm>> -> memref<512x16xi32, #tpu.memory_space<hbm>>
      %dma_start3A_47 = arith.constant 0 : i32
      %dma_start3A_48 = tpu.memref_slice %arg3[%select_n3A, %mul3A_32, %dma_start3A_47] : memref<8x2048x16xi32, #tpu.memory_space<hbm>> -> memref<1x512x16xi32, #tpu.memory_space<hbm>>
      %dma_start3A_49 = tpu.memref_squeeze %dma_start3A_48 : memref<1x512x16xi32, #tpu.memory_space<hbm>> -> memref<512x16xi32, #tpu.memory_space<hbm>>
      tpu.enqueue_dma source(%arg10 : memref<512x16xi32, #tpu.memory_space<vmem>>) target(%dma_start3A_49 : memref<512x16xi32, #tpu.memory_space<hbm>>) target_semaphore(%run_scoped3A : memref<!tpu.dma_semaphore, #tpu.memory_space<semaphore_mem>>)
      %dma_wait3A = arith.constant 0 : i32
      %dma_wait3A_50 = tpu.memref_slice %arg3[%select_n3A, %mul3A_32, %dma_wait3A] : memref<8x2048x16xi32, #tpu.memory_space<hbm>> -> memref<1x512x16xi32, #tpu.memory_space<hbm>>
      %dma_wait3A_51 = tpu.memref_squeeze %dma_wait3A_50 : memref<1x512x16xi32, #tpu.memory_space<hbm>> -> memref<512x16xi32, #tpu.memory_space<hbm>>
      %dma_wait3A_52 = arith.constant 0 : i32
      %dma_wait3A_53 = tpu.memref_slice %arg3[%select_n3A, %mul3A_32, %dma_wait3A_52] : memref<8x2048x16xi32, #tpu.memory_space<hbm>> -> memref<1x512x16xi32, #tpu.memory_space<hbm>>
      %dma_wait3A_54 = tpu.memref_squeeze %dma_wait3A_53 : memref<1x512x16xi32, #tpu.memory_space<hbm>> -> memref<512x16xi32, #tpu.memory_space<hbm>>
      tpu.wait_dma2 semaphore(%run_scoped3A : memref<!tpu.dma_semaphore, #tpu.memory_space<semaphore_mem>>) src(%arg10 : memref<512x16xi32, #tpu.memory_space<vmem>>) dst(%dma_wait3A_54 : memref<512x16xi32, #tpu.memory_space<hbm>>)
      tpu.yield
    }) : () -> ()
    "tpu.region"() ({
      %run_scoped3A = tpu.sem_alloc : memref<!tpu.dma_semaphore, #tpu.memory_space<semaphore_mem>>
      %dma_start3A = arith.constant 0 : i32
      %dma_start3A_45 = tpu.memref_slice %arg4[%select_n3A, %mul3A_32, %dma_start3A] : memref<8x2048x16xf32, #tpu.memory_space<hbm>> -> memref<1x512x16xf32, #tpu.memory_space<hbm>>
      %dma_start3A_46 = tpu.memref_squeeze %dma_start3A_45 : memref<1x512x16xf32, #tpu.memory_space<hbm>> -> memref<512x16xf32, #tpu.memory_space<hbm>>
      %dma_start3A_47 = arith.constant 0 : i32
      %dma_start3A_48 = tpu.memref_slice %arg4[%select_n3A, %mul3A_32, %dma_start3A_47] : memref<8x2048x16xf32, #tpu.memory_space<hbm>> -> memref<1x512x16xf32, #tpu.memory_space<hbm>>
      %dma_start3A_49 = tpu.memref_squeeze %dma_start3A_48 : memref<1x512x16xf32, #tpu.memory_space<hbm>> -> memref<512x16xf32, #tpu.memory_space<hbm>>
      tpu.enqueue_dma source(%arg11 : memref<512x16xf32, #tpu.memory_space<vmem>>) target(%dma_start3A_49 : memref<512x16xf32, #tpu.memory_space<hbm>>) target_semaphore(%run_scoped3A : memref<!tpu.dma_semaphore, #tpu.memory_space<semaphore_mem>>)
      %dma_wait3A = arith.constant 0 : i32
      %dma_wait3A_50 = tpu.memref_slice %arg4[%select_n3A, %mul3A_32, %dma_wait3A] : memref<8x2048x16xf32, #tpu.memory_space<hbm>> -> memref<1x512x16xf32, #tpu.memory_space<hbm>>
      %dma_wait3A_51 = tpu.memref_squeeze %dma_wait3A_50 : memref<1x512x16xf32, #tpu.memory_space<hbm>> -> memref<512x16xf32, #tpu.memory_space<hbm>>
      %dma_wait3A_52 = arith.constant 0 : i32
      %dma_wait3A_53 = tpu.memref_slice %arg4[%select_n3A, %mul3A_32, %dma_wait3A_52] : memref<8x2048x16xf32, #tpu.memory_space<hbm>> -> memref<1x512x16xf32, #tpu.memory_space<hbm>>
      %dma_wait3A_54 = tpu.memref_squeeze %dma_wait3A_53 : memref<1x512x16xf32, #tpu.memory_space<hbm>> -> memref<512x16xf32, #tpu.memory_space<hbm>>
      tpu.wait_dma2 semaphore(%run_scoped3A : memref<!tpu.dma_semaphore, #tpu.memory_space<semaphore_mem>>) src(%arg11 : memref<512x16xf32, #tpu.memory_space<vmem>>) dst(%dma_wait3A_54 : memref<512x16xf32, #tpu.memory_space<hbm>>)
      tpu.yield
    }) : () -> ()
    return
  }
}

module attributes {stable_mosaic.version = 14 : i64} {
  func.func @_sqrt_body(%arg0: i32, %arg1: memref<2048x128xf32, #tpu.memory_space<vmem>>, %arg2: memref<2048x128xf32, #tpu.memory_space<vmem>>) attributes {dimension_semantics = [#tpu.dimension_semantics<arbitrary>], iteration_bounds = array<i64: 28>, scalar_prefetch = 0 : i64, scratch_operands = 0 : i64, tpu.core_type = #tpu.core_type<tc>, window_params = [{transform_indices = @transform_0, window_bounds = array<i64: 2048, 128>}, {transform_indices = @transform_1, window_bounds = array<i64: 2048, 128>}]} {
    %get3A = arith.constant 0 : index
    %get3A_0 = arith.constant 0 : index
    %get3A_1 = vector.load %arg1[%get3A, %get3A_0] : memref<2048x128xf32, #tpu.memory_space<vmem>>, vector<2048x128xf32>
    %sqrt3A = math.sqrt %get3A_1 : vector<2048x128xf32>
    %swap3A = arith.constant 0 : index
    %swap3A_2 = arith.constant 0 : index
    %swap3A_3 = vector.load %arg2[%swap3A, %swap3A_2] : memref<2048x128xf32, #tpu.memory_space<vmem>>, vector<2048x128xf32>
    tpu.vector_store %arg2[%swap3A, %swap3A_2], %sqrt3A {strides = array<i32>} : memref<2048x128xf32, #tpu.memory_space<vmem>>, vector<2048x128xf32>,
    return
  }
  func.func @transform_0(%arg0: i32) -> (i32, i32) {
    %c0_i32 = arith.constant 0 : i32
    %c0_i32_0 = arith.constant 0 : i32
    return %arg0, %c0_i32 : i32, i32
  }
  func.func @transform_1(%arg0: i32) -> (i32, i32) {
    %c0_i32 = arith.constant 0 : i32
    %c0_i32_0 = arith.constant 0 : i32
    return %arg0, %c0_i32 : i32, i32
  }
}

</mosaic_0001>

<sc_bundles>
// kernel: kernel.5.cloned.1.call-start
scs
__scs_entry_jumppad:
0x0: {  	(pc) =	sbr.rel $0x88, $3  }
0x1: {  	(tag) =	ssettag $0x0;
	lr =	simm.s32 $0x1  }
0x2: {  	[smem:$0x3FA0] =	sst lr;
	_ =	strace $0xD0000000  }
0x3: {  	_ = 	snop  }
0x4: {  	_ = 	snop  }
0x5: {  	_ = 	snop  }
0x6: {  	_ = 	snop  }
0x7: {  	_ = 	snop  }
__scs_overlays_trampoline_lowered:
0x8: {  	[smem:$0x3FAF] =	sst s0  }
0x9: {  	[smem:$0x3FB0] =	sst s1  }
0xa: {  	[smem:$0x3FB1] =	sst s2  }
0xb: {  	[smem:$0x3FB2] =	sst s3  }
0xc: {  	[smem:$0x3FB3] =	sst s4  }
0xd: {  	[smem:$0x3FB4] =	sst s5  }
0xe: {  	[smem:$0x3FB5] =	sst s6  }
0xf: {  	[smem:$0x3FB6] =	sst s7  }
0x10: {  	[smem:$0x3FB7] =	sst s8  }
0x11: {  	[smem:$0x3FB8] =	sst s9;
	s0 =	simm.s32 @!p0 $0x0  }
0x12: {  	s1 =	sld [smem:$0x3F9E];
	s0 =	simm.s32 @p0 $0x1  }
0x13: {  	[smem:$0x3FB9] =	sst s0;
	s0 =	simm.s32 @!p1 $0x0  }
0x14: {  	s2 =	sld [smem:$0x3F9D];
	s0 =	simm.s32 @p1 $0x1  }
0x15: {  	[smem:$0x3FBA] =	sst s0;
	s0 =	simm.s32 @!p2 $0x0  }
0x16: {  	s3 =	sld [smem:$0x3FDB];
	s0 =	simm.s32 @p2 $0x1  }
0x17: {  	s4 =	simm.s32 $0x1BF5;
	[smem:$0x3FBC] =	sst s0  }
0x18: {  	s0 =	sld [smem:$0x3F9F];
	_ =	swait.ge [sflag:s4], $0x0  }
0x19: {  	s7 =	sld [smem:$0x3FA0]  }
0x1a: {  	s8 =	sadd.s32 $0xFFFFE003, lr  }
0x1b: {  	s9 =	sadd.s32 $0xFFFFFEF7, lr;
	s5 =	simm.s32 $0xFFFFFFFF;
	p2 =	slt.u32 s8, $0xFFFFF086  }
0x1c: {  	p1 =	slt.u32 s9, $0xF7A;
	s5 =	simm.s32 @!p2 $0x0  }
0x1d: {  	s5 =	simm.s32 @p1 $0x1;
	p0 =	seq.s32 s7, s2  }
0x1e: {  	s7 =	smul.u32 @!p0 $0xF7A, s2;
	p2 =	seq.s32 @!p0 s5, $0x0  }
0x1f: {  	s9 =	smul.u32 $0xF7A, s1;
	s8 =	simm.s32 @!p0 $0x1BF5;
	p2 =	por !p2, p0  }
0x20: {  	[sflag:s8] =	ssyncset.s32 @!p0 $0xFFFFF086;
	s6 =	sadd.s32 @!p0 s3, s7;
	s7 =	simm.s32 @!p0 $0x108  }
0x21: {  	s3 =	sadd.s32 s3, s9;
	s6 =	sadd.s32 @!p0 $0x88, s6;
	s7 =	simm.s32 @p2 $0x1082  }
0x22: {  	[simem:s7], [sflag:s8] =	dma.local @!p0 [hbm:s6], $0xF7A  }
0x23: {  	s9 =	sor.u32 $0xD0000000, s2;
	s6 =	simm.s32 $0x108;
	_ =	swait.ge @!p0 [sflag:s8], $0x0  }
0x24: {  	s3 =	sadd.s32 $0x88, s3;
	s6 =	simm.s32 @!p1 $0x1082;
	[sflag:s4] =	ssyncset.s32 $0xFFFFF086  }
0x25: {  	[simem:s6], [sflag:s4] =	dma.local [hbm:s3], $0xF7A  }
0x26: {  	[smem:$0x3FA0] =	sst s1;
	(tag) =	ssettag s2;
	_ =	strace s9  }
0x27: {  	s1 =	sld [smem:$0x3FB0]  }
0x28: {  	s2 =	sld [smem:$0x3FB1]  }
0x29: {  	s4 =	sld [smem:$0x3FB3]  }
0x2a: {  	p0 =	seq.s32 s5, $0x0;
	s5 =	sld [smem:$0x3FB4]  }
0x2b: {  	s6 =	sld [smem:$0x3FB5]  }
0x2c: {  	s7 =	sld [smem:$0x3FB6]  }
0x2d: {  	s3 =	simm.s32 $0x108;
	s8 =	sld [smem:$0x3FB7]  }
0x2e: {  	s3 =	simm.s32 @!p0 $0x1082;
	s9 =	sld [smem:$0x3FB8]  }
0x2f: {  	lr =	sadd.s32 s0, s3;
	s0 =	sld [smem:$0x3FAF]  }
0x30: {  	s3 =	sld [smem:$0x3FB2]  }
0x31: {  	[smem:$0x3FBB] =	sst s10  }
0x32: {  	s10 =	sld [smem:$0x3FB9];
	_ =	sdelay $0x3  }
0x33: {  	p0 =	seq.s32 s10, $0x1;
	s10 =	sld [smem:$0x3FBB];
	_ =	sdelay $0x3  }
0x34: {  	[smem:$0x3FBB] =	sst s10  }
0x35: {  	s10 =	sld [smem:$0x3FBA];
	_ =	sdelay $0x3  }
0x36: {  	p1 =	seq.s32 s10, $0x1;
	s10 =	sld [smem:$0x3FBB];
	_ =	sdelay $0x3  }
0x37: {  	[smem:$0x3FBB] =	sst s10  }
0x38: {  	s10 =	sld [smem:$0x3FBC]  }
0x39: {  	_ = 	snop;
	(pc) =	sbr.ind lr, $3  }
0x3a: {  	_ = 	snop  }
0x3b: {  	_ = 	snop  }
0x3c: {  	p2 =	seq.s32 s10, $0x1;
	s10 =	sld [smem:$0x3FBB]  }
0x3d: {  	_ =	shalt  }
0x3e: {  	_ =	shalt  }
0x3f: {  	_ =	shalt  }
0x40: {  	_ =	shalt  }
0x41: {  	_ =	shalt  }
0x42: {  	_ =	shalt  }
0x43: {  	_ =	shalt  }
0x44: {  	_ =	shalt  }
0x45: {  	_ =	shalt  }
0x46: {  	_ =	shalt  }
0x47: {  	_ =	shalt  }
0x48: {  	_ =	shalt  }
0x49: {  	_ =	shalt  }
0x4a: {  	_ =	shalt  }
0x4b: {  	_ =	shalt  }
0x4c: {  	_ =	shalt  }
0x4d: {  	_ =	shalt  }
0x4e: {  	_ =	shalt  }
0x4f: {  	_ =	shalt  }
0x50: {  	_ =	shalt  }
0x51: {  	_ =	shalt  }
0x52: {  	_ =	shalt  }
0x53: {  	_ =	shalt  }
0x54: {  	_ =	shalt  }
0x55: {  	_ =	shalt  }
0x56: {  	_ =	shalt  }
0x57: {  	_ =	shalt  }
0x58: {  	_ =	shalt  }
0x59: {  	_ =	shalt  }
0x5a: {  	_ =	shalt  }
0x5b: {  	_ =	shalt  }
0x5c: {  	_ =	shalt  }
0x5d: {  	_ =	shalt  }
0x5e: {  	_ =	shalt  }
0x5f: {  	_ =	shalt  }
0x60: {  	_ =	shalt  }
0x61: {  	_ =	shalt  }
0x62: {  	_ =	shalt  }
0x63: {  	_ =	shalt  }
0x64: {  	_ =	shalt  }
0x65: {  	_ =	shalt  }
0x66: {  	_ =	shalt  }
0x67: {  	_ =	shalt  }
0x68: {  	_ =	shalt  }
0x69: {  	_ =	shalt  }
0x6a: {  	_ =	shalt  }
0x6b: {  	_ =	shalt  }
0x6c: {  	_ =	shalt  }
0x6d: {  	_ =	shalt  }
0x6e: {  	_ =	shalt  }
0x6f: {  	_ =	shalt  }
0x70: {  	_ =	shalt  }
0x71: {  	_ =	shalt  }
0x72: {  	_ =	shalt  }
0x73: {  	_ =	shalt  }
0x74: {  	_ =	shalt  }
0x75: {  	_ =	shalt  }
0x76: {  	_ =	shalt  }
0x77: {  	_ =	shalt  }
0x78: {  	_ =	shalt  }
0x79: {  	_ =	shalt  }
0x7a: {  	_ =	shalt  }
0x7b: {  	_ =	shalt  }
0x7c: {  	_ =	shalt  }
0x7d: {  	_ =	shalt  }
0x7e: {  	_ =	shalt  }
0x7f: {  	_ =	shalt  }
0x80: {  	_ =	shalt  }
0x81: {  	_ =	shalt  }
0x82: {  	_ =	shalt  }
0x83: {  	_ =	shalt  }
0x84: {  	_ =	shalt  }
0x85: {  	_ =	shalt  }
0x86: {  	_ =	shalt  }
0x87: {  	_ =	shalt  }
.Lfunc_end0:
.L_simem_size_0:
called_computation_lowered:
.L_overlay_start_0:
0x88: {  	s2 =	sld [smem:$0x3FD9]  }
0x89: {  	s3 =	sld [smem:$0x3FFE];
	_ =	sdelay $0x1  }
0x8a: {  	s1 =	srdreg.scid  }
0x8b: {  	s0 =	sand.u32 $0x1, s1  }
0x8c: {  	s14 =	sshll.u32 s0, $0xA;
	s2 =	sadd.s32 s3, s2  }
0x8d: {  	s2 =	sadd.s32 s2, s14  }
0x8e: {  	[smem:$0x3FC7] =	sst s2  }
0x8f: {  	_ = 	snop  }
0x90: {  	s2 =	sld [smem:$0x3FD0];
	_ =	sdelay $0x2  }
0x91: {  	s15 =	simm.s32 $0xA;
	s4 =	simm.s32 $0x10  }
0x92: {  	[smem:s4], [sflag:s15] =	dma.local [hbm:s2], $0x1  }
0x93: {  	_ =	swait.eq [sflag:s15], $0x1  }
0x94: {  	[sflag:s15] =	ssyncset.done $0x0  }
0x95: {  	[sflag:s15] =	ssyncadd.s32 $0xFFFFFFFF  }
0x96: {  	s16 =	sld [smem:$0x10];
	(tm) =	ssettm $0x1  }
0x97: {  	s17 =	sld [smem:$0x3FFB];
	_ =	sdelay $0x3  }
0x98: {  	_ =	strace s17  }
0x99: {  	s3 =	sld [smem:$0x3FFC];
	_ =	sdelay $0x3  }
0x9a: {  	_ =	strace s3  }
0x9b: {  	s3 =	sld [smem:$0x3FFD];
	_ =	sdelay $0x3  }
0x9c: {  	_ =	strace s3  }
0x9d: {  	_ =	strace $0x8FFFFFFF  }
0x9e: {  	s18 =	sld [smem:$0x3FDB];
	_ =	sdelay $0x1  }
0x9f: {  	s19 =	simm.s32 $_scs_section_size  }
0xa0: {  	s5 =	simm.s32 $_size__tile_overlayer_lowered;
	s6 =	simm.s32 $_tile_overlayer_lowered  }
0xa1: {  	s22 =	simm.s32 $0x1BFF;
	s21 =	sshll.u32 s6, $0x1;
	s3 =	sadd.s32 s19, s18  }
0xa2: {  	s7 =	simm.s32 $0x0;
	s20 =	sshll.u32 s5, $0x1;
	s5 =	sadd.s32 s21, s3  }
0xa3: {  	[timem:s7], [sflag:s22] =	dma.local [hbm:s5], s20  }
0xa4: {  	_ =	swait.ge [sflag:s22], s20  }
0xa5: {  	s4 =	ssub.s32 $0x0, s20;
	[sflag:s22] =	ssyncset.done $0x0  }
0xa6: {  	[sflag:s22] =	ssyncadd.s32 s4;
	_ =	sdelay $0x1  }
0xa7: {  	s23 =	simm.s32 $0x1B8B  }
0xa8: {  	_ =	swait.ge [sflag:s23], $0x1  }
0xa9: {  	[sflag:s23] =	ssyncset.done $0x0  }
0xaa: {  	s25 =	simm.s32 $0x1B8E;
	s24 =	sld [smem:$0x3FFE];
	[sflag:s23] =	ssyncadd.s32 $0xFFFFFFFF  }
0xab: {  	s26 =	simm.s32 $execute0_lowered;
	[smem:$0x3FD2] =	sst s25  }
0xac: {  	s5 =	sshll.u32 s26, $0x1;
	_ =	strace $0x80000046;
	[dreg:$0x1] =	wrdreg $0xFFFFFFFF  }
0xad: {  	s28 =	simm.s32 $_size_execute0_lowered;
	s3 =	sadd.s32 s3, s5;
	[dreg:$0x0] =	wrdreg $0x0  }
0xae: {  	s5 =	sshll.u32 s28, $0x1;
	[dreg:$0x2] =	wrdreg s3  }
0xaf: {  	[dreg:$0x3] =	wrdreg s5  }
0xb0: {  	[dreg:$0x4] =	wrdreg $0xC0  }
0xb1: {  	_ =	task [dreg:s7], $0x5FFFF  }
0xb2: {  	[dreg:$0x1] =	wrdreg $0xFFFFFFFF  }
0xb3: {  	[dreg:$0x0] =	wrdreg $0x60  }
0xb4: {  	[dreg:$0x2] =	wrdreg s24  }
0xb5: {  	[dreg:$0x3] =	wrdreg s16  }
0xb6: {  	[dreg:$0x4] =	wrdreg $0x9  }
0xb7: {  	_ =	task.clear_ibuf [dreg:s7], $0x5FFFF;
	_ =	strace $0x90000046  }
0xb8: {  	s29 =	simm.s32 $0x9;
	_ =	strace $0x80000048  }
0xb9: {  	_ =	swait.ge [sflag:s29], $0x1  }
0xba: {  	[sflag:s29] =	ssyncadd.s32 $0xFFFFFFFF  }
0xbb: {  	_ =	strace $0x90000048  }
0xbc: {  	_ =	sfence  }
0xbd: {  	s30 =	sld [smem:$0x0];
	_ =	sdelay $0x2  }
0xbe: {  	s31 =	sshll.u32 s1, $0xD;
	s1 =	sshrl.u32 s1, $0x2  }
0xbf: {  	s3 =	sand.u32 $0x4000, s31;
	s1 =	sadd.s32 s1, s30  }
0xc0: {  	s0 =	sor.u32 s3, s0;
	s1 =	sshll.u32 s1, $0x11  }
0xc1: {  	s0 =	sor.u32 s1, s0  }
0xc2: {  	s0 =	sadd.s32 $0x8F2B, s0  }
0xc3: {  	[sflag:s0] =	ssyncadd.remote.s32 $0x1  }
0xc4: {  	_ =	sfence.sel $0xFFFF  }
0xc5: {  	[dreg:$0x0] =	wrdreg $0xFFFFFFFF;
	(pc) =	sbr.abs _section_cstart, $3  }
0xc6: {  	[dreg:$0x1] =	wrdreg $0xFFFFFFFF  }
0xc7: {  	_ =	task.clear_ibuf [dreg:s7], $0x2FFFF;
	_ =	strace $0x9FFFFFFF  }
0xc8: {  	(tm) =	ssettm $0x7FFFFFFF  }
0xc9: {  	_ =	shalt  }
tec
execute0_lowered:
.L_overlay_start_1:
0x0: {  	(tag) =	ssettag $0x1  }
0x1: {  	s3 =	rddreg [dreg:$0x0]  }
0x2: {  	s5 =	rddreg [dreg:$0x1]  }
0x3: {  	s0 =	rddreg [dreg:$0x2]  }
0x4: {  	s2 =	simm.s32 $0x0;
	s1 =	stileid.u32;
	s4 =	srdreg.scid  }
0x5: {  	s11 =	simm.s32 $0x5000;
	s12 =	simm.s32 $0x5800;
	s13 =	simm.s32 $0x6000  }
0x6: {  	s14 =	simm.s32 $0x8000;
	s15 =	simm.s32 $0x0;
	[smem:$0x7FF] =	sst s2  }
0x7: {  	s6 =	sshll.u32 s1, $0x1;
	s7 =	sshrl.u32 s1, $0x1;
	s4 =	sand.u32 $0x1, s4  }
0x8: {  	s6 =	sand.u32 $0x2, s6;
	_ =	strace $0x80000047;
	s8 =	sshll.u32 s7, $0xB  }
0x9: {  	s7 =	sshll.u32 s7, $0xC;
	s6 =	sor.u32 s4, s6;
	s4 =	ssub.s32 $0x2, s4  }
.Ltmp0:
0xa: {  	s9 =	sshll.u32 s6, $0xA;
	s31 =	sshrl.u32 s4, $0x1;
	(pc) =	sbr.rel .LBB2_1-.Ltmp0, $4  }
0xb: {  	s8 =	sadd.s32 s8, s3;
	s7 =	sor.u32 s7, s9;
	s9 =	ssub.s32 s4, s31  }
0xc: {  	s4 =	sadd.s32 $0xE00, s8;
	s8 =	simm.s32 $0x1;
	s10 =	sadd.s32 s7, s3  }
0xd: {  	v0 =	vlaneseq.u32;
	s3 =	sshll.u32 s6, $0x9;
	s5 =	sadd.s32 s5, s7;
	s7 =	smax.u32 s9, $0x1  }
0xe: {  	v1 =	vimm.f32 $0.0e+00;
	v0 =	vmul.u32 $0x8, v0;
	s9 =	simm.s32 $0x4000;
	s6 =	sadd.s32 $0x4E00, s10;
	s10 =	simm.s32 $0x4800  }
.LBB2_11:
0xf: {  	[hbm4b:s5+s2] =	stream.linear.scatter [tilespmem:s13], [sflag:$0x1], $0x2000, $0x38;
	[tilespmem:$0xA000] =	vst v63  }
0x10: {  	s15 =	sadd.s32 $0x1, s15;
	_ =	swait.ge [sflag:s8], $0x2000  }
0x11: {  	p0 =	sne.s32 s15, s7;
	[sflag:s8] =	ssyncset.done $0x0  }
.Ltmp1:
0x12: {  	[sflag:s8] =	ssyncadd.s32 $0xFFFFE000;
	(pc) =	sbr.rel @!p0 .LBB2_12-.Ltmp1, $4  }
0x13: {  	[hbm4b:s6+s2] =	stream.linear.scatter [tilespmem:s14], [sflag:$0x1], $0x2000, $0x38;
	[tilespmem:$0xA000] =	vst v63  }
0x14: {  	_ =	swait.ge [sflag:s8], $0x2000  }
0x15: {  	[sflag:s8] =	ssyncset.done $0x0  }
0x16: {  	[sflag:s8] =	ssyncadd.s32 $0xFFFFE000  }
.LBB2_1:
0x17: {  	v2 =	vmov s2  }
0x18: {  	v2 =	vshll.u32 v2, $0x3  }
0x19: {  	v2 =	vor.u32 v0, v2  }
0x1a: {  	[tilespmem:s2], [sflag:$0x1] =	stream.linear.gather [hbm4b:s4+s2], $0x4000, $0x38;
	v3 =	vor.u32 $0x1, v2;
	[tilespmem:$0xA000] =	vst v63  }
0x1b: {  	_ =	swait.ge [sflag:s8], $0x4000;
	v4 =	vor.u32 $0x2, v2  }
0x1c: {  	[sflag:s8] =	ssyncset.done $0x0  }
0x1d: {  	[sflag:s8] =	ssyncadd.s32 $0xFFFFC000  }
0x1e: {  	s16 =	simm.s32 $0x10;
	v7 =	vld.idx.msk [tilespmem:v2+s2+$0x0], $0xffff  }
0x1f: {  	v2 =	vmov s16;
	v6 =	vld.idx.msk [tilespmem:v3+s2+$0x0], $0xffff  }
0x20: {  	v5 =	vld.idx.msk [tilespmem:v4+s2+$0x0], $0xffff;
	v2 =	vshll.u32 v2, $0x3  }
0x21: {  	v2 =	vor.u32 v0, v2  }
0x22: {  	v4 =	vor.u32 $0x1, v2  }
0x23: {  	v3 =	vor.u32 $0x2, v2;
	v9 =	vmul.f32 v7, v7;
	v11 =	vshrl.u32 v7, $0x10  }
0x24: {  	s25 =	simm.s32 $0x20;
	s17 =	simm.s32 $0x5010;
	s18 =	simm.s32 $0x5810;
	v8 =	vmul.f32 v6, v6;
	v10 =	vshrl.u32 v6, $0x10;
	v11 =	vand.u32 $0x1, v11  }
0x25: {  	s20 =	simm.s32 $0x4000;
	s19 =	simm.s32 $0x4800;
	s23 =	simm.s32 $0x4000;
	v7 =	vadd.s32 v11, v7;
	v10 =	vand.u32 $0x1, v10;
	v11 =	vshrl.u32 v5, $0x10  }
0x26: {  	s24 =	simm.s32 $0x4800;
	s21 =	simm.s32 $0x5000;
	s22 =	simm.s32 $0x5800;
	v8 =	vadd.f32 v8, v9;
	v9 =	vmul.f32 v5, v5;
	v7 =	vadd.s32 $0x7FFF, v7  }
.LBB2_2:
0x27: {  	s20 =	sadd.s32 $0x10, s20  }
0x28: {  	v8 =	vadd.f32 v9, v8;
	v6 =	vadd.s32 v10, v6;
	v9 =	vand.u32 $0x1, v11;
	s19 =	sadd.s32 $0x10, s19;
	s26 =	smov.u32 s25;
	s28 =	sadd.s32 $0x10, s25  }
0x29: {  	p0 =	sne.s32 s25, $0x7F0;
	v7 =	vand.u32 $0xFFFF0000, v7;
	v6 =	vadd.s32 $0x7FFF, v6;
	v5 =	vadd.s32 v9, v5  }
0x2a: {  	[tilespmem:s23+$0x0] =	vst v8;
	v6 =	vand.u32 $0xFFFF0000, v6;
	v5 =	vadd.s32 $0x7FFF, v5;
	s23 =	smov.u32 s20  }
0x2b: {  	[tilespmem:s24+$0x0] =	vst v7;
	v5 =	vand.u32 $0xFFFF0000, v5;
	s24 =	smov.u32 s19  }
0x2c: {  	[tilespmem:s21+$0x0] =	vst v6;
	s21 =	smov.u32 s17  }
0x2d: {  	s16 =	simm.s32 $0x0;
	[tilespmem:s22+$0x0] =	vst v5;
	s22 =	smov.u32 s18  }
0x2e: {  	v6 =	vld.idx.msk [tilespmem:v4+s16+$0x0], $0xffff  }
0x2f: {  	v7 =	vld.idx.msk [tilespmem:v2+s16+$0x0], $0xffff  }
0x30: {  	v5 =	vld.idx.msk [tilespmem:v3+s16+$0x0], $0xffff;
	_ =	sdelay $0x2  }
0x31: {  	v2 =	vmov s26  }
.Ltmp2:
0x32: {  	v2 =	vshll.u32 v2, $0x3;
	v8 =	vmul.f32 v6, v6;
	v10 =	vshrl.u32 v6, $0x10;
	(pc) =	sbr.rel @p0 .LBB2_2-.Ltmp2, $4  }
0x33: {  	v2 =	vor.u32 v0, v2;
	v9 =	vmul.f32 v7, v7;
	v11 =	vshrl.u32 v7, $0x10  }
0x34: {  	v4 =	vor.u32 $0x1, v2;
	v3 =	vor.u32 $0x2, v2;
	v11 =	vand.u32 $0x1, v11  }
0x35: {  	v8 =	vadd.f32 v8, v9;
	v9 =	vmul.f32 v5, v5;
	v7 =	vadd.s32 v11, v7  }
0x36: {  	s25 =	smov.u32 s28;
	s17 =	sadd.s32 $0x10, s17;
	s18 =	sadd.s32 $0x10, s18;
	v10 =	vand.u32 $0x1, v10;
	v11 =	vshrl.u32 v5, $0x10;
	v7 =	vadd.s32 $0x7FFF, v7  }
0x37: {  	v8 =	vadd.f32 v9, v8  }
0x38: {  	v6 =	vadd.s32 v10, v6;
	v55 =	vand.u32 $0x1, v11  }
0x39: {  	v7 =	vand.u32 $0xFFFF0000, v7;
	v6 =	vadd.s32 $0x7FFF, v6;
	v5 =	vadd.s32 v55, v5;
	[tilespmem:s23+$0x0] =	vst v8  }
0x3a: {  	v6 =	vand.u32 $0xFFFF0000, v6;
	v5 =	vadd.s32 $0x7FFF, v5;
	[tilespmem:s24+$0x0] =	vst v7  }
0x3b: {  	v5 =	vand.u32 $0xFFFF0000, v5;
	[tilespmem:s21+$0x0] =	vst v6  }
0x3c: {  	[tilespmem:s22+$0x0] =	vst v5  }
0x3d: {  	v4 =	vld.idx.msk [tilespmem:v4+s16+$0x0], $0xffff  }
0x3e: {  	v2 =	vld.idx.msk [tilespmem:v2+s16+$0x0], $0xffff;
	_ =	sdelay $0x1  }
0x3f: {  	v3 =	vld.idx.msk [tilespmem:v3+s16+$0x0], $0xffff;
	_ =	sdelay $0x2  }
0x40: {  	v56 =	vmul.f32 v4, v4;
	v57 =	vmul.f32 v2, v2;
	_ =	sdelay $0x1  }
0x41: {  	v58 =	vshrl.u32 v2, $0x10;
	v59 =	vmul.f32 v3, v3;
	v5 =	vadd.f32 v56, v57  }
0x42: {  	v60 =	vshrl.u32 v4, $0x10;
	v62 =	vshrl.u32 v3, $0x10;
	v7 =	vand.u32 $0x1, v58  }
0x43: {  	v61 =	vand.u32 $0x1, v60;
	v2 =	vadd.s32 v7, v2;
	v5 =	vadd.f32 v59, v5  }
.Ltmp3:
0x44: {  	s20 =	sadd.s32 $0x10, s20;
	v63 =	vand.u32 $0x1, v62;
	v4 =	vadd.s32 v61, v4;
	v2 =	vadd.s32 $0x7FFF, v2;
	(pc) =	sbr.rel .LBB2_4-.Ltmp3, $4  }
0x45: {  	s19 =	sadd.s32 $0x10, s19;
	v3 =	vadd.s32 v63, v3;
	v4 =	vadd.s32 $0x7FFF, v4;
	v2 =	vand.u32 $0xFFFF0000, v2;
	[tilespmem:s20+$0x0] =	vst v5  }
0x46: {  	v3 =	vadd.s32 $0x7FFF, v3;
	v4 =	vand.u32 $0xFFFF0000, v4;
	[tilespmem:s19+$0x0] =	vst v2  }
0x47: {  	v2 =	vand.u32 $0xFFFF0000, v3;
	[tilespmem:s17+$0x0] =	vst v4  }
0x48: {  	[tilespmem:s18+$0x0] =	vst v2  }
.LBB2_10:
0x49: {  	s17 =	sshll.u32 s16, $0x6  }
0x4a: {  	[tilespmem:s17+$0x6000] =	vst v27  }
0x4b: {  	s16 =	sadd.s32 $0x1, s16;
	[tilespmem:s17+$0x8000] =	vst v28  }
0x4c: {  	[tilespmem:s17+$0x6010] =	vst v23;
	p0 =	sne.s32 s16, $0x80  }
.Ltmp4:
0x4d: {  	[tilespmem:s17+$0x8010] =	vst v24;
	(pc) =	sbr.rel @!p0 .LBB2_11-.Ltmp4, $4  }
0x4e: {  	[tilespmem:s17+$0x6020] =	vst v16  }
0x4f: {  	[tilespmem:s17+$0x8020] =	vst v17  }
0x50: {  	[tilespmem:s17+$0x6030] =	vst v8  }
0x51: {  	[tilespmem:s17+$0x8030] =	vst v9  }
.LBB2_4:
0x52: {  	s17 =	sshll.u32 s16, $0x2  }
0x53: {  	s17 =	sadd.s32 s3, s17  }
0x54: {  	v2 =	vmov s17;
	s18 =	sor.u32 $0x1, s17;
	s31 =	sor.u32 $0x2, s17;
	s17 =	sor.u32 $0x3, s17  }
0x55: {  	v26 =	vmov s17;
	_ =	sdelay $0x1  }
0x56: {  	v2 =	vand.u32 $0xFFFFFFFC, v2  }
0x57: {  	v5 =	vbroadcast v2, $0x0;
	_ =	sdelay $0x1  }
0x58: {  	v4 =	vmov s31;
	v18 =	vld.idx.msk [tilespmem:v26+s9+$0x0], $0xffff  }
0x59: {  	v6 =	vand.u32 $0xFFFFFFFE, v4;
	v20 =	vld.idx.msk [tilespmem:v26+s10+$0x0], $0xffff  }
0x5a: {  	v2 =	vmov s18;
	v9 =	vbroadcast v6, $0x0;
	v22 =	vld.idx.msk [tilespmem:v26+s11+$0x0], $0xffff  }
0x5b: {  	v2 =	vand.u32 $0xFFFFFFFD, v2;
	v26 =	vld.idx.msk [tilespmem:v26+s12+$0x0], $0xffff  }
0x5c: {  	v8 =	vbroadcast v2, $0x0;
	v2 =	vld.idx.msk [tilespmem:v5+s9+$0x0], $0xffff  }
0x5d: {  	v3 =	vld.idx.msk [tilespmem:v5+s10+$0x0], $0xffff  }
0x5e: {  	v4 =	vld.idx.msk [tilespmem:v5+s11+$0x0], $0xffff  }
0x5f: {  	v5 =	vld.idx.msk [tilespmem:v5+s12+$0x0], $0xffff  }
0x60: {  	v12 =	vld.idx.msk [tilespmem:v9+s9+$0x0], $0xffff  }
0x61: {  	v13 =	vld.idx.msk [tilespmem:v9+s10+$0x0], $0xffff  }
0x62: {  	v14 =	vld.idx.msk [tilespmem:v9+s11+$0x0], $0xffff  }
.Ltmp5:
0x63: {  	v15 =	vld.idx.msk [tilespmem:v9+s12+$0x0], $0xffff;
	(pc) =	sbr.rel .LBB2_5-.Ltmp5, $4  }
0x64: {  	v19 =	vimm.f32 $+Inf;
	v21 =	vimm.f32 $+Inf;
	v16 =	vlaneseq.u32;
	v6 =	vld.idx.msk [tilespmem:v8+s9+$0x0], $0xffff  }
0x65: {  	v17 =	vimm.f32 $+Inf;
	v25 =	vimm.f32 $+Inf;
	v23 =	vlaneseq.u32;
	v7 =	vld.idx.msk [tilespmem:v8+s10+$0x0], $0xffff  }
0x66: {  	s19 =	simm.s32 $0x5810;
	v24 =	vimm.f32 $+Inf;
	s20 =	simm.s32 $0x4010;
	s21 =	simm.s32 $0x4810;
	v29 =	vimm.f32 $+Inf;
	v27 =	vlaneseq.u32;
	v10 =	vld.idx.msk [tilespmem:v8+s11+$0x0], $0xffff  }
0x67: {  	s22 =	simm.s32 $0x0;
	v28 =	vimm.f32 $+Inf;
	s17 =	simm.s32 $0xFFFFFFFE;
	s18 =	simm.s32 $0x5010;
	v9 =	vimm.f32 $+Inf;
	v11 =	vld.idx.msk [tilespmem:v8+s12+$0x0], $0xffff;
	v8 =	vlaneseq.u32  }
.LBB2_9:
0x68: {  	s17 =	sadd.s32 $0x2, s17  }
0x69: {  	p0 =	slt.u32 s17, $0x7E  }
.Ltmp6:
0x6a: {  	_ = 	snop;
	(pc) =	sbr.rel @!p0 .LBB2_10-.Ltmp6, $3  }
0x6b: {  	_ =	sdelay $0x1  }
0x6c: {  	s22 =	sadd.s32 $0x20, s22;
	s18 =	sadd.s32 $0x20, s18  }
0x6d: {  	s19 =	sadd.s32 $0x20, s19;
	s20 =	sadd.s32 $0x20, s20;
	s21 =	sadd.s32 $0x20, s21  }
.LBB2_5:
0x6e: {  	v30 =	vld [tilespmem:s21+$0xFFFFFFF0]  }
0x6f: {  	v31 =	vld [tilespmem:s18+$0xFFFFFFF0];
	_ =	sdelay $0x1  }
0x70: {  	v32 =	vld [tilespmem:s19+$0xFFFFFFF0];
	_ =	sdelay $0x1  }
0x71: {  	v35 =	vld [tilespmem:s20+$0xFFFFFFF0]  }
0x72: {  	v33 =	vmul.f32 v30, v3;
	v34 =	vmul.f32 v31, v4  }
0x73: {  	v36 =	vmul.f32 v30, v7;
	v37 =	vmul.f32 v31, v10  }
0x74: {  	v57 =	vmul.f32 v32, v5;
	v59 =	vmul.f32 v30, v13  }
0x75: {  	v38 =	vmul.f32 v31, v14;
	v30 =	vmul.f32 v30, v20  }
0x76: {  	v31 =	vmul.f32 v31, v22;
	v60 =	vadd.f32 v35, v2;
	v62 =	vadd.f32 v35, v12  }
0x77: {  	v58 =	vmul.f32 v32, v11;
	v33 =	vadd.f32 v34, v33;
	v36 =	vadd.f32 v37, v36  }
0x78: {  	v61 =	vmul.f32 v32, v15;
	v34 =	vadd.f32 v38, v59;
	v30 =	vadd.f32 v31, v30  }
0x79: {  	v32 =	vmul.f32 v32, v26;
	v31 =	vadd.f32 v35, v6;
	v35 =	vadd.f32 v35, v18  }
0x7a: {  	v33 =	vadd.f32 v57, v33;
	v36 =	vadd.f32 v58, v36  }
0x7b: {  	v34 =	vadd.f32 v61, v34;
	v30 =	vadd.f32 v32, v30  }
0x7c: {  	v33 =	vadd.f32 v33, v33;
	v36 =	vadd.f32 v36, v36  }
0x7d: {  	v34 =	vadd.f32 v34, v34;
	v30 =	vadd.f32 v30, v30  }
0x7e: {  	v33 =	vsub.f32 v60, v33;
	v31 =	vsub.f32 v31, v36  }
0x7f: {  	v34 =	vsub.f32 v62, v34  }
0x80: {  	v30 =	vsub.f32 v35, v30;
	v33 =	vmax.f32 v33, $0.0e+00;
	v32 =	vmax.f32 v31, $0.0e+00  }
0x81: {  	v31 =	vmax.f32 v34, $0.0e+00;
	vm3 =	vlt.f32 v33, v29;
	vm2 =	vlt.f32 v32, v25  }
0x82: {  	v30 =	vmax.f32 v30, $0.0e+00;
	vm1 =	vlt.f32 v31, v21;
	vm0 =	vmor vm3, vm2  }
0x83: {  	vm4 =	vmor vm1, vm0;
	vm0 =	vlt.f32 v30, v19  }
0x84: {  	vm4 =	vmor vm0, vm4  }
0x85: {  	v63 =	vsel vm4, $0x3F800000, v1  }
0x86: {  	(xrf0) =	vmax.scan.msk.f32 $0xffff, v63;
	_ =	sdelay $0x5  }
0x87: {  	v34, _, _ =	vpop (xrf0)  }
0x88: {  	(v2sf) =	vpush v34, $0xF;
	_ =	sdelay $0xe  }
0x89: {  	s23 =	spop (v2sf)  }
0x8a: {  	p0 =	sgt.f32 s23, $0.0e+00  }
.Ltmp7:
0x8b: {  	_ = 	snop;
	(pc) =	sbr.rel @!p0 .LBB2_7-.Ltmp7, $1  }
0x8c: {  	_ =	sdelay $0x3  }
0x8d: {  	v34 =	vsel vm3, $0x3F800000, v1  }
0x8e: {  	(xrf0) =	vmax.scan.msk.f32 $0xffff, v34;
	_ =	sdelay $0x5  }
0x8f: {  	v34, _, _ =	vpop (xrf0)  }
0x90: {  	(v2sf) =	vpush v34, $0xF;
	_ =	sdelay $0xe  }
0x91: {  	s23 =	spop (v2sf)  }
0x92: {  	p0 =	sgt.f32 s23, $0.0e+00;
	_ =	sdelay $0x1  }
0x93: {  	v34 =	vlaneseq.u32 @p0  }
0x94: {  	v35 =	vor.u32 @p0 s22, v34  }
0x95: {  	(xrf1) =	vsort.ascd.msk.f32 @p0 $0xffff, v33, v35;
	_ =	sdelay $0xb  }
0x96: {  	v33 =	vmul.u32 @p0 $0xFFFFFFFF, v34;
	_ =	sdelay $0x1  }
0x97: {  	v33 =	vadd.s32 @p0 $0xF, v33;
	v34, v35, _ =	vpop @p0 (xrf1)  }
0x98: {  	v34 =	vperm.xlane @p0 v34, v33;
	_ =	sdelay $0x1  }
0x99: {  	v33 =	vperm.xlane @p0 v35, v33;
	vm3 =	vle.f32 @p0 v28, v34  }
0x9a: {  	vm3 =	vmneg @p0 vm3  }
0x9b: {  	v34 =	vsel @p0 vm3, v34, v28;
	v33 =	vsel @p0 vm3, v33, v27  }
0x9c: {  	(xrf1) =	vsort.ascd.msk.f32 @p0 $0xffff, v34, v33;
	_ =	sdelay $0xd  }
0x9d: {  	v33, v34, _ =	vpop @p0 (xrf1)  }
0x9e: {  	v61 =	vsel vm2, $0x3F800000, v1;
	(xrf0) =	vmax.scan.msk.f32 @p0 $0xffff, v33  }
0x9f: {  	(xrf0) =	vmax.scan.msk.f32 $0xffff, v61;
	_ =	sdelay $0x4  }
0xa0: {  	v35, _, _ =	vpop @p0 (xrf0)  }
0xa1: {  	v36, _, _ =	vpop (xrf0)  }
0xa2: {  	(v2sf) =	vpush v36, $0xF;
	_ =	sdelay $0xe  }
0xa3: {  	s29 =	spop (v2sf)  }
0xa4: {  	p1 =	sgt.f32 s29, $0.0e+00;
	_ =	sdelay $0x1  }
0xa5: {  	v36 =	vlaneseq.u32 @p1  }
0xa6: {  	v37 =	vor.u32 @p1 s22, v36  }
0xa7: {  	(xrf1) =	vsort.ascd.msk.f32 @p1 $0xffff, v32, v37;
	_ =	sdelay $0xb  }
0xa8: {  	v32 =	vmul.u32 @p1 $0xFFFFFFFF, v36;
	_ =	sdelay $0x1  }
0xa9: {  	v32 =	vadd.s32 @p1 $0xF, v32;
	v36, v37, _ =	vpop @p1 (xrf1)  }
0xaa: {  	v36 =	vperm.xlane @p1 v36, v32;
	_ =	sdelay $0x1  }
0xab: {  	v32 =	vperm.xlane @p1 v37, v32;
	vm2 =	vle.f32 @p1 v24, v36  }
0xac: {  	vm2 =	vmneg @p1 vm2  }
0xad: {  	v36 =	vsel @p1 vm2, v36, v24;
	v32 =	vsel @p1 vm2, v32, v23  }
0xae: {  	(xrf1) =	vsort.ascd.msk.f32 @p1 $0xffff, v36, v32;
	_ =	sdelay $0xd  }
0xaf: {  	v32, v36, _ =	vpop @p1 (xrf1)  }
0xb0: {  	v62 =	vsel vm1, $0x3F800000, v1;
	(xrf0) =	vmax.scan.msk.f32 @p1 $0xffff, v32  }
0xb1: {  	(xrf0) =	vmax.scan.msk.f32 $0xffff, v62;
	_ =	sdelay $0x4  }
0xb2: {  	v37, _, _ =	vpop @p1 (xrf0)  }
0xb3: {  	v38, _, _ =	vpop (xrf0)  }
0xb4: {  	(v2sf) =	vpush v38, $0xF;
	_ =	sdelay $0xe  }
0xb5: {  	s30 =	spop (v2sf)  }
0xb6: {  	p2 =	sgt.f32 s30, $0.0e+00;
	_ =	sdelay $0x1  }
0xb7: {  	v38 =	vlaneseq.u32 @p2  }
0xb8: {  	v39 =	vor.u32 @p2 s22, v38  }
0xb9: {  	(xrf1) =	vsort.ascd.msk.f32 @p2 $0xffff, v31, v39;
	_ =	sdelay $0xb  }
0xba: {  	v31 =	vmul.u32 @p2 $0xFFFFFFFF, v38;
	_ =	sdelay $0x1  }
0xbb: {  	v31 =	vadd.s32 @p2 $0xF, v31;
	v38, v39, _ =	vpop @p2 (xrf1)  }
0xbc: {  	v38 =	vperm.xlane @p2 v38, v31;
	_ =	sdelay $0x1  }
0xbd: {  	v31 =	vperm.xlane @p2 v39, v31;
	vm1 =	vle.f32 @p2 v17, v38  }
0xbe: {  	vm1 =	vmneg @p2 vm1  }
0xbf: {  	v38 =	vsel @p2 vm1, v38, v17;
	v31 =	vsel @p2 vm1, v31, v16  }
0xc0: {  	(xrf1) =	vsort.ascd.msk.f32 @p2 $0xffff, v38, v31;
	_ =	sdelay $0xd  }
0xc1: {  	v31, v38, _ =	vpop @p2 (xrf1)  }
0xc2: {  	v63 =	vsel vm0, $0x3F800000, v1;
	(xrf0) =	vmax.scan.msk.f32 @p2 $0xffff, v31  }
0xc3: {  	(xrf0) =	vmax.scan.msk.f32 $0xffff, v63;
	_ =	sdelay $0x4  }
0xc4: {  	v39, _, _ =	vpop @p2 (xrf0)  }
0xc5: {  	v40, _, _ =	vpop (xrf0)  }
0xc6: {  	(v2sf) =	vpush v40, $0xF;
	_ =	sdelay $0xe  }
0xc7: {  	s31 =	spop (v2sf)  }
0xc8: {  	p3 =	sgt.f32 s31, $0.0e+00;
	_ =	sdelay $0x1  }
0xc9: {  	v40 =	vlaneseq.u32 @p3  }
0xca: {  	v41 =	vor.u32 @p3 s22, v40  }
0xcb: {  	(xrf1) =	vsort.ascd.msk.f32 @p3 $0xffff, v30, v41;
	_ =	sdelay $0xb  }
0xcc: {  	v30 =	vmul.u32 @p3 $0xFFFFFFFF, v40;
	_ =	sdelay $0x1  }
0xcd: {  	v30 =	vadd.s32 @p3 $0xF, v30;
	v40, v41, _ =	vpop @p3 (xrf1)  }
0xce: {  	v40 =	vperm.xlane @p3 v40, v30;
	_ =	sdelay $0x1  }
0xcf: {  	v30 =	vperm.xlane @p3 v41, v30;
	vm0 =	vle.f32 @p3 v9, v40  }
0xd0: {  	vm0 =	vmneg @p3 vm0  }
0xd1: {  	v40 =	vsel @p3 vm0, v40, v9;
	v30 =	vsel @p3 vm0, v30, v8  }
0xd2: {  	(xrf1) =	vsort.ascd.msk.f32 @p3 $0xffff, v40, v30;
	_ =	sdelay $0xd  }
0xd3: {  	v30, v40, _ =	vpop @p3 (xrf1)  }
0xd4: {  	(xrf0) =	vmax.scan.msk.f32 @p3 $0xffff, v30;
	_ =	sdelay $0x3  }
0xd5: {  	v35 =	vbroadcast @p0 v35, $0xF  }
0xd6: {  	v28 =	vpsel p0, v33, v28;
	v27 =	vpsel p0, v34, v27;
	v33 =	vbroadcast @p1 v37, $0xF  }
0xd7: {  	v29 =	vpsel p0, v35, v29;
	v24 =	vpsel p1, v32, v24;
	v32 =	vbroadcast @p2 v39, $0xF;
	v34, _, _ =	vpop @p3 (xrf0)  }
0xd8: {  	v23 =	vpsel p1, v36, v23;
	v25 =	vpsel p1, v33, v25;
	v33 =	vbroadcast @p3 v34, $0xF  }
0xd9: {  	v17 =	vpsel p2, v31, v17;
	v16 =	vpsel p2, v38, v16;
	v21 =	vpsel p2, v32, v21  }
0xda: {  	v9 =	vpsel p3, v30, v9;
	v8 =	vpsel p3, v40, v8;
	v19 =	vpsel p3, v33, v19  }
.LBB2_7:
0xdb: {  	v30 =	vld [tilespmem:s21+$0x0]  }
0xdc: {  	v31 =	vld [tilespmem:s18+$0x0];
	_ =	sdelay $0x1  }
0xdd: {  	v32 =	vld [tilespmem:s19+$0x0];
	_ =	sdelay $0x1  }
0xde: {  	v35 =	vld [tilespmem:s20+$0x0]  }
0xdf: {  	v33 =	vmul.f32 v30, v3;
	v34 =	vmul.f32 v31, v4  }
0xe0: {  	v36 =	vmul.f32 v30, v7;
	v37 =	vmul.f32 v31, v10  }
0xe1: {  	v57 =	vmul.f32 v32, v5;
	v59 =	vmul.f32 v30, v13  }
0xe2: {  	v38 =	vmul.f32 v31, v14;
	v30 =	vmul.f32 v30, v20  }
0xe3: {  	v31 =	vmul.f32 v31, v22;
	v60 =	vadd.f32 v35, v2;
	v62 =	vadd.f32 v35, v12  }
0xe4: {  	v58 =	vmul.f32 v32, v11;
	v33 =	vadd.f32 v34, v33;
	v36 =	vadd.f32 v37, v36  }
0xe5: {  	v61 =	vmul.f32 v32, v15;
	v34 =	vadd.f32 v38, v59;
	v30 =	vadd.f32 v31, v30  }
0xe6: {  	v32 =	vmul.f32 v32, v26;
	v31 =	vadd.f32 v35, v6;
	v35 =	vadd.f32 v35, v18  }
0xe7: {  	v33 =	vadd.f32 v57, v33;
	v36 =	vadd.f32 v58, v36  }
0xe8: {  	v34 =	vadd.f32 v61, v34;
	v30 =	vadd.f32 v32, v30  }
0xe9: {  	v33 =	vadd.f32 v33, v33;
	v36 =	vadd.f32 v36, v36  }
0xea: {  	v34 =	vadd.f32 v34, v34;
	v30 =	vadd.f32 v30, v30  }
0xeb: {  	v33 =	vsub.f32 v60, v33;
	v31 =	vsub.f32 v31, v36  }
0xec: {  	v34 =	vsub.f32 v62, v34  }
0xed: {  	v30 =	vsub.f32 v35, v30;
	v33 =	vmax.f32 v33, $0.0e+00;
	v32 =	vmax.f32 v31, $0.0e+00  }
0xee: {  	v31 =	vmax.f32 v34, $0.0e+00;
	vm3 =	vlt.f32 v33, v29;
	vm2 =	vlt.f32 v32, v25  }
0xef: {  	v30 =	vmax.f32 v30, $0.0e+00;
	vm1 =	vlt.f32 v31, v21;
	vm0 =	vmor vm3, vm2  }
0xf0: {  	vm4 =	vmor vm1, vm0;
	vm0 =	vlt.f32 v30, v19  }
0xf1: {  	vm4 =	vmor vm0, vm4  }
0xf2: {  	v63 =	vsel vm4, $0x3F800000, v1  }
0xf3: {  	(xrf0) =	vmax.scan.msk.f32 $0xffff, v63;
	_ =	sdelay $0x5  }
0xf4: {  	v34, _, _ =	vpop (xrf0)  }
0xf5: {  	(v2sf) =	vpush v34, $0xF;
	_ =	sdelay $0xe  }
0xf6: {  	s23 =	spop (v2sf)  }
0xf7: {  	p0 =	sgt.f32 s23, $0.0e+00  }
.Ltmp8:
0xf8: {  	_ = 	snop;
	(pc) =	sbr.rel @!p0 .LBB2_9-.Ltmp8, $1  }
0xf9: {  	_ =	sdelay $0x3  }
0xfa: {  	v34 =	vsel vm3, $0x3F800000, v1  }
0xfb: {  	(xrf0) =	vmax.scan.msk.f32 $0xffff, v34;
	_ =	sdelay $0x5  }
0xfc: {  	v34, _, _ =	vpop (xrf0)  }
0xfd: {  	(v2sf) =	vpush v34, $0xF;
	_ =	sdelay $0xe  }
0xfe: {  	s23 =	spop (v2sf)  }
0xff: {  	p0 =	sgt.f32 s23, $0.0e+00;
	_ =	sdelay $0x1  }
0x100: {  	s23 =	sadd.s32 $0x10, s22;
	v34 =	vlaneseq.u32 @p0  }
0x101: {  	v35 =	vor.u32 @p0 s23, v34  }
0x102: {  	(xrf1) =	vsort.ascd.msk.f32 @p0 $0xffff, v33, v35;
	_ =	sdelay $0xb  }
0x103: {  	v33 =	vmul.u32 @p0 $0xFFFFFFFF, v34;
	_ =	sdelay $0x1  }
0x104: {  	v33 =	vadd.s32 @p0 $0xF, v33;
	v34, v35, _ =	vpop @p0 (xrf1)  }
0x105: {  	v34 =	vperm.xlane @p0 v34, v33;
	_ =	sdelay $0x1  }
0x106: {  	v33 =	vperm.xlane @p0 v35, v33;
	vm3 =	vle.f32 @p0 v28, v34  }
0x107: {  	vm3 =	vmneg @p0 vm3  }
0x108: {  	v34 =	vsel @p0 vm3, v34, v28;
	v33 =	vsel @p0 vm3, v33, v27  }
0x109: {  	(xrf1) =	vsort.ascd.msk.f32 @p0 $0xffff, v34, v33;
	_ =	sdelay $0xd  }
0x10a: {  	v33, v34, _ =	vpop @p0 (xrf1)  }
0x10b: {  	v61 =	vsel vm2, $0x3F800000, v1;
	(xrf0) =	vmax.scan.msk.f32 @p0 $0xffff, v33  }
0x10c: {  	(xrf0) =	vmax.scan.msk.f32 $0xffff, v61;
	_ =	sdelay $0x4  }
0x10d: {  	v35, _, _ =	vpop @p0 (xrf0)  }
0x10e: {  	v36, _, _ =	vpop (xrf0)  }
0x10f: {  	(v2sf) =	vpush v36, $0xF;
	_ =	sdelay $0xe  }
0x110: {  	s24 =	spop (v2sf)  }
0x111: {  	p1 =	sgt.f32 s24, $0.0e+00;
	_ =	sdelay $0x1  }
0x112: {  	v36 =	vlaneseq.u32 @p1  }
0x113: {  	v37 =	vor.u32 @p1 s23, v36  }
0x114: {  	(xrf1) =	vsort.ascd.msk.f32 @p1 $0xffff, v32, v37;
	_ =	sdelay $0xb  }
0x115: {  	v32 =	vmul.u32 @p1 $0xFFFFFFFF, v36;
	_ =	sdelay $0x1  }
0x116: {  	v32 =	vadd.s32 @p1 $0xF, v32;
	v36, v37, _ =	vpop @p1 (xrf1)  }
0x117: {  	v36 =	vperm.xlane @p1 v36, v32;
	_ =	sdelay $0x1  }
0x118: {  	v32 =	vperm.xlane @p1 v37, v32;
	vm2 =	vle.f32 @p1 v24, v36  }
0x119: {  	vm2 =	vmneg @p1 vm2  }
0x11a: {  	v36 =	vsel @p1 vm2, v36, v24;
	v32 =	vsel @p1 vm2, v32, v23  }
0x11b: {  	(xrf1) =	vsort.ascd.msk.f32 @p1 $0xffff, v36, v32;
	_ =	sdelay $0xd  }
0x11c: {  	v32, v36, _ =	vpop @p1 (xrf1)  }
0x11d: {  	v62 =	vsel vm1, $0x3F800000, v1;
	(xrf0) =	vmax.scan.msk.f32 @p1 $0xffff, v32  }
0x11e: {  	(xrf0) =	vmax.scan.msk.f32 $0xffff, v62;
	_ =	sdelay $0x4  }
0x11f: {  	v37, _, _ =	vpop @p1 (xrf0)  }
0x120: {  	v38, _, _ =	vpop (xrf0)  }
0x121: {  	(v2sf) =	vpush v38, $0xF;
	_ =	sdelay $0xe  }
0x122: {  	s30 =	spop (v2sf)  }
0x123: {  	p2 =	sgt.f32 s30, $0.0e+00;
	_ =	sdelay $0x1  }
0x124: {  	v38 =	vlaneseq.u32 @p2  }
0x125: {  	v39 =	vor.u32 @p2 s23, v38  }
0x126: {  	(xrf1) =	vsort.ascd.msk.f32 @p2 $0xffff, v31, v39;
	_ =	sdelay $0xb  }
0x127: {  	v31 =	vmul.u32 @p2 $0xFFFFFFFF, v38;
	_ =	sdelay $0x1  }
0x128: {  	v31 =	vadd.s32 @p2 $0xF, v31;
	v38, v39, _ =	vpop @p2 (xrf1)  }
0x129: {  	v38 =	vperm.xlane @p2 v38, v31;
	_ =	sdelay $0x1  }
0x12a: {  	v31 =	vperm.xlane @p2 v39, v31;
	vm1 =	vle.f32 @p2 v17, v38  }
0x12b: {  	vm1 =	vmneg @p2 vm1  }
0x12c: {  	v38 =	vsel @p2 vm1, v38, v17;
	v31 =	vsel @p2 vm1, v31, v16  }
0x12d: {  	(xrf1) =	vsort.ascd.msk.f32 @p2 $0xffff, v38, v31;
	_ =	sdelay $0xd  }
0x12e: {  	v31, v38, _ =	vpop @p2 (xrf1)  }
0x12f: {  	v63 =	vsel vm0, $0x3F800000, v1;
	(xrf0) =	vmax.scan.msk.f32 @p2 $0xffff, v31  }
0x130: {  	(xrf0) =	vmax.scan.msk.f32 $0xffff, v63;
	_ =	sdelay $0x4  }
0x131: {  	v39, _, _ =	vpop @p2 (xrf0)  }
0x132: {  	v40, _, _ =	vpop (xrf0)  }
0x133: {  	(v2sf) =	vpush v40, $0xF;
	_ =	sdelay $0xe  }
0x134: {  	s31 =	spop (v2sf)  }
0x135: {  	p3 =	sgt.f32 s31, $0.0e+00;
	_ =	sdelay $0x1  }
0x136: {  	v40 =	vlaneseq.u32 @p3  }
0x137: {  	v41 =	vor.u32 @p3 s23, v40  }
0x138: {  	(xrf1) =	vsort.ascd.msk.f32 @p3 $0xffff, v30, v41;
	_ =	sdelay $0xb  }
0x139: {  	v30 =	vmul.u32 @p3 $0xFFFFFFFF, v40;
	_ =	sdelay $0x1  }
0x13a: {  	v30 =	vadd.s32 @p3 $0xF, v30;
	v40, v41, _ =	vpop @p3 (xrf1)  }
0x13b: {  	v40 =	vperm.xlane @p3 v40, v30;
	_ =	sdelay $0x1  }
0x13c: {  	v30 =	vperm.xlane @p3 v41, v30;
	vm0 =	vle.f32 @p3 v9, v40  }
0x13d: {  	vm0 =	vmneg @p3 vm0  }
0x13e: {  	v40 =	vsel @p3 vm0, v40, v9;
	v30 =	vsel @p3 vm0, v30, v8  }
0x13f: {  	(xrf1) =	vsort.ascd.msk.f32 @p3 $0xffff, v40, v30;
	_ =	sdelay $0xd  }
0x140: {  	v30, v40, _ =	vpop @p3 (xrf1)  }
0x141: {  	(xrf0) =	vmax.scan.msk.f32 @p3 $0xffff, v30;
	_ =	sdelay $0x3  }
0x142: {  	v35 =	vbroadcast @p0 v35, $0xF  }
.Ltmp9:
0x143: {  	v28 =	vpsel p0, v33, v28;
	v27 =	vpsel p0, v34, v27;
	v33 =	vbroadcast @p1 v37, $0xF;
	(pc) =	sbr.rel .LBB2_9-.Ltmp9, $4  }
0x144: {  	v29 =	vpsel p0, v35, v29;
	v24 =	vpsel p1, v32, v24;
	v32 =	vbroadcast @p2 v39, $0xF;
	v34, _, _ =	vpop @p3 (xrf0)  }
0x145: {  	v23 =	vpsel p1, v36, v23;
	v25 =	vpsel p1, v33, v25;
	v33 =	vbroadcast @p3 v34, $0xF  }
0x146: {  	v17 =	vpsel p2, v31, v17;
	v16 =	vpsel p2, v38, v16;
	v21 =	vpsel p2, v32, v21  }
0x147: {  	v9 =	vpsel p3, v30, v9;
	v8 =	vpsel p3, v40, v8;
	v19 =	vpsel p3, v33, v19  }
.LBB2_12:
0x148: {  	_ =	sfence.sel $0x180000  }
0x149: {  	[bflag:$0x0] =	sbarrier.arrive $0xFFFF  }
0x14a: {  	p0 =	sne.s32 s1, $0x0;
	_ =	strace $0x90000047  }
0x14b: {  	s0 =	sadd.s32 @!p0 $0x100000, s0;
	[bflag:$0x2] =	sbarrier.arrive $0xFFFF  }
0x14c: {  	[sflag:s0] =	ssyncadd.tile.s32 @!p0 $0x1;
	_ =	shalt  }
.Lfunc_end2:
_tile_overlayer_lowered:
.L_overlay_start_2:
0x14d: {  	(tag) =	ssettag $0x2  }
0x14e: {  	s0 =	rddreg [dreg:$0x0];
	s2 =	stileid.u32  }
0x14f: {  	s1 =	rddreg [dreg:$0x1];
	p0 =	sne.s32 s2, $0x0  }
0x150: {  	s3 =	rddreg [dreg:$0x2];
	[bflag:$0x3] =	sbarrier.arrive $0xFFFF;
	s2 =	simm.s32 @!p0 $0x1C01  }
0x151: {  	[timem:s3], [sflag:s2] =	dma.local @!p0 [hbm:s0], s1  }
0x152: {  	s0 =	simm.s32 @!p0 $0x1  }
0x153: {  	_ =	swait.ge @!p0 [sflag:s0], s1  }
0x154: {  	s1 =	ssub.s32 @!p0 $0x0, s1;
	[sflag:s0] =	ssyncset.done @!p0 $0x0  }
0x155: {  	[sflag:s0] =	ssyncadd.s32 @!p0 s1  }
0x156: {  	[bflag:$0x3] =	sbarrier.arrive $0xFFFF  }
0x157: {  	_ =	shalt  }

// kernel: kernel.8.cloned.1.call-start
scs
__scs_entry_jumppad:
0x0: {  	(pc) =	sbr.rel $0x88, $3  }
0x1: {  	(tag) =	ssettag $0x0;
	lr =	simm.s32 $0x1  }
0x2: {  	[smem:$0x3FA0] =	sst lr;
	_ =	strace $0xD0000000  }
0x3: {  	_ = 	snop  }
0x4: {  	_ = 	snop  }
0x5: {  	_ = 	snop  }
0x6: {  	_ = 	snop  }
0x7: {  	_ = 	snop  }
__scs_overlays_trampoline_lowered:
0x8: {  	[smem:$0x3FAF] =	sst s0  }
0x9: {  	[smem:$0x3FB0] =	sst s1  }
0xa: {  	[smem:$0x3FB1] =	sst s2  }
0xb: {  	[smem:$0x3FB2] =	sst s3  }
0xc: {  	[smem:$0x3FB3] =	sst s4  }
0xd: {  	[smem:$0x3FB4] =	sst s5  }
0xe: {  	[smem:$0x3FB5] =	sst s6  }
0xf: {  	[smem:$0x3FB6] =	sst s7  }
0x10: {  	[smem:$0x3FB7] =	sst s8  }
0x11: {  	[smem:$0x3FB8] =	sst s9;
	s0 =	simm.s32 @!p0 $0x0  }
0x12: {  	s1 =	sld [smem:$0x3F9E];
	s0 =	simm.s32 @p0 $0x1  }
0x13: {  	[smem:$0x3FB9] =	sst s0;
	s0 =	simm.s32 @!p1 $0x0  }
0x14: {  	s2 =	sld [smem:$0x3F9D];
	s0 =	simm.s32 @p1 $0x1  }
0x15: {  	[smem:$0x3FBA] =	sst s0;
	s0 =	simm.s32 @!p2 $0x0  }
0x16: {  	s3 =	sld [smem:$0x3FDB];
	s0 =	simm.s32 @p2 $0x1  }
0x17: {  	s4 =	simm.s32 $0x1BF5;
	[smem:$0x3FBC] =	sst s0  }
0x18: {  	s0 =	sld [smem:$0x3F9F];
	_ =	swait.ge [sflag:s4], $0x0  }
0x19: {  	s7 =	sld [smem:$0x3FA0]  }
0x1a: {  	s8 =	sadd.s32 $0xFFFFE003, lr  }
0x1b: {  	s9 =	sadd.s32 $0xFFFFFEF7, lr;
	s5 =	simm.s32 $0xFFFFFFFF;
	p2 =	slt.u32 s8, $0xFFFFF086  }
0x1c: {  	p1 =	slt.u32 s9, $0xF7A;
	s5 =	simm.s32 @!p2 $0x0  }
0x1d: {  	s5 =	simm.s32 @p1 $0x1;
	p0 =	seq.s32 s7, s2  }
0x1e: {  	s7 =	smul.u32 @!p0 $0xF7A, s2;
	p2 =	seq.s32 @!p0 s5, $0x0  }
0x1f: {  	s9 =	smul.u32 $0xF7A, s1;
	s8 =	simm.s32 @!p0 $0x1BF5;
	p2 =	por !p2, p0  }
0x20: {  	[sflag:s8] =	ssyncset.s32 @!p0 $0xFFFFF086;
	s6 =	sadd.s32 @!p0 s3, s7;
	s7 =	simm.s32 @!p0 $0x108  }
0x21: {  	s3 =	sadd.s32 s3, s9;
	s6 =	sadd.s32 @!p0 $0x88, s6;
	s7 =	simm.s32 @p2 $0x1082  }
0x22: {  	[simem:s7], [sflag:s8] =	dma.local @!p0 [hbm:s6], $0xF7A  }
0x23: {  	s9 =	sor.u32 $0xD0000000, s2;
	s6 =	simm.s32 $0x108;
	_ =	swait.ge @!p0 [sflag:s8], $0x0  }
0x24: {  	s3 =	sadd.s32 $0x88, s3;
	s6 =	simm.s32 @!p1 $0x1082;
	[sflag:s4] =	ssyncset.s32 $0xFFFFF086  }
0x25: {  	[simem:s6], [sflag:s4] =	dma.local [hbm:s3], $0xF7A  }
0x26: {  	[smem:$0x3FA0] =	sst s1;
	(tag) =	ssettag s2;
	_ =	strace s9  }
0x27: {  	s1 =	sld [smem:$0x3FB0]  }
0x28: {  	s2 =	sld [smem:$0x3FB1]  }
0x29: {  	s4 =	sld [smem:$0x3FB3]  }
0x2a: {  	p0 =	seq.s32 s5, $0x0;
	s5 =	sld [smem:$0x3FB4]  }
0x2b: {  	s6 =	sld [smem:$0x3FB5]  }
0x2c: {  	s7 =	sld [smem:$0x3FB6]  }
0x2d: {  	s3 =	simm.s32 $0x108;
	s8 =	sld [smem:$0x3FB7]  }
0x2e: {  	s3 =	simm.s32 @!p0 $0x1082;
	s9 =	sld [smem:$0x3FB8]  }
0x2f: {  	lr =	sadd.s32 s0, s3;
	s0 =	sld [smem:$0x3FAF]  }
0x30: {  	s3 =	sld [smem:$0x3FB2]  }
0x31: {  	[smem:$0x3FBB] =	sst s10  }
0x32: {  	s10 =	sld [smem:$0x3FB9];
	_ =	sdelay $0x3  }
0x33: {  	p0 =	seq.s32 s10, $0x1;
	s10 =	sld [smem:$0x3FBB];
	_ =	sdelay $0x3  }
0x34: {  	[smem:$0x3FBB] =	sst s10  }
0x35: {  	s10 =	sld [smem:$0x3FBA];
	_ =	sdelay $0x3  }
0x36: {  	p1 =	seq.s32 s10, $0x1;
	s10 =	sld [smem:$0x3FBB];
	_ =	sdelay $0x3  }
0x37: {  	[smem:$0x3FBB] =	sst s10  }
0x38: {  	s10 =	sld [smem:$0x3FBC]  }
0x39: {  	_ = 	snop;
	(pc) =	sbr.ind lr, $3  }
0x3a: {  	_ = 	snop  }
0x3b: {  	_ = 	snop  }
0x3c: {  	p2 =	seq.s32 s10, $0x1;
	s10 =	sld [smem:$0x3FBB]  }
0x3d: {  	_ =	shalt  }
0x3e: {  	_ =	shalt  }
0x3f: {  	_ =	shalt  }
0x40: {  	_ =	shalt  }
0x41: {  	_ =	shalt  }
0x42: {  	_ =	shalt  }
0x43: {  	_ =	shalt  }
0x44: {  	_ =	shalt  }
0x45: {  	_ =	shalt  }
0x46: {  	_ =	shalt  }
0x47: {  	_ =	shalt  }
0x48: {  	_ =	shalt  }
0x49: {  	_ =	shalt  }
0x4a: {  	_ =	shalt  }
0x4b: {  	_ =	shalt  }
0x4c: {  	_ =	shalt  }
0x4d: {  	_ =	shalt  }
0x4e: {  	_ =	shalt  }
0x4f: {  	_ =	shalt  }
0x50: {  	_ =	shalt  }
0x51: {  	_ =	shalt  }
0x52: {  	_ =	shalt  }
0x53: {  	_ =	shalt  }
0x54: {  	_ =	shalt  }
0x55: {  	_ =	shalt  }
0x56: {  	_ =	shalt  }
0x57: {  	_ =	shalt  }
0x58: {  	_ =	shalt  }
0x59: {  	_ =	shalt  }
0x5a: {  	_ =	shalt  }
0x5b: {  	_ =	shalt  }
0x5c: {  	_ =	shalt  }
0x5d: {  	_ =	shalt  }
0x5e: {  	_ =	shalt  }
0x5f: {  	_ =	shalt  }
0x60: {  	_ =	shalt  }
0x61: {  	_ =	shalt  }
0x62: {  	_ =	shalt  }
0x63: {  	_ =	shalt  }
0x64: {  	_ =	shalt  }
0x65: {  	_ =	shalt  }
0x66: {  	_ =	shalt  }
0x67: {  	_ =	shalt  }
0x68: {  	_ =	shalt  }
0x69: {  	_ =	shalt  }
0x6a: {  	_ =	shalt  }
0x6b: {  	_ =	shalt  }
0x6c: {  	_ =	shalt  }
0x6d: {  	_ =	shalt  }
0x6e: {  	_ =	shalt  }
0x6f: {  	_ =	shalt  }
0x70: {  	_ =	shalt  }
0x71: {  	_ =	shalt  }
0x72: {  	_ =	shalt  }
0x73: {  	_ =	shalt  }
0x74: {  	_ =	shalt  }
0x75: {  	_ =	shalt  }
0x76: {  	_ =	shalt  }
0x77: {  	_ =	shalt  }
0x78: {  	_ =	shalt  }
0x79: {  	_ =	shalt  }
0x7a: {  	_ =	shalt  }
0x7b: {  	_ =	shalt  }
0x7c: {  	_ =	shalt  }
0x7d: {  	_ =	shalt  }
0x7e: {  	_ =	shalt  }
0x7f: {  	_ =	shalt  }
0x80: {  	_ =	shalt  }
0x81: {  	_ =	shalt  }
0x82: {  	_ =	shalt  }
0x83: {  	_ =	shalt  }
0x84: {  	_ =	shalt  }
0x85: {  	_ =	shalt  }
0x86: {  	_ =	shalt  }
0x87: {  	_ =	shalt  }
.Lfunc_end0:
.L_simem_size_0:
called_computation.1_lowered:
.L_overlay_start_0:
0x88: {  	s2 =	sld [smem:$0x3FD9]  }
0x89: {  	s3 =	sld [smem:$0x3FFE];
	_ =	sdelay $0x1  }
0x8a: {  	s1 =	srdreg.scid  }
0x8b: {  	s0 =	sand.u32 $0x1, s1  }
0x8c: {  	s14 =	sshll.u32 s0, $0xA;
	s2 =	sadd.s32 s3, s2  }
0x8d: {  	s2 =	sadd.s32 s2, s14  }
0x8e: {  	[smem:$0x3FC7] =	sst s2  }
0x8f: {  	_ = 	snop  }
0x90: {  	s2 =	sld [smem:$0x3FD0];
	_ =	sdelay $0x2  }
0x91: {  	s15 =	simm.s32 $0xA;
	s4 =	simm.s32 $0x10  }
0x92: {  	[smem:s4], [sflag:s15] =	dma.local [hbm:s2], $0x1  }
0x93: {  	_ =	swait.eq [sflag:s15], $0x1  }
0x94: {  	[sflag:s15] =	ssyncset.done $0x0  }
0x95: {  	[sflag:s15] =	ssyncadd.s32 $0xFFFFFFFF  }
0x96: {  	s16 =	sld [smem:$0x10];
	(tm) =	ssettm $0x1  }
0x97: {  	s17 =	sld [smem:$0x3FFB];
	_ =	sdelay $0x3  }
0x98: {  	_ =	strace s17  }
0x99: {  	s3 =	sld [smem:$0x3FFC];
	_ =	sdelay $0x3  }
0x9a: {  	_ =	strace s3  }
0x9b: {  	s3 =	sld [smem:$0x3FFD];
	_ =	sdelay $0x3  }
0x9c: {  	_ =	strace s3  }
0x9d: {  	_ =	strace $0x8FFFFFFF  }
0x9e: {  	s18 =	sld [smem:$0x3FDB];
	_ =	sdelay $0x1  }
0x9f: {  	s19 =	simm.s32 $_scs_section_size  }
0xa0: {  	s5 =	simm.s32 $_size__tile_overlayer_lowered;
	s6 =	simm.s32 $_tile_overlayer_lowered  }
0xa1: {  	s22 =	simm.s32 $0x1BFF;
	s21 =	sshll.u32 s6, $0x1;
	s3 =	sadd.s32 s19, s18  }
0xa2: {  	s7 =	simm.s32 $0x0;
	s20 =	sshll.u32 s5, $0x1;
	s5 =	sadd.s32 s21, s3  }
0xa3: {  	[timem:s7], [sflag:s22] =	dma.local [hbm:s5], s20  }
0xa4: {  	_ =	swait.ge [sflag:s22], s20  }
0xa5: {  	s4 =	ssub.s32 $0x0, s20;
	[sflag:s22] =	ssyncset.done $0x0  }
0xa6: {  	[sflag:s22] =	ssyncadd.s32 s4;
	_ =	sdelay $0x1  }
0xa7: {  	s23 =	simm.s32 $0x1B8B  }
0xa8: {  	_ =	swait.ge [sflag:s23], $0x1  }
0xa9: {  	[sflag:s23] =	ssyncset.done $0x0  }
0xaa: {  	s25 =	simm.s32 $0x1B8E;
	s24 =	sld [smem:$0x3FFE];
	[sflag:s23] =	ssyncadd.s32 $0xFFFFFFFF  }
0xab: {  	s26 =	simm.s32 $execute0_lowered;
	[smem:$0x3FD2] =	sst s25  }
0xac: {  	s5 =	sshll.u32 s26, $0x1;
	_ =	strace $0x80000049;
	[dreg:$0x1] =	wrdreg $0xFFFFFFFF  }
0xad: {  	s28 =	simm.s32 $_size_execute0_lowered;
	s3 =	sadd.s32 s3, s5;
	[dreg:$0x0] =	wrdreg $0x0  }
0xae: {  	s5 =	sshll.u32 s28, $0x1;
	[dreg:$0x2] =	wrdreg s3  }
0xaf: {  	[dreg:$0x3] =	wrdreg s5  }
0xb0: {  	[dreg:$0x4] =	wrdreg $0xC0  }
0xb1: {  	_ =	task [dreg:s7], $0x5FFFF  }
0xb2: {  	[dreg:$0x1] =	wrdreg $0xFFFFFFFF  }
0xb3: {  	[dreg:$0x0] =	wrdreg $0x60  }
0xb4: {  	[dreg:$0x2] =	wrdreg s24  }
0xb5: {  	[dreg:$0x3] =	wrdreg s16  }
0xb6: {  	[dreg:$0x4] =	wrdreg $0x9  }
0xb7: {  	_ =	task.clear_ibuf [dreg:s7], $0x5FFFF;
	_ =	strace $0x90000049  }
0xb8: {  	s29 =	simm.s32 $0x9;
	_ =	strace $0x8000004B  }
0xb9: {  	_ =	swait.ge [sflag:s29], $0x1  }
0xba: {  	[sflag:s29] =	ssyncadd.s32 $0xFFFFFFFF  }
0xbb: {  	_ =	strace $0x9000004B  }
0xbc: {  	_ =	sfence  }
0xbd: {  	s30 =	sld [smem:$0x0];
	_ =	sdelay $0x2  }
0xbe: {  	s31 =	sshll.u32 s1, $0xD;
	s1 =	sshrl.u32 s1, $0x2  }
0xbf: {  	s3 =	sand.u32 $0x4000, s31;
	s1 =	sadd.s32 s1, s30  }
0xc0: {  	s0 =	sor.u32 s3, s0;
	s1 =	sshll.u32 s1, $0x11  }
0xc1: {  	s0 =	sor.u32 s1, s0  }
0xc2: {  	s0 =	sadd.s32 $0x8F2B, s0  }
0xc3: {  	[sflag:s0] =	ssyncadd.remote.s32 $0x1  }
0xc4: {  	_ =	sfence.sel $0xFFFF  }
0xc5: {  	[dreg:$0x0] =	wrdreg $0xFFFFFFFF;
	(pc) =	sbr.abs _section_cstart, $3  }
0xc6: {  	[dreg:$0x1] =	wrdreg $0xFFFFFFFF  }
0xc7: {  	_ =	task.clear_ibuf [dreg:s7], $0x2FFFF;
	_ =	strace $0x9FFFFFFF  }
0xc8: {  	(tm) =	ssettm $0x7FFFFFFF  }
0xc9: {  	_ =	shalt  }
tec
execute0_lowered:
.L_overlay_start_1:
0x0: {  	(tag) =	ssettag $0x1  }
0x1: {  	v0 =	vlaneseq.u32  }
0x2: {  	s3 =	rddreg [dreg:$0x0];
	s2 =	simm.s32 $0x0;
	v19 =	vmul.u32 $0x20, v0;
	v1 =	vmul.u32 $0x8, v0  }
0x3: {  	[smem:$0x7FF] =	sst s2  }
0x4: {  	s4 =	rddreg [dreg:$0x1];
	_ =	strace $0x8000004A;
	v3 =	vor.u32 $0x3, v19;
	[tilespmem:$0x1FF20] =	vst v1  }
0x5: {  	s1 =	stileid.u32;
	s6 =	srdreg.scid;
	s14 =	simm.s32 $0x5000;
	v9 =	vor.u32 $0x7, v19;
	[tilespmem:$0x1FF10] =	vst v3  }
0x6: {  	s15 =	simm.s32 $0x5800;
	s16 =	simm.s32 $0x4000;
	s17 =	simm.s32 $0x16000;
	v8 =	vor.u32 $0x6, v19;
	[tilespmem:$0x1FF30] =	vst v9  }
0x7: {  	s18 =	simm.s32 $0x1A000;
	s19 =	simm.s32 $0x0;
	s5 =	sshrl.u32 s1, $0x1;
	v13 =	vor.u32 $0xA, v19;
	[tilespmem:$0x1FF40] =	vst v8  }
0x8: {  	s9 =	sand.u32 $0x1, s6;
	s12 =	sshll.u32 s1, $0x1;
	s26 =	sand.u32 $0x1, s1;
	v7 =	vor.u32 $0x5, v19;
	[tilespmem:$0x1FF50] =	vst v13  }
0x9: {  	s7 =	sshll.u32 s5, $0xB;
	s8 =	sshll.u32 s5, $0xC;
	s10 =	ssub.s32 $0x2, s9;
	v12 =	vor.u32 $0x9, v19;
	[tilespmem:$0x1FF60] =	vst v7  }
0xa: {  	s5 =	sshll.u32 s5, $0x11;
	s23 =	sand.u32 $0x2, s12;
	s28 =	sshll.u32 s26, $0x10;
	v10 =	vor.u32 $0x4, v19;
	[tilespmem:$0x1FF70] =	vst v12  }
0xb: {  	s29 =	sshll.u32 s9, $0xF;
	s31 =	sshll.u32 s26, $0xA;
	s12 =	simm.s32 $0xE000;
	v16 =	vor.u32 $0xD, v19;
	[tilespmem:$0x1FF80] =	vst v10  }
0xc: {  	s21 =	sadd.s32 s7, s3;
	s22 =	sadd.s32 s8, s3;
	s11 =	sshrl.u32 s10, $0x1;
	v15 =	vor.u32 $0xC, v19;
	[tilespmem:$0x1FF90] =	vst v16  }
0xd: {  	s13 =	sadd.s32 s5, s3;
	s24 =	sor.u32 s9, s23;
	s4 =	sadd.s32 s4, s8;
	v29 =	vor.u32 $0x1, v19;
	v2 =	vor.u32 $0x2, v19;
	v14 =	vor.u32 $0xB, v19;
	[tilespmem:$0x1FFA0] =	vst v15  }
0xe: {  	v11 =	vor.u32 $0x8, v19;
	s30 =	sor.u32 s29, s28;
	s9 =	sshll.u32 s9, $0x9;
	v17 =	vor.u32 $0xE, v19;
	v21 =	vor.u32 $0x10, v19;
	s10 =	ssub.s32 s10, s11;
	[tilespmem:$0x1FFB0] =	vst v14  }
0xf: {  	v18 =	vor.u32 $0xF, v19;
	v22 =	vor.u32 $0x11, v19;
	v4 =	vor.u32 $0x19, v19;
	s3 =	sadd.s32 $0xE00, s21;
	s5 =	sadd.s32 $0x4E00, s22;
	s25 =	sshll.u32 s24, $0xF;
	[tilespmem:$0x1FFC0] =	vst v2  }
0x10: {  	v23 =	vor.u32 $0x12, v19;
	v27 =	vor.u32 $0x13, v19;
	v5 =	vor.u32 $0x1B, v19;
	s9 =	sor.u32 s9, s31;
	s11 =	simm.s32 $0x6000;
	[tilespmem:$0x1FFE0] =	vst v4;
	s6 =	sadd.s32 s25, s13  }
0x11: {  	v25 =	vor.u32 $0x14, v19;
	v26 =	vor.u32 $0x15, v19;
	v3 =	vor.u32 $0x1A, v19;
	[tilespmem:$0x1FFF0] =	vst v5;
	s7 =	smax.u32 s10, $0x1;
	s10 =	sshrl.u32 s30, $0x2;
	s13 =	simm.s32 $0x4800  }
0x12: {  	v56 =	vor.u32 $0x16, v19;
	v28 =	vor.u32 $0x17, v19;
	v20 =	vor.u32 $0x18, v19;
	[tilespmem:$0x1FFD0] =	vst v3;
	s6 =	sadd.s32 $0xCE00, s6;
	s8 =	sadd.s32 $0x6000, s10;
	s10 =	simm.s32 $0x1  }
.LBB2_1:
0x13: {  	[tilespmem:s2], [sflag:$0x1] =	stream.linear.gather [hbm4b:s3+s2], $0x4000, $0x38;
	[tilespmem:$0x1C000] =	vst v63  }
0x14: {  	_ =	swait.ge [sflag:s10], $0x4000  }
0x15: {  	[sflag:s10] =	ssyncset.done $0x0  }
0x16: {  	[sflag:s10] =	ssyncadd.s32 $0xFFFFC000  }
0x17: {  	v30 =	vmov s2;
	[tilespmem:s11], [sflag:$0x1] =	stream.linear.gather [hbm4b:s4+s2], $0x8000, $0x38;
	[tilespmem:$0x1C000] =	vst v63  }
0x18: {  	v30 =	vshll.u32 v30, $0x3;
	_ =	swait.ge [sflag:s10], $0x8000  }
0x19: {  	v30 =	vor.u32 v1, v30;
	[sflag:s10] =	ssyncset.done $0x0  }
0x1a: {  	v31 =	vor.u32 $0x1, v30;
	[sflag:s10] =	ssyncadd.s32 $0xFFFF8000  }
0x1b: {  	[tilespmem:s12], [sflag:$0x1] =	stream.linear.gather [hbm4b:s5+s2], $0x8000, $0x38;
	[tilespmem:$0x1C000] =	vst v63  }
0x1c: {  	_ =	swait.ge [sflag:s10], $0x8000  }
0x1d: {  	[sflag:s10] =	ssyncset.done $0x0  }
0x1e: {  	v32 =	vor.u32 $0x2, v30;
	[sflag:s10] =	ssyncadd.s32 $0xFFFF8000  }
0x1f: {  	v34 =	vld.idx.msk [tilespmem:v31+s2+$0x0], $0xffff  }
0x20: {  	s20 =	simm.s32 $0x10;
	v35 =	vld.idx.msk [tilespmem:v30+s2+$0x0], $0xffff  }
0x21: {  	v30 =	vmov s20  }
0x22: {  	v30 =	vshll.u32 v30, $0x3  }
0x23: {  	v33 =	vld.idx.msk [tilespmem:v32+s2+$0x0], $0xffff;
	v30 =	vor.u32 v1, v30  }
0x24: {  	v32 =	vor.u32 $0x1, v30  }
0x25: {  	v36 =	vmul.f32 v34, v34;
	v37 =	vmul.f32 v35, v35;
	v39 =	vshrl.u32 v35, $0x10  }
0x26: {  	s30 =	simm.s32 $0x20;
	s22 =	simm.s32 $0x5010;
	s21 =	simm.s32 $0x5810;
	v31 =	vor.u32 $0x2, v30;
	v38 =	vshrl.u32 v34, $0x10;
	v39 =	vand.u32 $0x1, v39  }
0x27: {  	s24 =	simm.s32 $0x4000;
	s23 =	simm.s32 $0x4800;
	s28 =	simm.s32 $0x4000;
	v38 =	vand.u32 $0x1, v38;
	v36 =	vadd.f32 v36, v37;
	v35 =	vadd.s32 v39, v35  }
0x28: {  	s29 =	simm.s32 $0x4800;
	s25 =	simm.s32 $0x5000;
	s26 =	simm.s32 $0x5800;
	v37 =	vmul.f32 v33, v33;
	v39 =	vshrl.u32 v33, $0x10;
	v35 =	vadd.s32 $0x7FFF, v35  }
.LBB2_2:
0x29: {  	s24 =	sadd.s32 $0x10, s24  }
0x2a: {  	v36 =	vadd.f32 v37, v36;
	v34 =	vadd.s32 v38, v34;
	v37 =	vand.u32 $0x1, v39;
	s23 =	sadd.s32 $0x10, s23;
	s31 =	smov.u32 s30;
	s0 =	sadd.s32 $0x10, s30  }
0x2b: {  	p0 =	sne.s32 s30, $0x7F0;
	v35 =	vand.u32 $0xFFFF0000, v35;
	v34 =	vadd.s32 $0x7FFF, v34;
	v33 =	vadd.s32 v37, v33  }
0x2c: {  	[tilespmem:s28+$0x0] =	vst v36;
	v34 =	vand.u32 $0xFFFF0000, v34;
	v33 =	vadd.s32 $0x7FFF, v33;
	s28 =	smov.u32 s24  }
0x2d: {  	[tilespmem:s29+$0x0] =	vst v35;
	v33 =	vand.u32 $0xFFFF0000, v33;
	s29 =	smov.u32 s23  }
0x2e: {  	[tilespmem:s25+$0x0] =	vst v34;
	s25 =	smov.u32 s22  }
0x2f: {  	s20 =	simm.s32 $0x0;
	[tilespmem:s26+$0x0] =	vst v33;
	s26 =	smov.u32 s21  }
0x30: {  	v34 =	vld.idx.msk [tilespmem:v32+s20+$0x0], $0xffff  }
0x31: {  	v35 =	vld.idx.msk [tilespmem:v30+s20+$0x0], $0xffff  }
0x32: {  	v33 =	vld.idx.msk [tilespmem:v31+s20+$0x0], $0xffff;
	_ =	sdelay $0x2  }
0x33: {  	v30 =	vmov s31  }
.Ltmp0:
0x34: {  	v30 =	vshll.u32 v30, $0x3;
	v36 =	vmul.f32 v34, v34;
	v38 =	vshrl.u32 v34, $0x10;
	(pc) =	sbr.rel @p0 .LBB2_2-.Ltmp0, $4  }
0x35: {  	v30 =	vor.u32 v1, v30;
	v37 =	vmul.f32 v35, v35;
	v39 =	vshrl.u32 v35, $0x10  }
0x36: {  	v32 =	vor.u32 $0x1, v30;
	v31 =	vor.u32 $0x2, v30;
	v39 =	vand.u32 $0x1, v39  }
0x37: {  	v36 =	vadd.f32 v36, v37;
	v37 =	vmul.f32 v33, v33;
	v35 =	vadd.s32 v39, v35  }
0x38: {  	s30 =	smov.u32 s0;
	s22 =	sadd.s32 $0x10, s22;
	s21 =	sadd.s32 $0x10, s21;
	v38 =	vand.u32 $0x1, v38;
	v39 =	vshrl.u32 v33, $0x10;
	v35 =	vadd.s32 $0x7FFF, v35  }
0x39: {  	v36 =	vadd.f32 v37, v36  }
0x3a: {  	v34 =	vadd.s32 v38, v34;
	v48 =	vand.u32 $0x1, v39  }
0x3b: {  	v35 =	vand.u32 $0xFFFF0000, v35;
	v34 =	vadd.s32 $0x7FFF, v34;
	v33 =	vadd.s32 v48, v33;
	[tilespmem:s28+$0x0] =	vst v36  }
0x3c: {  	v34 =	vand.u32 $0xFFFF0000, v34;
	v33 =	vadd.s32 $0x7FFF, v33;
	[tilespmem:s29+$0x0] =	vst v35  }
0x3d: {  	v33 =	vand.u32 $0xFFFF0000, v33;
	[tilespmem:s25+$0x0] =	vst v34  }
0x3e: {  	[tilespmem:s26+$0x0] =	vst v33  }
0x3f: {  	v32 =	vld.idx.msk [tilespmem:v32+s20+$0x0], $0xffff  }
0x40: {  	v30 =	vld.idx.msk [tilespmem:v30+s20+$0x0], $0xffff;
	_ =	sdelay $0x1  }
0x41: {  	v31 =	vld.idx.msk [tilespmem:v31+s20+$0x0], $0xffff;
	_ =	sdelay $0x1  }
0x42: {  	v55 =	vor.u32 s20, v0  }
0x43: {  	v58 =	vshll.u32 v55, $0x4;
	v49 =	vmul.f32 v32, v32;
	v50 =	vmul.f32 v30, v30  }
0x44: {  	v60 =	vor.u32 $0x1, v58  }
0x45: {  	v51 =	vshrl.u32 v30, $0x10;
	v53 =	vmul.f32 v31, v31;
	v33 =	vadd.f32 v49, v50  }
0x46: {  	v52 =	vshrl.u32 v32, $0x10;
	v57 =	vshrl.u32 v31, $0x10;
	v35 =	vand.u32 $0x1, v51  }
0x47: {  	v54 =	vand.u32 $0x1, v52;
	v30 =	vadd.s32 v35, v30;
	v33 =	vadd.f32 v53, v33  }
0x48: {  	s0 =	sadd.s32 $0x10, s24;
	v59 =	vand.u32 $0x1, v57;
	v32 =	vadd.s32 v54, v32;
	v30 =	vadd.s32 $0x7FFF, v30  }
0x49: {  	s23 =	sadd.s32 $0x10, s23;
	v31 =	vadd.s32 v59, v31;
	v32 =	vadd.s32 $0x7FFF, v32;
	v30 =	vand.u32 $0xFFFF0000, v30;
	[tilespmem:s0+$0x0] =	vst v33  }
0x4a: {  	v31 =	vadd.s32 $0x7FFF, v31;
	v32 =	vand.u32 $0xFFFF0000, v32;
	[tilespmem:s23+$0x0] =	vst v30  }
0x4b: {  	v61 =	vor.u32 $0x2, v58;
	v30 =	vand.u32 $0xFFFF0000, v31;
	[tilespmem:s22+$0x0] =	vst v32  }
0x4c: {  	[tilespmem:s21+$0x0] =	vst v30  }
0x4d: {  	v31 =	vld.idx.msk [tilespmem:v60+s11+$0x0], $0xffff;
	_ =	sdelay $0x1  }
0x4e: {  	v30 =	vor.u32 $0x3, v58  }
0x4f: {  	v32 =	vld.idx.msk [tilespmem:v61+s11+$0x0], $0xffff;
	_ =	sdelay $0x2  }
0x50: {  	v37 =	vld.idx.msk [tilespmem:v60+s12+$0x0], $0xffff  }
0x51: {  	v33 =	vld.idx.msk [tilespmem:v30+s11+$0x0], $0xffff  }
0x52: {  	v62 =	vld.idx.msk [tilespmem:v31+s16+$0x0], $0xffff  }
0x53: {  	v40 =	vld.idx.msk [tilespmem:v31+s15+$0x0], $0xffff  }
0x54: {  	v41 =	vld.idx.msk [tilespmem:v31+s13+$0x0], $0xffff  }
0x55: {  	v42 =	vld.idx.msk [tilespmem:v32+s16+$0x0], $0xffff  }
0x56: {  	v43 =	vld.idx.msk [tilespmem:v31+s14+$0x0], $0xffff  }
0x57: {  	v45 =	vld.idx.msk [tilespmem:v32+s15+$0x0], $0xffff  }
0x58: {  	v48 =	vld.idx.msk [tilespmem:v32+s14+$0x0], $0xffff  }
0x59: {  	v49 =	vld.idx.msk [tilespmem:v32+s13+$0x0], $0xffff;
	v31 =	vshll.u32 v55, $0x3  }
0x5a: {  	v47 =	vld.idx.msk [tilespmem:v33+s15+$0x0], $0xffff  }
0x5b: {  	v44 =	vld.idx.msk [tilespmem:v33+s16+$0x0], $0xffff  }
0x5c: {  	v46 =	vld.idx.msk [tilespmem:v33+s14+$0x0], $0xffff  }
0x5d: {  	v50 =	vld.idx.msk [tilespmem:v33+s13+$0x0], $0xffff  }
0x5e: {  	p0 =	por $0x1, $0x1;
	[tilespmem:v31+s17+$0x0] =	vst.idx.msk $0xffff, v37  }
.Ltmp1:
0x5f: {  	v35 =	vmul.f32 v45, v40;
	v39 =	vld.idx.msk [tilespmem:v61+s12+$0x0], $0xffff;
	v36 =	vmul.f32 v47, v40;
	v40 =	vor.u32 $0x1, v31;
	(pc) =	sbr.rel @!p0 .LBB2_5-.Ltmp1, $4  }
0x60: {  	v33 =	vadd.f32 v42, v62;
	v63 =	vmul.f32 v49, v41  }
0x61: {  	v34 =	vadd.f32 v44, v62;
	v38 =	vmul.f32 v46, v43;
	v43 =	vmul.f32 v48, v43  }
0x62: {  	v32 =	vadd.f32 v44, v42;
	v41 =	vmul.f32 v50, v41;
	v37 =	vmul.f32 v47, v45  }
0x63: {  	s21 =	simm.s32 $0x10;
	v44 =	vmul.f32 v46, v48;
	v42 =	vadd.f32 v43, v63;
	v43 =	vmul.f32 v50, v49  }
.LBB2_4:
0x64: {  	p0 =	sne.s32 s21, $0x7F0;
	[tilespmem:v40+s17+$0x0] =	vst.idx.msk $0xffff, v39;
	v38 =	vadd.f32 v38, v41;
	s0 =	smov.u32 s21;
	s21 =	sadd.s32 $0x10, s21  }
0x65: {  	v30 =	vld.idx.msk [tilespmem:v30+s12+$0x0], $0xffff;
	v35 =	vadd.f32 v35, v42;
	v39 =	vadd.f32 v44, v43  }
0x66: {  	v40 =	vor.u32 $0x2, v31;
	v36 =	vadd.f32 v36, v38;
	v38 =	vor.u32 $0x5, v31  }
0x67: {  	v41 =	vor.u32 $0x3, v31;
	v35 =	vadd.f32 v35, v35;
	v37 =	vadd.f32 v37, v39  }
0x68: {  	v31 =	vor.u32 $0x4, v31;
	v39 =	vor.u32 s0, v0;
	v36 =	vadd.f32 v36, v36  }
0x69: {  	v42 =	vshll.u32 v39, $0x4;
	v33 =	vsub.f32 v33, v35;
	v35 =	vadd.f32 v37, v37  }
0x6a: {  	v37 =	vor.u32 $0x1, v42;
	v43 =	vor.u32 $0x2, v42;
	v34 =	vsub.f32 v34, v36  }
0x6b: {  	[tilespmem:v40+s17+$0x0] =	vst.idx.msk $0xffff, v30;
	v33 =	vmax.f32 v33, $0.0e+00;
	v32 =	vsub.f32 v32, v35  }
0x6c: {  	v30 =	vor.u32 $0x3, v42;
	[tilespmem:v41+s17+$0x0] =	vst.idx.msk $0xffff, v33;
	v33 =	vmax.f32 v34, $0.0e+00  }
0x6d: {  	[tilespmem:v31+s17+$0x0] =	vst.idx.msk $0xffff, v33;
	v31 =	vmax.f32 v32, $0.0e+00  }
0x6e: {  	[tilespmem:v38+s17+$0x0] =	vst.idx.msk $0xffff, v31  }
0x6f: {  	v31 =	vld.idx.msk [tilespmem:v37+s11+$0x0], $0xffff  }
0x70: {  	v32 =	vld.idx.msk [tilespmem:v43+s11+$0x0], $0xffff  }
0x71: {  	v34 =	vld.idx.msk [tilespmem:v30+s11+$0x0], $0xffff;
	_ =	sdelay $0x4  }
0x72: {  	v35 =	vld.idx.msk [tilespmem:v37+s12+$0x0], $0xffff  }
0x73: {  	v36 =	vld.idx.msk [tilespmem:v31+s16+$0x0], $0xffff  }
0x74: {  	v37 =	vld.idx.msk [tilespmem:v31+s15+$0x0], $0xffff  }
0x75: {  	v41 =	vld.idx.msk [tilespmem:v31+s13+$0x0], $0xffff  }
0x76: {  	v38 =	vld.idx.msk [tilespmem:v32+s16+$0x0], $0xffff  }
0x77: {  	v42 =	vld.idx.msk [tilespmem:v31+s14+$0x0], $0xffff  }
0x78: {  	v40 =	vld.idx.msk [tilespmem:v34+s16+$0x0], $0xffff  }
0x79: {  	v44 =	vld.idx.msk [tilespmem:v32+s15+$0x0], $0xffff  }
0x7a: {  	v31 =	vshll.u32 v39, $0x3;
	v45 =	vld.idx.msk [tilespmem:v34+s14+$0x0], $0xffff  }
0x7b: {  	v46 =	vld.idx.msk [tilespmem:v34+s15+$0x0], $0xffff  }
0x7c: {  	v33 =	vadd.f32 v38, v36;
	v47 =	vld.idx.msk [tilespmem:v32+s14+$0x0], $0xffff  }
0x7d: {  	v48 =	vld.idx.msk [tilespmem:v32+s13+$0x0], $0xffff  }
0x7e: {  	v32 =	vadd.f32 v40, v38;
	v49 =	vld.idx.msk [tilespmem:v34+s13+$0x0], $0xffff;
	v34 =	vadd.f32 v40, v36  }
0x7f: {  	[tilespmem:v31+s17+$0x0] =	vst.idx.msk $0xffff, v35  }
0x80: {  	v35 =	vmul.f32 v44, v37;
	v38 =	vmul.f32 v45, v42;
	v39 =	vld.idx.msk [tilespmem:v43+s12+$0x0], $0xffff  }
.Ltmp2:
0x81: {  	v40 =	vor.u32 $0x1, v31;
	(pc) =	sbr.rel @p0 .LBB2_4-.Ltmp2, $4  }
0x82: {  	v42 =	vmul.f32 v47, v42  }
0x83: {  	v36 =	vmul.f32 v46, v37;
	v43 =	vmul.f32 v48, v41  }
0x84: {  	v37 =	vmul.f32 v46, v44;
	v41 =	vmul.f32 v49, v41  }
0x85: {  	v44 =	vmul.f32 v45, v47;
	v42 =	vadd.f32 v42, v43;
	v43 =	vmul.f32 v49, v48  }
.LBB2_5:
0x86: {  	_ =	sdelay $0x2  }
0x87: {  	v38 =	vadd.f32 v38, v41  }
0x88: {  	[tilespmem:v40+s17+$0x0] =	vst.idx.msk $0xffff, v39;
	v35 =	vadd.f32 v35, v42;
	v59 =	vadd.f32 v44, v43  }
0x89: {  	v60 =	vor.u32 $0x2, v31;
	v30 =	vld.idx.msk [tilespmem:v30+s12+$0x0], $0xffff;
	v36 =	vadd.f32 v36, v38  }
0x8a: {  	v61 =	vor.u32 $0x3, v31;
	v35 =	vadd.f32 v35, v35;
	v37 =	vadd.f32 v37, v59  }
0x8b: {  	v62 =	vor.u32 $0x4, v31;
	v36 =	vadd.f32 v36, v36  }
0x8c: {  	v31 =	vor.u32 $0x5, v31;
	v33 =	vsub.f32 v33, v35;
	v63 =	vadd.f32 v37, v37  }
0x8d: {  	v34 =	vsub.f32 v34, v36  }
0x8e: {  	[tilespmem:v60+s17+$0x0] =	vst.idx.msk $0xffff, v30;
	v30 =	vmax.f32 v33, $0.0e+00;
	v32 =	vsub.f32 v32, v63  }
0x8f: {  	[tilespmem:v61+s17+$0x0] =	vst.idx.msk $0xffff, v30;
	v30 =	vmax.f32 v34, $0.0e+00  }
0x90: {  	[tilespmem:v62+s17+$0x0] =	vst.idx.msk $0xffff, v30;
	v30 =	vmax.f32 v32, $0.0e+00  }
0x91: {  	s21 =	smov.u32 s9;
	s22 =	smov.u32 s8;
	[tilespmem:v31+s17+$0x0] =	vst.idx.msk $0xffff, v30  }
.LBB2_6:
0x92: {  	s0 =	sadd.s32 $0x0, s21  }
0x93: {  	v30 =	vmov s0  }
0x94: {  	v0 =	vld [tilespmem:s22+$0x0];
	v42 =	vshll.u32 v30, $0x3  }
0x95: {  	v31 =	vshll.u32 v30, $0x4  }
0x96: {  	v32 =	vor.u32 $0x3, v31  }
0x97: {  	v33 =	vor.u32 $0x2, v31  }
0x98: {  	v35 =	vor.u32 $0x1, v31  }
0x99: {  	v37 =	vshll.u32 v0, $0x4;
	v36 =	vld.idx.msk [tilespmem:v42+s17+$0x0], $0xffff  }
0x9a: {  	v38 =	vor.u32 $0x3, v37;
	v43 =	vld.idx.msk [tilespmem:v31+s11+$0x0], $0xffff  }
0x9b: {  	v39 =	vor.u32 $0x1, v37;
	v32 =	vld.idx.msk [tilespmem:v32+s11+$0x0], $0xffff  }
0x9c: {  	v6 =	vor.u32 $0x2, v37;
	v33 =	vld.idx.msk [tilespmem:v33+s11+$0x0], $0xffff  }
0x9d: {  	v41 =	vld.idx.msk [tilespmem:v35+s11+$0x0], $0xffff  }
0x9e: {  	v40 =	vld.idx.msk [tilespmem:v37+s11+$0x0], $0xffff  }
0x9f: {  	v38 =	vld.idx.msk [tilespmem:v38+s11+$0x0], $0xffff  }
0xa0: {  	v44 =	vld.idx.msk [tilespmem:v39+s11+$0x0], $0xffff  }
0xa1: {  	v45 =	vld.idx.msk [tilespmem:v6+s11+$0x0], $0xffff  }
0xa2: {  	v59 =	vld.idx.msk [tilespmem:v43+s16+$0x0], $0xffff  }
0xa3: {  	v62 =	vld.idx.msk [tilespmem:v43+s15+$0x0], $0xffff  }
0xa4: {  	v63 =	vld.idx.msk [tilespmem:v43+s14+$0x0], $0xffff  }
0xa5: {  	v48 =	vld.idx.msk [tilespmem:v32+s16+$0x0], $0xffff  }
0xa6: {  	v24 =	vld.idx.msk [tilespmem:v32+s14+$0x0], $0xffff  }
0xa7: {  	v31 =	vmov v2;
	v2 =	vld.idx.msk [tilespmem:v32+s15+$0x0], $0xffff  }
0xa8: {  	[tilespmem:$0x1FE60] =	vst v0;
	v0 =	vld.idx.msk [tilespmem:v32+s13+$0x0], $0xffff  }
0xa9: {  	v3 =	vld.idx.msk [tilespmem:v41+s16+$0x0], $0xffff  }
0xaa: {  	v6 =	vld.idx.msk [tilespmem:v41+s15+$0x0], $0xffff  }
0xab: {  	v58 =	vld.idx.msk [tilespmem:v41+s14+$0x0], $0xffff  }
0xac: {  	v60 =	vld.idx.msk [tilespmem:v41+s13+$0x0], $0xffff  }
0xad: {  	v61 =	vld.idx.msk [tilespmem:v33+s16+$0x0], $0xffff  }
0xae: {  	v35 =	vld.idx.msk [tilespmem:v33+s15+$0x0], $0xffff  }
0xaf: {  	v46 =	vld.idx.msk [tilespmem:v33+s14+$0x0], $0xffff  }
0xb0: {  	v34 =	vld.idx.msk [tilespmem:v40+s16+$0x0], $0xffff  }
0xb1: {  	v53 =	vld.idx.msk [tilespmem:v40+s15+$0x0], $0xffff  }
0xb2: {  	v54 =	vld.idx.msk [tilespmem:v40+s14+$0x0], $0xffff  }
0xb3: {  	v55 =	vld.idx.msk [tilespmem:v40+s13+$0x0], $0xffff  }
0xb4: {  	v40 =	vld.idx.msk [tilespmem:v33+s13+$0x0], $0xffff  }
0xb5: {  	v51 =	vld.idx.msk [tilespmem:v38+s16+$0x0], $0xffff  }
0xb6: {  	v52 =	vld.idx.msk [tilespmem:v38+s13+$0x0], $0xffff  }
0xb7: {  	v1 =	vld.idx.msk [tilespmem:v38+s15+$0x0], $0xffff  }
0xb8: {  	v5 =	vld.idx.msk [tilespmem:v38+s14+$0x0], $0xffff  }
0xb9: {  	v57 =	vld.idx.msk [tilespmem:v44+s16+$0x0], $0xffff  }
0xba: {  	v4 =	vld.idx.msk [tilespmem:v44+s15+$0x0], $0xffff  }
0xbb: {  	s23 =	simm.s32 $0x0;
	v32 =	vld.idx.msk [tilespmem:v45+s16+$0x0], $0xffff  }
0xbc: {  	v50 =	vld.idx.msk [tilespmem:v44+s13+$0x0], $0xffff;
	v38 =	vor.u32 s23, v19  }
0xbd: {  	v49 =	vld.idx.msk [tilespmem:v44+s14+$0x0], $0xffff;
	[tilespmem:$0x1FE30] =	vst v1;
	v1 =	vor.u32 $0x1, v42  }
0xbe: {  	v37 =	vld.idx.msk [tilespmem:v45+s15+$0x0], $0xffff  }
0xbf: {  	v47 =	vld.idx.msk [tilespmem:v45+s14+$0x0], $0xffff  }
0xc0: {  	v45 =	vld.idx.msk [tilespmem:v45+s13+$0x0], $0xffff;
	[tilespmem:$0x1FE50] =	vst v35  }
0xc1: {  	v35 =	vld.idx.msk [tilespmem:v43+s13+$0x0], $0xffff;
	[tilespmem:v38+s18+$0x0] =	vst.idx.msk $0xffff, v36  }
0xc2: {  	v36 =	vor.u32 s23, v29;
	v41 =	vld.idx.msk [tilespmem:v1+s17+$0x0], $0xffff  }
0xc3: {  	v43 =	vor.u32 $0x2, v42;
	_ =	sdelay $0x2  }
0xc4: {  	[tilespmem:$0x1FE40] =	vst v37;
	v38 =	vadd.f32 v34, v48  }
0xc5: {  	[tilespmem:v36+s18+$0x0] =	vst.idx.msk $0xffff, v41  }
0xc6: {  	v39 =	vmov v24;
	[tilespmem:$0x1FEE0] =	vst v38;
	v38 =	vor.u32 s23, v31;
	v37 =	vld.idx.msk [tilespmem:v43+s17+$0x0], $0xffff  }
0xc7: {  	v44 =	vmul.f32 v52, v0;
	v1 =	vmovc v0;
	v0 =	vmul.f32 v5, v24;
	v24 =	vadd.f32 v51, v48;
	_ =	sdelay $0x1  }
0xc8: {  	v30 =	vmul.f32 v54, v39  }
0xc9: {  	v33 =	vmul.f32 v55, v1;
	[tilespmem:$0x1FF00] =	vst v24;
	v0 =	vadd.f32 v0, v44;
	v44 =	vadd.f32 v51, v3  }
0xca: {  	v24 =	vmov v39;
	v39 =	vor.u32 $0x3, v42;
	[tilespmem:v38+s18+$0x0] =	vst.idx.msk $0xffff, v37;
	v38 =	vld [tilespmem:$0x1FF10]  }
0xcb: {  	v31 =	vmul.f32 v53, v2;
	v30 =	vadd.f32 v30, v33;
	v33 =	vadd.f32 v57, v48;
	[tilespmem:$0x1FEB0] =	vst v0  }
0xcc: {  	[tilespmem:$0x1FEF0] =	vst v44;
	v0 =	vmul.f32 v55, v60;
	v36 =	vadd.f32 v57, v3;
	v43 =	vadd.f32 v34, v3  }
0xcd: {  	[tilespmem:$0x1FED0] =	vst v33;
	v44 =	vmov v2;
	v2 =	vmul.f32 v54, v58;
	v37 =	vadd.f32 v57, v59  }
0xce: {  	v33 =	vmul.f32 v53, v6;
	[tilespmem:$0x1FE70] =	vst v43;
	v43 =	vadd.f32 v31, v30;
	v30 =	vadd.f32 v34, v59  }
0xcf: {  	v0 =	vadd.f32 v2, v0;
	[tilespmem:$0x1FEA0] =	vst v37;
	v37 =	vor.u32 s23, v38;
	v38 =	vld.idx.msk [tilespmem:v39+s17+$0x0], $0xffff;
	v39 =	vadd.f32 v57, v61  }
0xd0: {  	v31 =	vadd.f32 v51, v59;
	v51 =	vadd.f32 v51, v61;
	v2 =	vmul.f32 v50, v60;
	[tilespmem:$0x1FEC0] =	vst v43  }
0xd1: {  	v43 =	vadd.f32 v34, v61;
	[tilespmem:$0x1FE80] =	vst v39;
	v39 =	vadd.f32 v33, v0;
	v0 =	vmul.f32 v49, v58  }
0xd2: {  	[tilespmem:$0x1FE90] =	vst v51;
	v34 =	vadd.f32 v32, v3;
	v51 =	vadd.f32 v32, v48  }
0xd3: {  	v59 =	vadd.f32 v32, v59;
	v33 =	vor.u32 $0x4, v42;
	v0 =	vadd.f32 v0, v2  }
0xd4: {  	v2 =	vmul.f32 v54, v46;
	[tilespmem:v37+s18+$0x0] =	vst.idx.msk $0xffff, v38;
	v37 =	vmul.f32 v55, v40  }
0xd5: {  	v61 =	vadd.f32 v32, v61;
	v32 =	vmul.f32 v54, v63;
	v38 =	vmul.f32 v55, v35  }
0xd6: {  	v41 =	vmovc v1;
	v1 =	vld [tilespmem:$0x1FE30];
	v57 =	vmul.f32 v4, v6;
	v54 =	vmul.f32 v5, v63;
	v2 =	vadd.f32 v2, v37  }
0xd7: {  	v32 =	vadd.f32 v32, v38;
	v38 =	vmul.f32 v47, v63;
	v37 =	vmul.f32 v49, v63;
	v63 =	vld [tilespmem:$0x1FE40]  }
0xd8: {  	v48 =	vor.u32 s23, v10;
	v0 =	vadd.f32 v57, v0;
	v57 =	vmul.f32 v52, v35;
	v33 =	vld.idx.msk [tilespmem:v33+s17+$0x0], $0xffff  }
0xd9: {  	v3 =	vmul.f32 v53, v62  }
0xda: {  	v54 =	vadd.f32 v54, v57;
	v57 =	vmul.f32 v45, v35;
	v35 =	vmul.f32 v50, v35  }
0xdb: {  	v32 =	vadd.f32 v3, v32;
	v3 =	vmul.f32 v4, v62  }
0xdc: {  	v38 =	vadd.f32 v38, v57;
	v35 =	vadd.f32 v37, v35;
	v57 =	vmul.f32 v63, v62  }
0xdd: {  	[tilespmem:v48+s18+$0x0] =	vst.idx.msk $0xffff, v33;
	v33 =	vmul.f32 v1, v62;
	v62 =	vmul.f32 v45, v40  }
0xde: {  	v38 =	vadd.f32 v57, v38;
	v57 =	vadd.f32 v3, v35;
	v3 =	vmul.f32 v47, v46  }
0xdf: {  	v42 =	vor.u32 $0x5, v42;
	v33 =	vadd.f32 v33, v54  }
0xe0: {  	v32 =	vadd.f32 v32, v32;
	v35 =	vadd.f32 v3, v62;
	v62 =	vld [tilespmem:$0x1FE50]  }
0xe1: {  	v37 =	vmul.f32 v45, v60;
	v54 =	vmul.f32 v47, v58;
	v33 =	vadd.f32 v33, v33  }
0xe2: {  	v48 =	vor.u32 s23, v7;
	v32 =	vsub.f32 v30, v32;
	v38 =	vadd.f32 v38, v38  }
0xe3: {  	v7 =	vmul.f32 v63, v6;
	v30 =	vsub.f32 v31, v33;
	v31 =	vadd.f32 v54, v37  }
0xe4: {  	v42 =	vld.idx.msk [tilespmem:v42+s17+$0x0], $0xffff;
	v33 =	vsub.f32 v59, v38  }
0xe5: {  	v31 =	vadd.f32 v7, v31;
	v7 =	vmul.f32 v63, v62;
	v59 =	vmul.f32 v53, v62;
	v53 =	vmovc v62;
	v62 =	vld [tilespmem:$0x1FE60];
	_ =	sdelay $0x1  }
0xe6: {  	v55 =	vmul.f32 v5, v46;
	v0 =	vadd.f32 v0, v0  }
0xe7: {  	v39 =	vadd.f32 v39, v39;
	v54 =	vmul.f32 v52, v60;
	v52 =	vmul.f32 v52, v40  }
0xe8: {  	v36 =	vsub.f32 v36, v0;
	v40 =	vmul.f32 v50, v40;
	v60 =	vmul.f32 v49, v46  }
0xe9: {  	[tilespmem:v48+s18+$0x0] =	vst.idx.msk $0xffff, v42;
	v42 =	vmul.f32 v5, v58;
	v5 =	vadd.f32 v57, v57;
	v48 =	vshll.u32 v62, $0x3  }
0xea: {  	v40 =	vadd.f32 v60, v40;
	v7 =	vadd.f32 v7, v35  }
0xeb: {  	v47 =	vmul.f32 v47, v24;
	v2 =	vadd.f32 v59, v2;
	v35 =	vadd.f32 v55, v52;
	v55 =	vld [tilespmem:$0x1FE70]  }
0xec: {  	v49 =	vmul.f32 v49, v24;
	v31 =	vadd.f32 v31, v31;
	v0 =	vadd.f32 v7, v7  }
0xed: {  	v60 =	vor.u32 s23, v8;
	v58 =	vmul.f32 v4, v53;
	v2 =	vadd.f32 v2, v2  }
0xee: {  	v38 =	vsub.f32 v34, v31;
	v34 =	vsub.f32 v61, v0;
	v61 =	vmul.f32 v45, v41;
	v31 =	vld.idx.msk [tilespmem:v48+s17+$0x0], $0xffff  }
0xef: {  	v59 =	vadd.f32 v58, v40;
	v62 =	vmul.f32 v50, v41;
	v37 =	vsub.f32 v43, v2  }
0xf0: {  	v43 =	vmul.f32 v1, v53;
	v0 =	vadd.f32 v47, v61;
	v47 =	vsub.f32 v55, v39;
	v55 =	vld [tilespmem:$0x1FEB0]  }
0xf1: {  	v3 =	vmovc v1;
	v57 =	vld [tilespmem:$0x1FEC0];
	v52 =	vmovc v44;
	v53 =	vmul.f32 v63, v44;
	v2 =	vadd.f32 v59, v59;
	v59 =	vor.u32 $0x1, v48  }
0xf2: {  	v61 =	vadd.f32 v49, v62;
	v62 =	vmul.f32 v4, v52;
	v4 =	vmul.f32 v3, v6;
	v6 =	vld [tilespmem:$0x1FE90]  }
0xf3: {  	v63 =	vmul.f32 v3, v52;
	[tilespmem:v60+s18+$0x0] =	vst.idx.msk $0xffff, v31;
	v60 =	vld [tilespmem:$0x1FE80]  }
0xf4: {  	v58 =	vadd.f32 v43, v35;
	v0 =	vadd.f32 v53, v0;
	v53 =	vld [tilespmem:$0x1FEA0]  }
0xf5: {  	v41 =	vadd.f32 v63, v55;
	v63 =	vld [tilespmem:$0x1FF00]  }
0xf6: {  	v39 =	vadd.f32 v58, v58;
	v7 =	vld.idx.msk [tilespmem:v59+s17+$0x0], $0xffff  }
0xf7: {  	v0 =	vadd.f32 v0, v0;
	v31 =	vadd.f32 v42, v54;
	v59 =	vld [tilespmem:$0x1FED0]  }
0xf8: {  	v52 =	vor.u32 s23, v9;
	v35 =	vsub.f32 v60, v2;
	v2 =	vadd.f32 v62, v61;
	v61 =	vld [tilespmem:$0x1FEE0]  }
0xf9: {  	v58 =	vadd.f32 v57, v57;
	v42 =	vsub.f32 v6, v39;
	v54 =	vor.u32 $0x2, v48;
	v62 =	vld [tilespmem:$0x1FEF0]  }
0xfa: {  	v39 =	vsub.f32 v51, v0;
	v31 =	vadd.f32 v4, v31  }
0xfb: {  	v50 =	vsub.f32 v53, v5;
	v2 =	vadd.f32 v2, v2  }
0xfc: {  	v31 =	vadd.f32 v31, v31;
	v60 =	vadd.f32 v41, v41  }
0xfd: {  	v45 =	vor.u32 s23, v11;
	[tilespmem:v52+s18+$0x0] =	vst.idx.msk $0xffff, v7;
	v44 =	vsub.f32 v59, v2;
	v41 =	vsub.f32 v61, v58  }
0xfe: {  	s24 =	simm.s32 $0x1;
	s25 =	smov.u32 s22;
	v46 =	vor.u32 $0x3, v48;
	v40 =	vld.idx.msk [tilespmem:v54+s17+$0x0], $0xffff;
	v43 =	vsub.f32 v62, v31;
	v31 =	vsub.f32 v63, v60  }
.LBB2_7:
0xff: {  	_ =	sdelay $0x3  }
0x100: {  	[tilespmem:v45+s18+$0x0] =	vst.idx.msk $0xffff, v40  }
0x101: {  	v2 =	vor.u32 s23, v12;
	v0 =	vld.idx.msk [tilespmem:v46+s17+$0x0], $0xffff  }
0x102: {  	v51 =	vor.u32 $0x4, v48;
	_ =	sdelay $0x3  }
0x103: {  	[tilespmem:v2+s18+$0x0] =	vst.idx.msk $0xffff, v0  }
0x104: {  	v52 =	vor.u32 s23, v13;
	v0 =	vld.idx.msk [tilespmem:v51+s17+$0x0], $0xffff  }
0x105: {  	v53 =	vor.u32 $0x5, v48;
	_ =	sdelay $0x3  }
0x106: {  	[tilespmem:v52+s18+$0x0] =	vst.idx.msk $0xffff, v0  }
0x107: {  	v54 =	vor.u32 s23, v14;
	v0 =	vld.idx.msk [tilespmem:v53+s17+$0x0], $0xffff  }
0x108: {  	v55 =	vor.u32 s23, v15  }
0x109: {  	v57 =	vor.u32 s23, v16  }
0x10a: {  	v58 =	vor.u32 s23, v17  }
0x10b: {  	v59 =	vor.u32 s23, v18  }
0x10c: {  	v32 =	vmax.f32 v32, $0.0e+00;
	v60 =	vor.u32 s23, v21;
	[tilespmem:v54+s18+$0x0] =	vst.idx.msk $0xffff, v0  }
0x10d: {  	v61 =	vmax.f32 v50, $0.0e+00;
	v63 =	vor.u32 s23, v22;
	[tilespmem:v55+s18+$0x0] =	vst.idx.msk $0xffff, v32  }
0x10e: {  	v62 =	vmax.f32 v33, $0.0e+00;
	v45 =	vmax.f32 v30, $0.0e+00;
	v30 =	vor.u32 s23, v23;
	[tilespmem:v57+s18+$0x0] =	vst.idx.msk $0xffff, v61  }
0x10f: {  	v50 =	vor.u32 s23, v27;
	[tilespmem:v58+s18+$0x0] =	vst.idx.msk $0xffff, v62  }
0x110: {  	v49 =	vmax.f32 v47, $0.0e+00;
	v1 =	vld [tilespmem:$0x1FFE0];
	v52 =	vor.u32 s23, v25;
	[tilespmem:v59+s18+$0x0] =	vst.idx.msk $0xffff, v45  }
0x111: {  	v51 =	vmax.f32 v36, $0.0e+00;
	v54 =	vor.u32 s23, v26;
	v62 =	vld [tilespmem:$0x1FFD0];
	[tilespmem:v60+s18+$0x0] =	vst.idx.msk $0xffff, v49  }
0x112: {  	v40 =	vld [tilespmem:$0x1FFF0];
	v53 =	vmax.f32 v38, $0.0e+00;
	v55 =	vor.u32 s23, v56;
	[tilespmem:v63+s18+$0x0] =	vst.idx.msk $0xffff, v51  }
0x113: {  	v24 =	vmov v56;
	v56 =	vmax.f32 v43, $0.0e+00;
	v57 =	vor.u32 s23, v28;
	[tilespmem:v30+s18+$0x0] =	vst.idx.msk $0xffff, v53  }
0x114: {  	v59 =	vor.u32 s23, v20;
	v30 =	vmax.f32 v37, $0.0e+00;
	[tilespmem:v50+s18+$0x0] =	vst.idx.msk $0xffff, v56  }
0x115: {  	s26 =	smov.u32 s24;
	v58 =	vmax.f32 v35, $0.0e+00;
	v60 =	vor.u32 s23, v1;
	[tilespmem:v52+s18+$0x0] =	vst.idx.msk $0xffff, v30  }
0x116: {  	s0 =	sadd.s32 s26, s21;
	v63 =	vor.u32 s23, v62;
	v30 =	vmax.f32 v34, $0.0e+00;
	[tilespmem:v54+s18+$0x0] =	vst.idx.msk $0xffff, v58  }
0x117: {  	v61 =	vmax.f32 v42, $0.0e+00;
	v42 =	vor.u32 s23, v40;
	[tilespmem:v55+s18+$0x0] =	vst.idx.msk $0xffff, v30;
	v30 =	vmov s0  }
0x118: {  	v43 =	vmax.f32 v41, $0.0e+00;
	[tilespmem:v57+s18+$0x0] =	vst.idx.msk $0xffff, v61;
	v45 =	vshll.u32 v30, $0x4  }
0x119: {  	v44 =	vmax.f32 v44, $0.0e+00;
	[tilespmem:v59+s18+$0x0] =	vst.idx.msk $0xffff, v43  }
0x11a: {  	v46 =	vmax.f32 v39, $0.0e+00;
	v49 =	vor.u32 $0x3, v45;
	[tilespmem:v60+s18+$0x0] =	vst.idx.msk $0xffff, v44  }
0x11b: {  	v50 =	vmax.f32 v31, $0.0e+00;
	[tilespmem:v63+s18+$0x0] =	vst.idx.msk $0xffff, v46  }
0x11c: {  	[tilespmem:v42+s18+$0x0] =	vst.idx.msk $0xffff, v50  }
0x11d: {  	s25 =	sadd.s32 $0x10, s25;
	v35 =	vshll.u32 v30, $0x3;
	v56 =	vld.idx.msk [tilespmem:v45+s11+$0x0], $0xffff  }
0x11e: {  	v48 =	vor.u32 $0x2, v45;
	v51 =	vld [tilespmem:s25+$0x0]  }
0x11f: {  	v47 =	vor.u32 $0x1, v45;
	v0 =	vld.idx.msk [tilespmem:v49+s11+$0x0], $0xffff;
	_ =	sdelay $0x2  }
0x120: {  	v30 =	vld.idx.msk [tilespmem:v35+s17+$0x0], $0xffff  }
0x121: {  	v38 =	vld.idx.msk [tilespmem:v48+s11+$0x0], $0xffff  }
0x122: {  	v37 =	vld.idx.msk [tilespmem:v47+s11+$0x0], $0xffff;
	v52 =	vshll.u32 v51, $0x4  }
0x123: {  	v3 =	vld.idx.msk [tilespmem:v56+s16+$0x0], $0xffff  }
0x124: {  	v53 =	vor.u32 $0x3, v52;
	v10 =	vld.idx.msk [tilespmem:v56+s14+$0x0], $0xffff  }
0x125: {  	v58 =	vld.idx.msk [tilespmem:v0+s16+$0x0], $0xffff  }
0x126: {  	v34 =	vld.idx.msk [tilespmem:v0+s14+$0x0], $0xffff  }
0x127: {  	v2 =	vld.idx.msk [tilespmem:v52+s11+$0x0], $0xffff  }
0x128: {  	v60 =	vor.u32 $0x1, v52;
	v39 =	vld.idx.msk [tilespmem:v0+s15+$0x0], $0xffff  }
0x129: {  	v61 =	vor.u32 $0x2, v52;
	v32 =	vld.idx.msk [tilespmem:v53+s11+$0x0], $0xffff  }
0x12a: {  	v42 =	vld.idx.msk [tilespmem:v0+s13+$0x0], $0xffff  }
0x12b: {  	v1 =	vld.idx.msk [tilespmem:v37+s14+$0x0], $0xffff  }
0x12c: {  	v8 =	vld.idx.msk [tilespmem:v38+s15+$0x0], $0xffff  }
0x12d: {  	v55 =	vld.idx.msk [tilespmem:v60+s11+$0x0], $0xffff  }
0x12e: {  	v57 =	vld.idx.msk [tilespmem:v61+s11+$0x0], $0xffff  }
0x12f: {  	v0 =	vld.idx.msk [tilespmem:v2+s16+$0x0], $0xffff  }
0x130: {  	v61 =	vld.idx.msk [tilespmem:v2+s15+$0x0], $0xffff  }
0x131: {  	v59 =	vld.idx.msk [tilespmem:v32+s16+$0x0], $0xffff  }
0x132: {  	v33 =	vld.idx.msk [tilespmem:v32+s13+$0x0], $0xffff  }
0x133: {  	v60 =	vld.idx.msk [tilespmem:v32+s15+$0x0], $0xffff  }
0x134: {  	v36 =	vld.idx.msk [tilespmem:v32+s14+$0x0], $0xffff  }
0x135: {  	v32 =	vld.idx.msk [tilespmem:v2+s14+$0x0], $0xffff  }
0x136: {  	v2 =	vld.idx.msk [tilespmem:v2+s13+$0x0], $0xffff;
	v63 =	vadd.f32 v59, v58  }
0x137: {  	v54 =	vld.idx.msk [tilespmem:v55+s16+$0x0], $0xffff  }
0x138: {  	v62 =	vadd.f32 v0, v58;
	[tilespmem:$0x1FE20] =	vst v63;
	v63 =	vld.idx.msk [tilespmem:v37+s15+$0x0], $0xffff  }
0x139: {  	v52 =	vld.idx.msk [tilespmem:v55+s15+$0x0], $0xffff  }
0x13a: {  	v44 =	vmul.f32 v33, v42;
	v41 =	vmul.f32 v36, v34;
	[tilespmem:$0x1FDE0] =	vst v62;
	v62 =	vld.idx.msk [tilespmem:v37+s16+$0x0], $0xffff  }
0x13b: {  	v13 =	vld.idx.msk [tilespmem:v57+s16+$0x0], $0xffff  }
0x13c: {  	v15 =	vld.idx.msk [tilespmem:v55+s13+$0x0], $0xffff;
	v4 =	vadd.f32 v41, v44  }
0x13d: {  	[tilespmem:$0x1FDC0] =	vst v51;
	v16 =	vld.idx.msk [tilespmem:v55+s14+$0x0], $0xffff;
	v7 =	vmul.f32 v60, v63  }
0x13e: {  	v40 =	vmul.f32 v60, v39;
	v37 =	vld.idx.msk [tilespmem:v37+s13+$0x0], $0xffff;
	[tilespmem:$0x1FE00] =	vst v4  }
0x13f: {  	v4 =	vld.idx.msk [tilespmem:v38+s16+$0x0], $0xffff;
	[tilespmem:$0x1FD90] =	vst v7;
	v7 =	vadd.f32 v54, v62  }
0x140: {  	v49 =	vmul.f32 v61, v39;
	v46 =	vadd.f32 v0, v3;
	v31 =	vadd.f32 v54, v3;
	[tilespmem:$0x1FDF0] =	vst v40  }
0x141: {  	v43 =	vmul.f32 v32, v34;
	v51 =	vmul.f32 v2, v42;
	[tilespmem:$0x1FD40] =	vst v7;
	v7 =	vadd.f32 v54, v58  }
0x142: {  	v9 =	vmul.f32 v32, v1;
	v47 =	vadd.f32 v59, v3;
	[tilespmem:$0x1FDA0] =	vst v31;
	v5 =	vadd.f32 v0, v62  }
0x143: {  	v50 =	vadd.f32 v43, v51;
	v40 =	vmov v22;
	v22 =	vld.idx.msk [tilespmem:v38+s14+$0x0], $0xffff;
	[tilespmem:$0x1FDD0] =	vst v7;
	v7 =	vmul.f32 v36, v1  }
0x144: {  	v14 =	vmul.f32 v2, v37;
	[tilespmem:$0x1FD50] =	vst v5;
	v5 =	vadd.f32 v59, v62;
	v55 =	vadd.f32 v59, v4  }
0x145: {  	v59 =	vadd.f32 v13, v62;
	v62 =	vld.idx.msk [tilespmem:v57+s14+$0x0], $0xffff;
	[tilespmem:$0x1FD70] =	vst v7;
	v7 =	vadd.f32 v49, v50  }
0x146: {  	v44 =	vmovc v27;
	v43 =	vmov v21;
	v41 =	vmov v23;
	v6 =	vmul.f32 v61, v63;
	[tilespmem:$0x1FE10] =	vst v5;
	v5 =	vld.idx.msk [tilespmem:v56+s15+$0x0], $0xffff  }
0x147: {  	v31 =	vmovc v25;
	v25 =	vmul.f32 v32, v10;
	v27 =	vmul.f32 v16, v10;
	v9 =	vadd.f32 v9, v14  }
0x148: {  	s23 =	sshll.u32 s26, $0x9;
	v38 =	vld.idx.msk [tilespmem:v38+s13+$0x0], $0xffff;
	v12 =	vmul.f32 v33, v37;
	v21 =	vmul.f32 v52, v63;
	v45 =	vadd.f32 v54, v4  }
0x149: {  	v23 =	vor.u32 $0x1, v35;
	v14 =	vld.idx.msk [tilespmem:v57+s15+$0x0], $0xffff;
	v48 =	vadd.f32 v6, v9;
	[tilespmem:$0x1FDB0] =	vst v7;
	v7 =	vmovc v19;
	v19 =	vor.u32 s23, v19  }
0x14a: {  	[tilespmem:$0x1FD80] =	vst v12;
	v9 =	vld.idx.msk [tilespmem:v56+s13+$0x0], $0xffff;
	v56 =	vmul.f32 v36, v10;
	v6 =	vmov v26;
	v26 =	vmul.f32 v15, v37  }
0x14b: {  	v53 =	vmov v17;
	v57 =	vld.idx.msk [tilespmem:v57+s13+$0x0], $0xffff;
	[tilespmem:$0x1FD60] =	vst v45;
	v10 =	vmul.f32 v62, v10;
	v17 =	vmul.f32 v61, v5  }
0x14c: {  	v54 =	vmovc v18;
	v45 =	vadd.f32 v13, v4;
	v18 =	vmul.f32 v60, v5;
	v12 =	vmul.f32 v52, v5  }
0x14d: {  	v50 =	vmovc v11;
	v49 =	vmul.f32 v52, v8;
	v60 =	vmul.f32 v60, v8;
	v11 =	vadd.f32 v13, v3  }
0x14e: {  	v3 =	vmovc v24;
	v24 =	vmov v20;
	v20 =	vmov v28;
	v28 =	vmul.f32 v16, v1;
	[tilespmem:v19+s18+$0x0] =	vst.idx.msk $0xffff, v30  }
0x14f: {  	v13 =	vadd.f32 v13, v58;
	v58 =	vmul.f32 v14, v63;
	v19 =	vor.u32 s23, v29;
	v23 =	vld.idx.msk [tilespmem:v23+s17+$0x0], $0xffff  }
0x150: {  	v51 =	vadd.f32 v0, v4;
	v63 =	vmul.f32 v14, v8;
	v1 =	vmul.f32 v62, v1  }
0x151: {  	v0 =	vmul.f32 v33, v9;
	v26 =	vadd.f32 v28, v26;
	v28 =	vmul.f32 v32, v22  }
0x152: {  	v32 =	vmul.f32 v2, v38;
	v2 =	vmul.f32 v2, v9  }
0x153: {  	v0 =	vadd.f32 v56, v0;
	v21 =	vadd.f32 v21, v26;
	v26 =	vmul.f32 v15, v9  }
0x154: {  	v2 =	vadd.f32 v25, v2;
	v9 =	vmul.f32 v57, v9;
	v30 =	vor.u32 $0x2, v35;
	[tilespmem:v19+s18+$0x0] =	vst.idx.msk $0xffff, v23;
	v19 =	vld [tilespmem:$0x1FFC0]  }
0x155: {  	v28 =	vadd.f32 v28, v32;
	v25 =	vmul.f32 v57, v37;
	v0 =	vadd.f32 v18, v0  }
0x156: {  	v8 =	vmul.f32 v61, v8;
	v2 =	vadd.f32 v17, v2;
	v9 =	vadd.f32 v10, v9  }
0x157: {  	v5 =	vmul.f32 v14, v5;
	v17 =	vadd.f32 v27, v26;
	v1 =	vadd.f32 v1, v25  }
0x158: {  	v18 =	vmul.f32 v57, v38;
	v8 =	vadd.f32 v8, v28;
	v0 =	vadd.f32 v0, v0  }
0x159: {  	v2 =	vadd.f32 v2, v2;
	v5 =	vadd.f32 v5, v9;
	v10 =	vld.idx.msk [tilespmem:v30+s17+$0x0], $0xffff;
	v19 =	vor.u32 s23, v19  }
0x15a: {  	v4 =	vmovc v29;
	v9 =	vadd.f32 v12, v17;
	v17 =	vmul.f32 v62, v22;
	v8 =	vadd.f32 v8, v8  }
0x15b: {  	v26 =	vmovc v6;
	v6 =	vld [tilespmem:$0x1FD40];
	v29 =	vmul.f32 v15, v38;
	v37 =	vadd.f32 v5, v5;
	v5 =	vmul.f32 v16, v22  }
0x15c: {  	v32 =	vsub.f32 v46, v2;
	v46 =	vmul.f32 v33, v38;
	v16 =	vmul.f32 v16, v34  }
0x15d: {  	v12 =	vld [tilespmem:$0x1FF10];
	v33 =	vsub.f32 v11, v37;
	v5 =	vadd.f32 v5, v29;
	v23 =	vor.u32 $0x3, v35  }
0x15e: {  	v11 =	vadd.f32 v17, v18;
	[tilespmem:v19+s18+$0x0] =	vst.idx.msk $0xffff, v10;
	v10 =	vadd.f32 v21, v21;
	v21 =	vmov v43;
	v43 =	vld [tilespmem:$0x1FD60]  }
0x15f: {  	v29 =	vmovc v4;
	v4 =	vmul.f32 v15, v42;
	v5 =	vadd.f32 v49, v5;
	v30 =	vsub.f32 v47, v0  }
0x160: {  	v47 =	vmul.f32 v36, v22;
	v36 =	vsub.f32 v6, v10;
	v10 =	vadd.f32 v63, v11  }
0x161: {  	v27 =	vmov v44;
	v44 =	vadd.f32 v16, v4;
	v4 =	vld [tilespmem:$0x1FD70];
	v5 =	vadd.f32 v5, v5  }
0x162: {  	v18 =	vor.u32 $0x4, v35;
	v61 =	vor.u32 s23, v12;
	v12 =	vld.idx.msk [tilespmem:v23+s17+$0x0], $0xffff;
	v10 =	vadd.f32 v10, v10  }
0x163: {  	v37 =	vsub.f32 v51, v8;
	v8 =	vor.u32 $0x5, v35;
	v35 =	vsub.f32 v43, v5;
	v5 =	vld [tilespmem:$0x1FD80]  }
0x164: {  	v0 =	vadd.f32 v47, v46;
	v11 =	vmul.f32 v62, v34;
	v34 =	vsub.f32 v45, v10;
	v10 =	vld [tilespmem:$0x1FF80]  }
0x165: {  	v1 =	vadd.f32 v58, v1;
	v17 =	vmul.f32 v57, v42;
	v45 =	vld [tilespmem:$0x1FD90]  }
0x166: {  	v0 =	vadd.f32 v60, v0  }
0x167: {  	v1 =	vadd.f32 v1, v1;
	v62 =	vmul.f32 v14, v39;
	v42 =	vadd.f32 v11, v17  }
0x168: {  	v0 =	vadd.f32 v0, v0;
	[tilespmem:v61+s18+$0x0] =	vst.idx.msk $0xffff, v12;
	v4 =	vadd.f32 v4, v5  }
0x169: {  	v38 =	vsub.f32 v59, v1;
	v19 =	vmovc v7;
	v1 =	vadd.f32 v62, v42;
	v7 =	vld.idx.msk [tilespmem:v18+s17+$0x0], $0xffff;
	v63 =	vor.u32 s23, v10  }
0x16a: {  	v42 =	vsub.f32 v55, v0;
	v0 =	vadd.f32 v45, v4;
	v4 =	vld [tilespmem:$0x1FDA0];
	_ =	sdelay $0x2  }
0x16b: {  	v9 =	vadd.f32 v9, v9;
	v6 =	vld [tilespmem:$0x1FD50]  }
0x16c: {  	[tilespmem:v63+s18+$0x0] =	vst.idx.msk $0xffff, v7;
	v7 =	vld [tilespmem:$0x1FF60]  }
0x16d: {  	v11 =	vmov v50;
	v50 =	vsub.f32 v4, v9;
	v4 =	vld [tilespmem:$0x1FDB0]  }
0x16e: {  	v5 =	vld [tilespmem:$0x1FDC0]  }
0x16f: {  	v48 =	vadd.f32 v48, v48;
	v18 =	vmov v54;
	v54 =	vld [tilespmem:$0x1FDE0];
	_ =	sdelay $0x1  }
0x170: {  	v55 =	vld [tilespmem:$0x1FDF0];
	v47 =	vsub.f32 v6, v48  }
0x171: {  	v17 =	vmovc v53;
	v6 =	vmul.f32 v52, v39;
	v52 =	vld.idx.msk [tilespmem:v8+s17+$0x0], $0xffff;
	v53 =	vor.u32 s23, v7;
	v4 =	vadd.f32 v4, v4  }
0x172: {  	v48 =	vshll.u32 v5, $0x3;
	v8 =	vld [tilespmem:$0x1FF40]  }
0x173: {  	v23 =	vmov v41;
	v41 =	vsub.f32 v54, v4;
	v4 =	vld [tilespmem:$0x1FE00];
	_ =	sdelay $0x2  }
0x174: {  	v1 =	vadd.f32 v1, v1;
	v9 =	vld [tilespmem:$0x1FF30];
	[tilespmem:v53+s18+$0x0] =	vst.idx.msk $0xffff, v52  }
0x175: {  	v60 =	vor.u32 s23, v8;
	v59 =	vld.idx.msk [tilespmem:v48+s17+$0x0], $0xffff  }
0x176: {  	v39 =	vsub.f32 v13, v1;
	v61 =	vor.u32 $0x1, v48;
	v1 =	vadd.f32 v55, v4;
	v4 =	vld [tilespmem:$0x1FE10];
	_ =	sdelay $0x2  }
0x177: {  	v58 =	vld [tilespmem:$0x1FE20];
	v0 =	vadd.f32 v0, v0  }
0x178: {  	v15 =	vld [tilespmem:$0x1FFA0];
	[tilespmem:v60+s18+$0x0] =	vst.idx.msk $0xffff, v59  }
0x179: {  	v62 =	vor.u32 s23, v9;
	v43 =	vsub.f32 v4, v0;
	v0 =	vld.idx.msk [tilespmem:v61+s17+$0x0], $0xffff  }
0x17a: {  	p0 =	sne.s32 s24, $0xF;
	v5 =	vld [tilespmem:$0x1FDD0];
	v63 =	vor.u32 $0x2, v48  }
.Ltmp3:
0x17b: {  	v16 =	vld [tilespmem:$0x1FF90];
	v2 =	vadd.f32 v6, v44;
	(pc) =	sbr.rel @p0 .LBB2_7-.Ltmp3, $4  }
0x17c: {  	v14 =	vld [tilespmem:$0x1FFB0]  }
0x17d: {  	v12 =	vld [tilespmem:$0x1FF70];
	v46 =	vadd.f32 v2, v2;
	v57 =	vadd.f32 v1, v1  }
0x17e: {  	v56 =	vmovc v3;
	v25 =	vmovc v31;
	v28 =	vmov v20;
	v20 =	vmov v24;
	v13 =	vld [tilespmem:$0x1FF50];
	v45 =	vor.u32 s23, v11;
	[tilespmem:v62+s18+$0x0] =	vst.idx.msk $0xffff, v0  }
0x17f: {  	s24 =	sadd.s32 $0x1, s24;
	v22 =	vmovc v40;
	v44 =	vsub.f32 v5, v46;
	v46 =	vor.u32 $0x3, v48;
	v31 =	vsub.f32 v58, v57;
	v40 =	vld.idx.msk [tilespmem:v63+s17+$0x0], $0xffff  }
0x180: {  	_ =	sdelay $0x3  }
0x181: {  	[tilespmem:v45+s18+$0x0] =	vst.idx.msk $0xffff, v40  }
0x182: {  	v1 =	vor.u32 s23, v12;
	v0 =	vld.idx.msk [tilespmem:v46+s17+$0x0], $0xffff  }
0x183: {  	v2 =	vor.u32 $0x4, v48;
	_ =	sdelay $0x3  }
0x184: {  	[tilespmem:v1+s18+$0x0] =	vst.idx.msk $0xffff, v0  }
0x185: {  	v1 =	vor.u32 s23, v13;
	v0 =	vld.idx.msk [tilespmem:v2+s17+$0x0], $0xffff  }
0x186: {  	v2 =	vor.u32 $0x5, v48;
	_ =	sdelay $0x3  }
0x187: {  	[tilespmem:v1+s18+$0x0] =	vst.idx.msk $0xffff, v0  }
0x188: {  	v1 =	vor.u32 s23, v14;
	v0 =	vld.idx.msk [tilespmem:v2+s17+$0x0], $0xffff  }
0x189: {  	v2 =	vor.u32 s23, v15  }
0x18a: {  	v3 =	vor.u32 s23, v16  }
0x18b: {  	v4 =	vor.u32 s23, v17  }
0x18c: {  	v5 =	vor.u32 s23, v18  }
0x18d: {  	v6 =	vmax.f32 v32, $0.0e+00;
	[tilespmem:v1+s18+$0x0] =	vst.idx.msk $0xffff, v0;
	v0 =	vor.u32 s23, v21  }
0x18e: {  	v1 =	vmax.f32 v50, $0.0e+00;
	[tilespmem:v2+s18+$0x0] =	vst.idx.msk $0xffff, v6;
	v2 =	vor.u32 s23, v22  }
0x18f: {  	v6 =	vmax.f32 v33, $0.0e+00;
	[tilespmem:v3+s18+$0x0] =	vst.idx.msk $0xffff, v1;
	v1 =	vor.u32 s23, v23  }
0x190: {  	v3 =	vmax.f32 v30, $0.0e+00;
	[tilespmem:v4+s18+$0x0] =	vst.idx.msk $0xffff, v6;
	v4 =	vor.u32 s23, v27  }
0x191: {  	v6 =	vmax.f32 v47, $0.0e+00;
	[tilespmem:v5+s18+$0x0] =	vst.idx.msk $0xffff, v3;
	v3 =	vor.u32 s23, v25  }
0x192: {  	v5 =	vmax.f32 v36, $0.0e+00;
	[tilespmem:v0+s18+$0x0] =	vst.idx.msk $0xffff, v6;
	v0 =	vor.u32 s23, v26  }
0x193: {  	v6 =	vmax.f32 v38, $0.0e+00;
	[tilespmem:v2+s18+$0x0] =	vst.idx.msk $0xffff, v5;
	v2 =	vor.u32 s23, v56  }
0x194: {  	[tilespmem:v1+s18+$0x0] =	vst.idx.msk $0xffff, v6;
	v1 =	vmax.f32 v43, $0.0e+00  }
0x195: {  	v6 =	vmax.f32 v37, $0.0e+00;
	[tilespmem:v4+s18+$0x0] =	vst.idx.msk $0xffff, v1  }
0x196: {  	v30 =	vld [tilespmem:$0x1FFE0];
	v4 =	vmax.f32 v35, $0.0e+00;
	[tilespmem:v3+s18+$0x0] =	vst.idx.msk $0xffff, v6  }
0x197: {  	v24 =	vld [tilespmem:$0x1FFD0];
	v6 =	vmax.f32 v34, $0.0e+00;
	[tilespmem:v0+s18+$0x0] =	vst.idx.msk $0xffff, v4  }
0x198: {  	[tilespmem:v2+s18+$0x0] =	vst.idx.msk $0xffff, v6;
	v6 =	vld [tilespmem:$0x1FFF0]  }
0x199: {  	v5 =	vor.u32 s23, v28  }
0x19a: {  	v1 =	vor.u32 s23, v20  }
0x19b: {  	v3 =	vor.u32 s23, v30  }
0x19c: {  	v0 =	vor.u32 s23, v24  }
0x19d: {  	v4 =	vmax.f32 v42, $0.0e+00;
	v2 =	vor.u32 s23, v6  }
0x19e: {  	[tilespmem:v5+s18+$0x0] =	vst.idx.msk $0xffff, v4;
	v4 =	vmax.f32 v41, $0.0e+00  }
0x19f: {  	v5 =	vmax.f32 v44, $0.0e+00;
	[tilespmem:v1+s18+$0x0] =	vst.idx.msk $0xffff, v4  }
0x1a0: {  	s0 =	sshll.u32 s20, $0xA;
	s20 =	sadd.s32 $0x1, s20;
	v1 =	vmax.f32 v39, $0.0e+00;
	[tilespmem:v3+s18+$0x0] =	vst.idx.msk $0xffff, v5  }
0x1a1: {  	p0 =	sne.s32 s20, $0x20;
	[tilespmem:v0+s18+$0x0] =	vst.idx.msk $0xffff, v1;
	v0 =	vmax.f32 v31, $0.0e+00  }
.Ltmp4:
0x1a2: {  	s0 =	sadd.s32 s0, s6;
	[tilespmem:v2+s18+$0x0] =	vst.idx.msk $0xffff, v0;
	(pc) =	sbr.rel @p0 .LBB2_6-.Ltmp4, $4  }
0x1a3: {  	[hbm4b:s0+s2] =	stream.linear.scatter [tilespmem:s18], [sflag:$0x1], $0x2000, $0x38;
	[tilespmem:$0x1C000] =	vst v63  }
0x1a4: {  	_ =	swait.ge [sflag:s10], $0x2000  }
0x1a5: {  	[sflag:s10] =	ssyncset.done $0x0  }
0x1a6: {  	s22 =	sadd.s32 $0x100, s22;
	s21 =	sadd.s32 $0x10, s21;
	v2 =	vld [tilespmem:$0x1FFC0];
	[sflag:s10] =	ssyncadd.s32 $0xFFFFE000  }
0x1a7: {  	s19 =	sadd.s32 $0x1, s19  }
0x1a8: {  	p0 =	sne.s32 s19, s7  }
.Ltmp5:
0x1a9: {  	_ = 	snop;
	(pc) =	sbr.rel @p0 .LBB2_1-.Ltmp5, $2  }
0x1aa: {  	_ =	sdelay $0x2  }
0x1ab: {  	v0 =	vlaneseq.u32;
	v1 =	vld [tilespmem:$0x1FF20]  }
0x1ac: {  	_ =	sfence.sel $0x180000  }
0x1ad: {  	[bflag:$0x0] =	sbarrier.arrive $0xFFFF  }
0x1ae: {  	_ =	strace $0x9000004A  }
0x1af: {  	[bflag:$0x2] =	sbarrier.arrive $0xFFFF  }
0x1b0: {  	p0 =	sne.s32 s1, $0x0;
	s0 =	rddreg [dreg:$0x2]  }
0x1b1: {  	s0 =	sadd.s32 @!p0 $0x100000, s0  }
0x1b2: {  	[sflag:s0] =	ssyncadd.tile.s32 @!p0 $0x1;
	_ =	shalt  }
.Lfunc_end2:
_tile_overlayer_lowered:
.L_overlay_start_2:
0x1b3: {  	(tag) =	ssettag $0x2  }
0x1b4: {  	s0 =	rddreg [dreg:$0x0];
	s2 =	stileid.u32  }
0x1b5: {  	s1 =	rddreg [dreg:$0x1];
	p0 =	sne.s32 s2, $0x0  }
0x1b6: {  	s3 =	rddreg [dreg:$0x2];
	[bflag:$0x3] =	sbarrier.arrive $0xFFFF;
	s2 =	simm.s32 @!p0 $0x1C01  }
0x1b7: {  	[timem:s3], [sflag:s2] =	dma.local @!p0 [hbm:s0], s1  }
0x1b8: {  	s0 =	simm.s32 @!p0 $0x1  }
0x1b9: {  	_ =	swait.ge @!p0 [sflag:s0], s1  }
0x1ba: {  	s1 =	ssub.s32 @!p0 $0x0, s1;
	[sflag:s0] =	ssyncset.done @!p0 $0x0  }
0x1bb: {  	[sflag:s0] =	ssyncadd.s32 @!p0 s1  }
0x1bc: {  	[bflag:$0x3] =	sbarrier.arrive $0xFFFF  }
0x1bd: {  	_ =	shalt  }

</sc_bundles>
